<compile_context>
chip_gen: v7x
topology: tpu7x:2x2x1
jax: 0.10.2.dev20260603
libtpu: 0.0.44.dev20260713+nightly
codegen_flags: <defaults>
</compile_context>

<pallas_src>
import functools

import jax
import jax.numpy as jnp
from jax import lax
from jax.experimental import pallas as pl
from jax.experimental.pallas import tpu as pltpu
from jax.experimental.pallas import tpu_sc as plsc

VOCAB = 1000
EMBED = 128
BATCH = 16384
SEQ = 20

NC = 2
NS = 16
LANES = 16
NW = NC * NS

NWORD = EMBED // 2
TPW = BATCH // NW
GROUPS = TPW // LANES
FUNROLL = 8


def _fold_body(emb_ref, w_ref, b_ref, out_ref):
    tbl = emb_ref[...]
    rid = lax.broadcasted_iota(jnp.int32, tbl.shape, 0)
    tbl = jnp.where(rid == 0, 0.0, tbl)
    t2 = lax.dot_general(tbl, w_ref[...], (((1,), (1,)), ((), ())),
                         preferred_element_type=jnp.float32)
    t2 = (t2 + b_ref[...]) * (1.0 / SEQ)
    bits = pltpu.bitcast(t2, jnp.int32) + 0x8000
    packed = jnp.bitwise_or(
        lax.shift_right_logical(bits[:, :NWORD], 16),
        jnp.bitwise_and(bits[:, NWORD:], jnp.int32(-65536)))
    out_ref[...] = packed


_fold = pl.pallas_call(
    _fold_body,
    out_shape=jax.ShapeDtypeStruct((VOCAB, NWORD), jnp.int32),
)


def _gather_body(t2_hbm, tok_hbm, out_hbm, table_v, tok_v,
                 stage0_v, stage1_v, osems):
    c = lax.axis_index("c")
    s = lax.axis_index("s")
    w = s * NC + c
    pltpu.sync_copy(t2_hbm, table_v)
    pltpu.sync_copy(tok_hbm.at[pl.ds(w * (TPW * SEQ), TPW * SEQ)], tok_v)

    piota = lax.iota(jnp.int32, LANES)
    prot = piota * 9
    stages = (stage0_v, stage1_v)

    def _out_dma(g, buf):
        return pltpu.make_async_copy(
            stages[buf],
            out_hbm.at[pl.ds(w * TPW + g * LANES, LANES), :],
            osems.at[buf])

    def th_body(th, carry):
        for ii in range(2):
            g = th * 2 + ii

            @pl.when(th >= 1)
            def _wait_prev(g=g, ii=ii):
                _out_dma(g - 2, ii).wait()

            tokrow = g * (LANES * SEQ) + piota * SEQ
            tb = [lax.shift_left(plsc.load_gather(tok_v, [tokrow + l]), 6)
                  for l in range(SEQ)]

            def f_body(f, carry2, tb=tb, ii=ii):
                for u in range(FUNROLL):
                    fw = f * FUNROLL + u
                    fvec = jnp.bitwise_and(fw + prot, NWORD - 1)
                    vals = [plsc.bitcast(
                                plsc.load_gather(table_v, [tb[l] + fvec]),
                                jnp.bfloat16)
                            for l in range(SEQ)]
                    while len(vals) > 1:
                        nxt = [vals[i] + vals[i + 1]
                               for i in range(0, len(vals) - 1, 2)]
                        if len(vals) % 2:
                            nxt.append(vals[-1])
                        vals = nxt
                    a = plsc.bitcast(vals[0], jnp.int32)
                    lo = plsc.bitcast(lax.shift_left(a, 16), jnp.float32)
                    hi = plsc.bitcast(
                        jnp.bitwise_and(a, jnp.int32(-65536)), jnp.float32)
                    plsc.store_scatter(stages[ii], [piota, fvec], lo)
                    plsc.store_scatter(stages[ii], [piota, fvec + NWORD],
                                       hi)
                return carry2

            lax.fori_loop(0, NWORD // FUNROLL, f_body, 0)
            _out_dma(g, ii).start()
        return carry

    lax.fori_loop(0, GROUPS // 2, th_body, 0)
    _out_dma(GROUPS - 2, 0).wait()
    _out_dma(GROUPS - 1, 1).wait()


_gather = functools.partial(
    pl.kernel,
    out_type=jax.ShapeDtypeStruct((BATCH, EMBED), jnp.float32),
    mesh=plsc.VectorSubcoreMesh(core_axis_name="c", subcore_axis_name="s",
                                num_cores=NC, num_subcores=NS),
    scratch_types=[
        pltpu.VMEM((VOCAB * NWORD,), jnp.int32),
        pltpu.VMEM((TPW * SEQ,), jnp.int32),
        pltpu.VMEM((LANES, EMBED), jnp.float32),
        pltpu.VMEM((LANES, EMBED), jnp.float32),
        pltpu.SemaphoreType.DMA((2,)),
    ],
    compiler_params=pltpu.CompilerParams(needs_layout_passes=False,
                                         use_tc_tiling_on_sc=False),
)(_gather_body)


def kernel(tokens, emb_table, W, b):
    packed = _fold(emb_table, W, b.reshape(1, EMBED))
    return _gather(packed.reshape(-1), tokens.astype(jnp.int32).reshape(-1))

# --- scband reference (transcript-rebuilt; emitter-appended) ---
"""Pipeline reference for scband-text-encoder-4071628996750 (READ-ONLY COPY).

The authoritative reference and input builder live on the scoring server;
editing this copy changes nothing except your own understanding.
"""

import jax, jax.numpy as jnp
import numpy as np

VOCAB = 1000
EMBED_DIM = 128
OUTPUT_DIM = 128
BATCH = 16384
SEQ_LEN = 20

def setup_inputs(seed: int = 0) -> dict:
    key = jax.random.key(seed)
    k_tok, k_emb, k_w, k_b = jax.random.split(key, 4)
    tokens = jax.random.randint(k_tok, (BATCH, SEQ_LEN), 0, VOCAB, dtype=jnp.int64 if jax.config.read('jax_enable_x64') else jnp.int32)
    emb_table = jax.random.normal(k_emb, (VOCAB, EMBED_DIM), dtype=jnp.float32)
    # padding_idx=0: torch zeros row 0 at init
    emb_table = emb_table.at[0].set(0.0)
    # torch Linear default init: U(-1/sqrt(fan_in), 1/sqrt(fan_in))
    bound = 1.0 / np.sqrt(EMBED_DIM)
    W = jax.random.uniform(k_w, (OUTPUT_DIM, EMBED_DIM), minval=-bound, maxval=bound, dtype=jnp.float32)
    b = jax.random.uniform(k_b, (OUTPUT_DIM,), minval=-bound, maxval=bound, dtype=jnp.float32)
    return {"tokens": tokens, "emb_table": emb_table, "W": W, "b": b}

def reference(tokens, emb_table, W, b):
    # enforce padding row zero (padding_idx=0 semantics)
    table = emb_table.at[0].set(0.0)
    embedded = jnp.take(table, tokens, axis=0)          # [B, L, E]
    pooled = jnp.mean(embedded, axis=1)                 # [B, E]
    output = pooled @ W.T + b                           # [B, O]
    return output

if __name__ == "__main__":
    import jax
    _d = setup_inputs()
    print(jax.jit(kernel)(*tuple(_d.values())))

</pallas_src>

<mosaic_0001>
#map = affine_map<(d0, d1) -> (0)>
#map1 = affine_map<(d0, d1) -> (0, 0)>
module attributes {stable_mosaic.version = 14 : i64} {
  func.func @_gather_body(%arg0: i32, %arg1: i32, %arg2: memref<64000xi32, #tpu.memory_space<hbm>>, %arg3: memref<327680xi32, #tpu.memory_space<hbm>>, %arg4: memref<16384x128xf32, #tpu.memory_space<hbm>>, %arg5: memref<64000xi32, #tpu.memory_space<vmem>>, %arg6: memref<10240xi32, #tpu.memory_space<vmem>>, %arg7: memref<16x128xf32, #tpu.memory_space<vmem>>, %arg8: memref<16x128xf32, #tpu.memory_space<vmem>>, %arg9: memref<2x!tpu.dma_semaphore, #tpu.memory_space<semaphore_mem>>) attributes {dimension_semantics = [#tpu.dimension_semantics<core_parallel>, #tpu.dimension_semantics<subcore_parallel>], iteration_bounds = array<i64: 2, 16>, scalar_prefetch = 0 : i64, scratch_operands = 5 : i64, tpu.core_type = #tpu.core_type<sc_vector_subcore>, window_params = [{transform_indices = #map}, {transform_indices = #map}, {transform_indices = #map1}]} {
    %mul3A = arith.constant 2 : i32
    %mul3A_0 = arith.muli %arg1, %mul3A : i32
    %add3A = arith.addi %mul3A_0, %arg0 : i32
    "tpu.region"() ({
      %run_scoped3A = tpu.sem_alloc : memref<!tpu.dma_semaphore, #tpu.memory_space<semaphore_mem>>
      tpu.enqueue_dma source(%arg2 : memref<64000xi32, #tpu.memory_space<hbm>>) target(%arg5 : memref<64000xi32, #tpu.memory_space<vmem>>) target_semaphore(%run_scoped3A : memref<!tpu.dma_semaphore, #tpu.memory_space<semaphore_mem>>)
      tpu.wait_dma2 semaphore(%run_scoped3A : memref<!tpu.dma_semaphore, #tpu.memory_space<semaphore_mem>>) src(%arg2 : memref<64000xi32, #tpu.memory_space<hbm>>) dst(%arg5 : memref<64000xi32, #tpu.memory_space<vmem>>)
      tpu.yield
    }) : () -> ()
    %mul3A_1 = arith.constant 10240 : i32
    %mul3A_2 = arith.muli %add3A, %mul3A_1 : i32
    "tpu.region"() ({
      %run_scoped3A = tpu.sem_alloc : memref<!tpu.dma_semaphore, #tpu.memory_space<semaphore_mem>>
      %dma_start3A = tpu.memref_slice %arg3[%mul3A_2] : memref<327680xi32, #tpu.memory_space<hbm>> -> memref<10240xi32, #tpu.memory_space<hbm>>
      %dma_start3A_32 = tpu.memref_slice %arg3[%mul3A_2] : memref<327680xi32, #tpu.memory_space<hbm>> -> memref<10240xi32, #tpu.memory_space<hbm>>
      tpu.enqueue_dma source(%dma_start3A_32 : memref<10240xi32, #tpu.memory_space<hbm>>) target(%arg6 : memref<10240xi32, #tpu.memory_space<vmem>>) target_semaphore(%run_scoped3A : memref<!tpu.dma_semaphore, #tpu.memory_space<semaphore_mem>>)
      %dma_wait3A_33 = tpu.memref_slice %arg3[%mul3A_2] : memref<327680xi32, #tpu.memory_space<hbm>> -> memref<10240xi32, #tpu.memory_space<hbm>>
      %dma_wait3A_34 = tpu.memref_slice %arg3[%mul3A_2] : memref<327680xi32, #tpu.memory_space<hbm>> -> memref<10240xi32, #tpu.memory_space<hbm>>
      tpu.wait_dma2 semaphore(%run_scoped3A : memref<!tpu.dma_semaphore, #tpu.memory_space<semaphore_mem>>) src(%dma_wait3A_34 : memref<10240xi32, #tpu.memory_space<hbm>>) dst(%arg6 : memref<10240xi32, #tpu.memory_space<vmem>>)
      tpu.yield
    }) : () -> ()
    %iota3A = tpu.iota {dimensions = array<i32: 0>} : vector<16xi32>
    %mul3A_3 = arith.constant 9 : i32
    %mul3A_4 = vector.broadcast %mul3A_3 : i32 to vector<16xi32>
    %mul3A_5 = arith.muli %iota3A, %mul3A_4 : vector<16xi32>
    %scan3A = arith.constant 0 : i32
    %scan3A_6 = arith.constant 0 : i32
    %scan3A_7 = arith.constant 16 : i32
    %scan3A_8 = arith.addi %scan3A_6, %scan3A_7 : i32
    %scan3A_9 = arith.constant 1 : i32
    scf.for %scan3A_32 = %scan3A_6 to %scan3A_8 step %scan3A_9  : i32 {
      %mul3A_33 = arith.constant 2 : i32
      %mul3A_34 = arith.muli %scan3A_32, %mul3A_33 : i32
      %add3A_35 = arith.constant 0 : i32
      %add3A_36 = arith.addi %mul3A_34, %add3A_35 : i32
      %ge3A = arith.constant 1 : i32
      %ge3A_37 = arith.cmpi sge, %scan3A_32, %ge3A : i32
      %convert_element_type3A = arith.extui %ge3A_37 : i1 to i32
      %cond3A = arith.constant 0 : i32
      %cond3A_38 = arith.cmpi ne, %convert_element_type3A, %cond3A : i32
      scf.if %cond3A_38 {
        %sub3A = arith.constant 2 : i32
        %sub3A_375 = arith.subi %add3A_36, %sub3A : i32
        %mul3A_376 = arith.constant 512 : i32
        %mul3A_377 = arith.muli %add3A, %mul3A_376 : i32
        %mul3A_378 = arith.constant 16 : i32
        %mul3A_379 = arith.muli %sub3A_375, %mul3A_378 : i32
        %add3A_380 = arith.addi %mul3A_377, %mul3A_379 : i32
        %dma_wait3A_381 = arith.constant 0 : i32
        %dma_wait3A_382 = arith.constant 0 : i32
        %dma_wait3A_383 = tpu.memref_slice %arg4[%add3A_380, %dma_wait3A_382] : memref<16384x128xf32, #tpu.memory_space<hbm>> -> memref<16x128xf32, #tpu.memory_space<hbm>>
        %dma_wait3A_384 = tpu.memref_slice %arg9[%dma_wait3A_381] : memref<2x!tpu.dma_semaphore, #tpu.memory_space<semaphore_mem>> -> memref<1x!tpu.dma_semaphore, #tpu.memory_space<semaphore_mem>>
        %dma_wait3A_385 = tpu.memref_squeeze %dma_wait3A_384 : memref<1x!tpu.dma_semaphore, #tpu.memory_space<semaphore_mem>> -> memref<!tpu.dma_semaphore, #tpu.memory_space<semaphore_mem>>
        %dma_wait3A_386 = arith.constant 0 : i32
        %dma_wait3A_387 = tpu.memref_slice %arg4[%add3A_380, %dma_wait3A_386] : memref<16384x128xf32, #tpu.memory_space<hbm>> -> memref<16x128xf32, #tpu.memory_space<hbm>>
        tpu.wait_dma2 semaphore(%dma_wait3A_385 : memref<!tpu.dma_semaphore, #tpu.memory_space<semaphore_mem>>) src(%arg7 : memref<16x128xf32, #tpu.memory_space<vmem>>) dst(%dma_wait3A_387 : memref<16x128xf32, #tpu.memory_space<hbm>>)
      } else {
      }
      %mul3A_39 = arith.constant 320 : i32
      %mul3A_40 = arith.muli %add3A_36, %mul3A_39 : i32
      %mul3A_41 = arith.constant 20 : i32
      %mul3A_42 = vector.broadcast %mul3A_41 : i32 to vector<16xi32>
      %mul3A_43 = arith.muli %iota3A, %mul3A_42 : vector<16xi32>
      %add3A_44 = vector.broadcast %mul3A_40 : i32 to vector<16xi32>
      %add3A_45 = arith.addi %add3A_44, %mul3A_43 : vector<16xi32>
      %add3A_46 = arith.constant 0 : i32
      %add3A_47 = vector.broadcast %add3A_46 : i32 to vector<16xi32>
      %add3A_48 = arith.addi %add3A_45, %add3A_47 : vector<16xi32>
      %gather3A = tpu.vector_load_idx %arg6[%add3A_48] : memref<10240xi32, #tpu.memory_space<vmem>>[vector<16xi32>], vector<16xi32>,
      %shift_left3A = arith.constant 6 : i32
      %shift_left3A_49 = vector.broadcast %shift_left3A : i32 to vector<16xi32>
      %shift_left3A_50 = arith.shli %gather3A, %shift_left3A_49 : vector<16xi32>
      %add3A_51 = arith.constant 1 : i32
      %add3A_52 = vector.broadcast %add3A_51 : i32 to vector<16xi32>
      %add3A_53 = arith.addi %add3A_45, %add3A_52 : vector<16xi32>
      %gather3A_54 = tpu.vector_load_idx %arg6[%add3A_53] : memref<10240xi32, #tpu.memory_space<vmem>>[vector<16xi32>], vector<16xi32>,
      %shift_left3A_55 = arith.constant 6 : i32
      %shift_left3A_56 = vector.broadcast %shift_left3A_55 : i32 to vector<16xi32>
      %shift_left3A_57 = arith.shli %gather3A_54, %shift_left3A_56 : vector<16xi32>
      %add3A_58 = arith.constant 2 : i32
      %add3A_59 = vector.broadcast %add3A_58 : i32 to vector<16xi32>
      %add3A_60 = arith.addi %add3A_45, %add3A_59 : vector<16xi32>
      %gather3A_61 = tpu.vector_load_idx %arg6[%add3A_60] : memref<10240xi32, #tpu.memory_space<vmem>>[vector<16xi32>], vector<16xi32>,
      %shift_left3A_62 = arith.constant 6 : i32
      %shift_left3A_63 = vector.broadcast %shift_left3A_62 : i32 to vector<16xi32>
      %shift_left3A_64 = arith.shli %gather3A_61, %shift_left3A_63 : vector<16xi32>
      %add3A_65 = arith.constant 3 : i32
      %add3A_66 = vector.broadcast %add3A_65 : i32 to vector<16xi32>
      %add3A_67 = arith.addi %add3A_45, %add3A_66 : vector<16xi32>
      %gather3A_68 = tpu.vector_load_idx %arg6[%add3A_67] : memref<10240xi32, #tpu.memory_space<vmem>>[vector<16xi32>], vector<16xi32>,
      %shift_left3A_69 = arith.constant 6 : i32
      %shift_left3A_70 = vector.broadcast %shift_left3A_69 : i32 to vector<16xi32>
      %shift_left3A_71 = arith.shli %gather3A_68, %shift_left3A_70 : vector<16xi32>
      %add3A_72 = arith.constant 4 : i32
      %add3A_73 = vector.broadcast %add3A_72 : i32 to vector<16xi32>
      %add3A_74 = arith.addi %add3A_45, %add3A_73 : vector<16xi32>
      %gather3A_75 = tpu.vector_load_idx %arg6[%add3A_74] : memref<10240xi32, #tpu.memory_space<vmem>>[vector<16xi32>], vector<16xi32>,
      %shift_left3A_76 = arith.constant 6 : i32
      %shift_left3A_77 = vector.broadcast %shift_left3A_76 : i32 to vector<16xi32>
      %shift_left3A_78 = arith.shli %gather3A_75, %shift_left3A_77 : vector<16xi32>
      %add3A_79 = arith.constant 5 : i32
      %add3A_80 = vector.broadcast %add3A_79 : i32 to vector<16xi32>
      %add3A_81 = arith.addi %add3A_45, %add3A_80 : vector<16xi32>
      %gather3A_82 = tpu.vector_load_idx %arg6[%add3A_81] : memref<10240xi32, #tpu.memory_space<vmem>>[vector<16xi32>], vector<16xi32>,
      %shift_left3A_83 = arith.constant 6 : i32
      %shift_left3A_84 = vector.broadcast %shift_left3A_83 : i32 to vector<16xi32>
      %shift_left3A_85 = arith.shli %gather3A_82, %shift_left3A_84 : vector<16xi32>
      %add3A_86 = arith.constant 6 : i32
      %add3A_87 = vector.broadcast %add3A_86 : i32 to vector<16xi32>
      %add3A_88 = arith.addi %add3A_45, %add3A_87 : vector<16xi32>
      %gather3A_89 = tpu.vector_load_idx %arg6[%add3A_88] : memref<10240xi32, #tpu.memory_space<vmem>>[vector<16xi32>], vector<16xi32>,
      %shift_left3A_90 = arith.constant 6 : i32
      %shift_left3A_91 = vector.broadcast %shift_left3A_90 : i32 to vector<16xi32>
      %shift_left3A_92 = arith.shli %gather3A_89, %shift_left3A_91 : vector<16xi32>
      %add3A_93 = arith.constant 7 : i32
      %add3A_94 = vector.broadcast %add3A_93 : i32 to vector<16xi32>
      %add3A_95 = arith.addi %add3A_45, %add3A_94 : vector<16xi32>
      %gather3A_96 = tpu.vector_load_idx %arg6[%add3A_95] : memref<10240xi32, #tpu.memory_space<vmem>>[vector<16xi32>], vector<16xi32>,
      %shift_left3A_97 = arith.constant 6 : i32
      %shift_left3A_98 = vector.broadcast %shift_left3A_97 : i32 to vector<16xi32>
      %shift_left3A_99 = arith.shli %gather3A_96, %shift_left3A_98 : vector<16xi32>
      %add3A_100 = arith.constant 8 : i32
      %add3A_101 = vector.broadcast %add3A_100 : i32 to vector<16xi32>
      %add3A_102 = arith.addi %add3A_45, %add3A_101 : vector<16xi32>
      %gather3A_103 = tpu.vector_load_idx %arg6[%add3A_102] : memref<10240xi32, #tpu.memory_space<vmem>>[vector<16xi32>], vector<16xi32>,
      %shift_left3A_104 = arith.constant 6 : i32
      %shift_left3A_105 = vector.broadcast %shift_left3A_104 : i32 to vector<16xi32>
      %shift_left3A_106 = arith.shli %gather3A_103, %shift_left3A_105 : vector<16xi32>
      %add3A_107 = arith.constant 9 : i32
      %add3A_108 = vector.broadcast %add3A_107 : i32 to vector<16xi32>
      %add3A_109 = arith.addi %add3A_45, %add3A_108 : vector<16xi32>
      %gather3A_110 = tpu.vector_load_idx %arg6[%add3A_109] : memref<10240xi32, #tpu.memory_space<vmem>>[vector<16xi32>], vector<16xi32>,
      %shift_left3A_111 = arith.constant 6 : i32
      %shift_left3A_112 = vector.broadcast %shift_left3A_111 : i32 to vector<16xi32>
      %shift_left3A_113 = arith.shli %gather3A_110, %shift_left3A_112 : vector<16xi32>
      %add3A_114 = arith.constant 10 : i32
      %add3A_115 = vector.broadcast %add3A_114 : i32 to vector<16xi32>
      %add3A_116 = arith.addi %add3A_45, %add3A_115 : vector<16xi32>
      %gather3A_117 = tpu.vector_load_idx %arg6[%add3A_116] : memref<10240xi32, #tpu.memory_space<vmem>>[vector<16xi32>], vector<16xi32>,
      %shift_left3A_118 = arith.constant 6 : i32
      %shift_left3A_119 = vector.broadcast %shift_left3A_118 : i32 to vector<16xi32>
      %shift_left3A_120 = arith.shli %gather3A_117, %shift_left3A_119 : vector<16xi32>
      %add3A_121 = arith.constant 11 : i32
      %add3A_122 = vector.broadcast %add3A_121 : i32 to vector<16xi32>
      %add3A_123 = arith.addi %add3A_45, %add3A_122 : vector<16xi32>
      %gather3A_124 = tpu.vector_load_idx %arg6[%add3A_123] : memref<10240xi32, #tpu.memory_space<vmem>>[vector<16xi32>], vector<16xi32>,
      %shift_left3A_125 = arith.constant 6 : i32
      %shift_left3A_126 = vector.broadcast %shift_left3A_125 : i32 to vector<16xi32>
      %shift_left3A_127 = arith.shli %gather3A_124, %shift_left3A_126 : vector<16xi32>
      %add3A_128 = arith.constant 12 : i32
      %add3A_129 = vector.broadcast %add3A_128 : i32 to vector<16xi32>
      %add3A_130 = arith.addi %add3A_45, %add3A_129 : vector<16xi32>
      %gather3A_131 = tpu.vector_load_idx %arg6[%add3A_130] : memref<10240xi32, #tpu.memory_space<vmem>>[vector<16xi32>], vector<16xi32>,
      %shift_left3A_132 = arith.constant 6 : i32
      %shift_left3A_133 = vector.broadcast %shift_left3A_132 : i32 to vector<16xi32>
      %shift_left3A_134 = arith.shli %gather3A_131, %shift_left3A_133 : vector<16xi32>
      %add3A_135 = arith.constant 13 : i32
      %add3A_136 = vector.broadcast %add3A_135 : i32 to vector<16xi32>
      %add3A_137 = arith.addi %add3A_45, %add3A_136 : vector<16xi32>
      %gather3A_138 = tpu.vector_load_idx %arg6[%add3A_137] : memref<10240xi32, #tpu.memory_space<vmem>>[vector<16xi32>], vector<16xi32>,
      %shift_left3A_139 = arith.constant 6 : i32
      %shift_left3A_140 = vector.broadcast %shift_left3A_139 : i32 to vector<16xi32>
      %shift_left3A_141 = arith.shli %gather3A_138, %shift_left3A_140 : vector<16xi32>
      %add3A_142 = arith.constant 14 : i32
      %add3A_143 = vector.broadcast %add3A_142 : i32 to vector<16xi32>
      %add3A_144 = arith.addi %add3A_45, %add3A_143 : vector<16xi32>
      %gather3A_145 = tpu.vector_load_idx %arg6[%add3A_144] : memref<10240xi32, #tpu.memory_space<vmem>>[vector<16xi32>], vector<16xi32>,
      %shift_left3A_146 = arith.constant 6 : i32
      %shift_left3A_147 = vector.broadcast %shift_left3A_146 : i32 to vector<16xi32>
      %shift_left3A_148 = arith.shli %gather3A_145, %shift_left3A_147 : vector<16xi32>
      %add3A_149 = arith.constant 15 : i32
      %add3A_150 = vector.broadcast %add3A_149 : i32 to vector<16xi32>
      %add3A_151 = arith.addi %add3A_45, %add3A_150 : vector<16xi32>
      %gather3A_152 = tpu.vector_load_idx %arg6[%add3A_151] : memref<10240xi32, #tpu.memory_space<vmem>>[vector<16xi32>], vector<16xi32>,
      %shift_left3A_153 = arith.constant 6 : i32
      %shift_left3A_154 = vector.broadcast %shift_left3A_153 : i32 to vector<16xi32>
      %shift_left3A_155 = arith.shli %gather3A_152, %shift_left3A_154 : vector<16xi32>
      %add3A_156 = arith.constant 16 : i32
      %add3A_157 = vector.broadcast %add3A_156 : i32 to vector<16xi32>
      %add3A_158 = arith.addi %add3A_45, %add3A_157 : vector<16xi32>
      %gather3A_159 = tpu.vector_load_idx %arg6[%add3A_158] : memref<10240xi32, #tpu.memory_space<vmem>>[vector<16xi32>], vector<16xi32>,
      %shift_left3A_160 = arith.constant 6 : i32
      %shift_left3A_161 = vector.broadcast %shift_left3A_160 : i32 to vector<16xi32>
      %shift_left3A_162 = arith.shli %gather3A_159, %shift_left3A_161 : vector<16xi32>
      %add3A_163 = arith.constant 17 : i32
      %add3A_164 = vector.broadcast %add3A_163 : i32 to vector<16xi32>
      %add3A_165 = arith.addi %add3A_45, %add3A_164 : vector<16xi32>
      %gather3A_166 = tpu.vector_load_idx %arg6[%add3A_165] : memref<10240xi32, #tpu.memory_space<vmem>>[vector<16xi32>], vector<16xi32>,
      %shift_left3A_167 = arith.constant 6 : i32
      %shift_left3A_168 = vector.broadcast %shift_left3A_167 : i32 to vector<16xi32>
      %shift_left3A_169 = arith.shli %gather3A_166, %shift_left3A_168 : vector<16xi32>
      %add3A_170 = arith.constant 18 : i32
      %add3A_171 = vector.broadcast %add3A_170 : i32 to vector<16xi32>
      %add3A_172 = arith.addi %add3A_45, %add3A_171 : vector<16xi32>
      %gather3A_173 = tpu.vector_load_idx %arg6[%add3A_172] : memref<10240xi32, #tpu.memory_space<vmem>>[vector<16xi32>], vector<16xi32>,
      %shift_left3A_174 = arith.constant 6 : i32
      %shift_left3A_175 = vector.broadcast %shift_left3A_174 : i32 to vector<16xi32>
      %shift_left3A_176 = arith.shli %gather3A_173, %shift_left3A_175 : vector<16xi32>
      %add3A_177 = arith.constant 19 : i32
      %add3A_178 = vector.broadcast %add3A_177 : i32 to vector<16xi32>
      %add3A_179 = arith.addi %add3A_45, %add3A_178 : vector<16xi32>
      %gather3A_180 = tpu.vector_load_idx %arg6[%add3A_179] : memref<10240xi32, #tpu.memory_space<vmem>>[vector<16xi32>], vector<16xi32>,
      %shift_left3A_181 = arith.constant 6 : i32
      %shift_left3A_182 = vector.broadcast %shift_left3A_181 : i32 to vector<16xi32>
      %shift_left3A_183 = arith.shli %gather3A_180, %shift_left3A_182 : vector<16xi32>
      %scan3A_184 = arith.constant 0 : i32
      %scan3A_185 = arith.constant 0 : i32
      %scan3A_186 = arith.constant 8 : i32
      %scan3A_187 = arith.addi %scan3A_185, %scan3A_186 : i32
      %scan3A_188 = arith.constant 1 : i32
      scf.for %scan3A_375 = %scan3A_185 to %scan3A_187 step %scan3A_188  : i32 {
        %mul3A_376 = arith.constant 8 : i32
        %mul3A_377 = arith.muli %scan3A_375, %mul3A_376 : i32
        %add3A_378 = arith.constant 0 : i32
        %add3A_379 = arith.addi %mul3A_377, %add3A_378 : i32
        %add3A_380 = vector.broadcast %add3A_379 : i32 to vector<16xi32>
        %add3A_381 = arith.addi %add3A_380, %mul3A_5 : vector<16xi32>
        %and3A = arith.constant 63 : i32
        %and3A_382 = vector.broadcast %and3A : i32 to vector<16xi32>
        %and3A_383 = arith.andi %add3A_381, %and3A_382 : vector<16xi32>
        %add3A_384 = arith.addi %shift_left3A_50, %and3A_383 : vector<16xi32>
        %gather3A_385 = tpu.vector_load_idx %arg5[%add3A_384] : memref<64000xi32, #tpu.memory_space<vmem>>[vector<16xi32>], vector<16xi32>,
        %bitcast3A = vector.bitcast %gather3A_385 : vector<16xi32> to vector<32xbf16>
        %add3A_386 = arith.addi %shift_left3A_57, %and3A_383 : vector<16xi32>
        %gather3A_387 = tpu.vector_load_idx %arg5[%add3A_386] : memref<64000xi32, #tpu.memory_space<vmem>>[vector<16xi32>], vector<16xi32>,
        %bitcast3A_388 = vector.bitcast %gather3A_387 : vector<16xi32> to vector<32xbf16>
        %add3A_389 = arith.addi %shift_left3A_64, %and3A_383 : vector<16xi32>
        %gather3A_390 = tpu.vector_load_idx %arg5[%add3A_389] : memref<64000xi32, #tpu.memory_space<vmem>>[vector<16xi32>], vector<16xi32>,
        %bitcast3A_391 = vector.bitcast %gather3A_390 : vector<16xi32> to vector<32xbf16>
        %add3A_392 = arith.addi %shift_left3A_71, %and3A_383 : vector<16xi32>
        %gather3A_393 = tpu.vector_load_idx %arg5[%add3A_392] : memref<64000xi32, #tpu.memory_space<vmem>>[vector<16xi32>], vector<16xi32>,
        %bitcast3A_394 = vector.bitcast %gather3A_393 : vector<16xi32> to vector<32xbf16>
        %add3A_395 = arith.addi %shift_left3A_78, %and3A_383 : vector<16xi32>
        %gather3A_396 = tpu.vector_load_idx %arg5[%add3A_395] : memref<64000xi32, #tpu.memory_space<vmem>>[vector<16xi32>], vector<16xi32>,
        %bitcast3A_397 = vector.bitcast %gather3A_396 : vector<16xi32> to vector<32xbf16>
        %add3A_398 = arith.addi %shift_left3A_85, %and3A_383 : vector<16xi32>
        %gather3A_399 = tpu.vector_load_idx %arg5[%add3A_398] : memref<64000xi32, #tpu.memory_space<vmem>>[vector<16xi32>], vector<16xi32>,
        %bitcast3A_400 = vector.bitcast %gather3A_399 : vector<16xi32> to vector<32xbf16>
        %add3A_401 = arith.addi %shift_left3A_92, %and3A_383 : vector<16xi32>
        %gather3A_402 = tpu.vector_load_idx %arg5[%add3A_401] : memref<64000xi32, #tpu.memory_space<vmem>>[vector<16xi32>], vector<16xi32>,
        %bitcast3A_403 = vector.bitcast %gather3A_402 : vector<16xi32> to vector<32xbf16>
        %add3A_404 = arith.addi %shift_left3A_99, %and3A_383 : vector<16xi32>
        %gather3A_405 = tpu.vector_load_idx %arg5[%add3A_404] : memref<64000xi32, #tpu.memory_space<vmem>>[vector<16xi32>], vector<16xi32>,
        %bitcast3A_406 = vector.bitcast %gather3A_405 : vector<16xi32> to vector<32xbf16>
        %add3A_407 = arith.addi %shift_left3A_106, %and3A_383 : vector<16xi32>
        %gather3A_408 = tpu.vector_load_idx %arg5[%add3A_407] : memref<64000xi32, #tpu.memory_space<vmem>>[vector<16xi32>], vector<16xi32>,
        %bitcast3A_409 = vector.bitcast %gather3A_408 : vector<16xi32> to vector<32xbf16>
        %add3A_410 = arith.addi %shift_left3A_113, %and3A_383 : vector<16xi32>
        %gather3A_411 = tpu.vector_load_idx %arg5[%add3A_410] : memref<64000xi32, #tpu.memory_space<vmem>>[vector<16xi32>], vector<16xi32>,
        %bitcast3A_412 = vector.bitcast %gather3A_411 : vector<16xi32> to vector<32xbf16>
        %add3A_413 = arith.addi %shift_left3A_120, %and3A_383 : vector<16xi32>
        %gather3A_414 = tpu.vector_load_idx %arg5[%add3A_413] : memref<64000xi32, #tpu.memory_space<vmem>>[vector<16xi32>], vector<16xi32>,
        %bitcast3A_415 = vector.bitcast %gather3A_414 : vector<16xi32> to vector<32xbf16>
        %add3A_416 = arith.addi %shift_left3A_127, %and3A_383 : vector<16xi32>
        %gather3A_417 = tpu.vector_load_idx %arg5[%add3A_416] : memref<64000xi32, #tpu.memory_space<vmem>>[vector<16xi32>], vector<16xi32>,
        %bitcast3A_418 = vector.bitcast %gather3A_417 : vector<16xi32> to vector<32xbf16>
        %add3A_419 = arith.addi %shift_left3A_134, %and3A_383 : vector<16xi32>
        %gather3A_420 = tpu.vector_load_idx %arg5[%add3A_419] : memref<64000xi32, #tpu.memory_space<vmem>>[vector<16xi32>], vector<16xi32>,
        %bitcast3A_421 = vector.bitcast %gather3A_420 : vector<16xi32> to vector<32xbf16>
        %add3A_422 = arith.addi %shift_left3A_141, %and3A_383 : vector<16xi32>
        %gather3A_423 = tpu.vector_load_idx %arg5[%add3A_422] : memref<64000xi32, #tpu.memory_space<vmem>>[vector<16xi32>], vector<16xi32>,
        %bitcast3A_424 = vector.bitcast %gather3A_423 : vector<16xi32> to vector<32xbf16>
        %add3A_425 = arith.addi %shift_left3A_148, %and3A_383 : vector<16xi32>
        %gather3A_426 = tpu.vector_load_idx %arg5[%add3A_425] : memref<64000xi32, #tpu.memory_space<vmem>>[vector<16xi32>], vector<16xi32>,
        %bitcast3A_427 = vector.bitcast %gather3A_426 : vector<16xi32> to vector<32xbf16>
        %add3A_428 = arith.addi %shift_left3A_155, %and3A_383 : vector<16xi32>
        %gather3A_429 = tpu.vector_load_idx %arg5[%add3A_428] : memref<64000xi32, #tpu.memory_space<vmem>>[vector<16xi32>], vector<16xi32>,
        %bitcast3A_430 = vector.bitcast %gather3A_429 : vector<16xi32> to vector<32xbf16>
        %add3A_431 = arith.addi %shift_left3A_162, %and3A_383 : vector<16xi32>
        %gather3A_432 = tpu.vector_load_idx %arg5[%add3A_431] : memref<64000xi32, #tpu.memory_space<vmem>>[vector<16xi32>], vector<16xi32>,
        %bitcast3A_433 = vector.bitcast %gather3A_432 : vector<16xi32> to vector<32xbf16>
        %add3A_434 = arith.addi %shift_left3A_169, %and3A_383 : vector<16xi32>
        %gather3A_435 = tpu.vector_load_idx %arg5[%add3A_434] : memref<64000xi32, #tpu.memory_space<vmem>>[vector<16xi32>], vector<16xi32>,
        %bitcast3A_436 = vector.bitcast %gather3A_435 : vector<16xi32> to vector<32xbf16>
        %add3A_437 = arith.addi %shift_left3A_176, %and3A_383 : vector<16xi32>
        %gather3A_438 = tpu.vector_load_idx %arg5[%add3A_437] : memref<64000xi32, #tpu.memory_space<vmem>>[vector<16xi32>], vector<16xi32>,
        %bitcast3A_439 = vector.bitcast %gather3A_438 : vector<16xi32> to vector<32xbf16>
        %add3A_440 = arith.addi %shift_left3A_183, %and3A_383 : vector<16xi32>
        %gather3A_441 = tpu.vector_load_idx %arg5[%add3A_440] : memref<64000xi32, #tpu.memory_space<vmem>>[vector<16xi32>], vector<16xi32>,
        %bitcast3A_442 = vector.bitcast %gather3A_441 : vector<16xi32> to vector<32xbf16>
        %add3A_443 = arith.addf %bitcast3A, %bitcast3A_388 : vector<32xbf16>
        %add3A_444 = arith.addf %bitcast3A_391, %bitcast3A_394 : vector<32xbf16>
        %add3A_445 = arith.addf %bitcast3A_397, %bitcast3A_400 : vector<32xbf16>
        %add3A_446 = arith.addf %bitcast3A_403, %bitcast3A_406 : vector<32xbf16>
        %add3A_447 = arith.addf %bitcast3A_409, %bitcast3A_412 : vector<32xbf16>
        %add3A_448 = arith.addf %bitcast3A_415, %bitcast3A_418 : vector<32xbf16>
        %add3A_449 = arith.addf %bitcast3A_421, %bitcast3A_424 : vector<32xbf16>
        %add3A_450 = arith.addf %bitcast3A_427, %bitcast3A_430 : vector<32xbf16>
        %add3A_451 = arith.addf %bitcast3A_433, %bitcast3A_436 : vector<32xbf16>
        %add3A_452 = arith.addf %bitcast3A_439, %bitcast3A_442 : vector<32xbf16>
        %add3A_453 = arith.addf %add3A_443, %add3A_444 : vector<32xbf16>
        %add3A_454 = arith.addf %add3A_445, %add3A_446 : vector<32xbf16>
        %add3A_455 = arith.addf %add3A_447, %add3A_448 : vector<32xbf16>
        %add3A_456 = arith.addf %add3A_449, %add3A_450 : vector<32xbf16>
        %add3A_457 = arith.addf %add3A_451, %add3A_452 : vector<32xbf16>
        %add3A_458 = arith.addf %add3A_453, %add3A_454 : vector<32xbf16>
        %add3A_459 = arith.addf %add3A_455, %add3A_456 : vector<32xbf16>
        %add3A_460 = arith.addf %add3A_458, %add3A_459 : vector<32xbf16>
        %add3A_461 = arith.addf %add3A_460, %add3A_457 : vector<32xbf16>
        %bitcast3A_462 = vector.bitcast %add3A_461 : vector<32xbf16> to vector<16xi32>
        %shift_left3A_463 = arith.constant 16 : i32
        %shift_left3A_464 = vector.broadcast %shift_left3A_463 : i32 to vector<16xi32>
        %shift_left3A_465 = arith.shli %bitcast3A_462, %shift_left3A_464 : vector<16xi32>
        %bitcast3A_466 = vector.bitcast %shift_left3A_465 : vector<16xi32> to vector<16xf32>
        %and3A_467 = arith.constant -65536 : i32
        %and3A_468 = vector.broadcast %and3A_467 : i32 to vector<16xi32>
        %and3A_469 = arith.andi %bitcast3A_462, %and3A_468 : vector<16xi32>
        %bitcast3A_470 = vector.bitcast %and3A_469 : vector<16xi32> to vector<16xf32>
        tpu.vector_store_idx %arg7[%iota3A, %and3A_383], %bitcast3A_466 : memref<16x128xf32, #tpu.memory_space<vmem>>[vector<16xi32>, vector<16xi32>], vector<16xf32>,
        %add3A_471 = arith.constant 64 : i32
        %add3A_472 = vector.broadcast %add3A_471 : i32 to vector<16xi32>
        %add3A_473 = arith.addi %and3A_383, %add3A_472 : vector<16xi32>
        tpu.vector_store_idx %arg7[%iota3A, %add3A_473], %bitcast3A_470 : memref<16x128xf32, #tpu.memory_space<vmem>>[vector<16xi32>, vector<16xi32>], vector<16xf32>,
        %mul3A_474 = arith.constant 8 : i32
        %mul3A_475 = arith.muli %scan3A_375, %mul3A_474 : i32
        %add3A_476 = arith.constant 1 : i32
        %add3A_477 = arith.addi %mul3A_475, %add3A_476 : i32
        %add3A_478 = vector.broadcast %add3A_477 : i32 to vector<16xi32>
        %add3A_479 = arith.addi %add3A_478, %mul3A_5 : vector<16xi32>
        %and3A_480 = arith.constant 63 : i32
        %and3A_481 = vector.broadcast %and3A_480 : i32 to vector<16xi32>
        %and3A_482 = arith.andi %add3A_479, %and3A_481 : vector<16xi32>
        %add3A_483 = arith.addi %shift_left3A_50, %and3A_482 : vector<16xi32>
        %gather3A_484 = tpu.vector_load_idx %arg5[%add3A_483] : memref<64000xi32, #tpu.memory_space<vmem>>[vector<16xi32>], vector<16xi32>,
        %bitcast3A_485 = vector.bitcast %gather3A_484 : vector<16xi32> to vector<32xbf16>
        %add3A_486 = arith.addi %shift_left3A_57, %and3A_482 : vector<16xi32>
        %gather3A_487 = tpu.vector_load_idx %arg5[%add3A_486] : memref<64000xi32, #tpu.memory_space<vmem>>[vector<16xi32>], vector<16xi32>,
        %bitcast3A_488 = vector.bitcast %gather3A_487 : vector<16xi32> to vector<32xbf16>
        %add3A_489 = arith.addi %shift_left3A_64, %and3A_482 : vector<16xi32>
        %gather3A_490 = tpu.vector_load_idx %arg5[%add3A_489] : memref<64000xi32, #tpu.memory_space<vmem>>[vector<16xi32>], vector<16xi32>,
        %bitcast3A_491 = vector.bitcast %gather3A_490 : vector<16xi32> to vector<32xbf16>
        %add3A_492 = arith.addi %shift_left3A_71, %and3A_482 : vector<16xi32>
        %gather3A_493 = tpu.vector_load_idx %arg5[%add3A_492] : memref<64000xi32, #tpu.memory_space<vmem>>[vector<16xi32>], vector<16xi32>,
        %bitcast3A_494 = vector.bitcast %gather3A_493 : vector<16xi32> to vector<32xbf16>
        %add3A_495 = arith.addi %shift_left3A_78, %and3A_482 : vector<16xi32>
        %gather3A_496 = tpu.vector_load_idx %arg5[%add3A_495] : memref<64000xi32, #tpu.memory_space<vmem>>[vector<16xi32>], vector<16xi32>,
        %bitcast3A_497 = vector.bitcast %gather3A_496 : vector<16xi32> to vector<32xbf16>
        %add3A_498 = arith.addi %shift_left3A_85, %and3A_482 : vector<16xi32>
        %gather3A_499 = tpu.vector_load_idx %arg5[%add3A_498] : memref<64000xi32, #tpu.memory_space<vmem>>[vector<16xi32>], vector<16xi32>,
        %bitcast3A_500 = vector.bitcast %gather3A_499 : vector<16xi32> to vector<32xbf16>
        %add3A_501 = arith.addi %shift_left3A_92, %and3A_482 : vector<16xi32>
        %gather3A_502 = tpu.vector_load_idx %arg5[%add3A_501] : memref<64000xi32, #tpu.memory_space<vmem>>[vector<16xi32>], vector<16xi32>,
        %bitcast3A_503 = vector.bitcast %gather3A_502 : vector<16xi32> to vector<32xbf16>
        %add3A_504 = arith.addi %shift_left3A_99, %and3A_482 : vector<16xi32>
        %gather3A_505 = tpu.vector_load_idx %arg5[%add3A_504] : memref<64000xi32, #tpu.memory_space<vmem>>[vector<16xi32>], vector<16xi32>,
        %bitcast3A_506 = vector.bitcast %gather3A_505 : vector<16xi32> to vector<32xbf16>
        %add3A_507 = arith.addi %shift_left3A_106, %and3A_482 : vector<16xi32>
        %gather3A_508 = tpu.vector_load_idx %arg5[%add3A_507] : memref<64000xi32, #tpu.memory_space<vmem>>[vector<16xi32>], vector<16xi32>,
        %bitcast3A_509 = vector.bitcast %gather3A_508 : vector<16xi32> to vector<32xbf16>
        %add3A_510 = arith.addi %shift_left3A_113, %and3A_482 : vector<16xi32>
        %gather3A_511 = tpu.vector_load_idx %arg5[%add3A_510] : memref<64000xi32, #tpu.memory_space<vmem>>[vector<16xi32>], vector<16xi32>,
        %bitcast3A_512 = vector.bitcast %gather3A_511 : vector<16xi32> to vector<32xbf16>
        %add3A_513 = arith.addi %shift_left3A_120, %and3A_482 : vector<16xi32>
        %gather3A_514 = tpu.vector_load_idx %arg5[%add3A_513] : memref<64000xi32, #tpu.memory_space<vmem>>[vector<16xi32>], vector<16xi32>,
        %bitcast3A_515 = vector.bitcast %gather3A_514 : vector<16xi32> to vector<32xbf16>
        %add3A_516 = arith.addi %shift_left3A_127, %and3A_482 : vector<16xi32>
        %gather3A_517 = tpu.vector_load_idx %arg5[%add3A_516] : memref<64000xi32, #tpu.memory_space<vmem>>[vector<16xi32>], vector<16xi32>,
        %bitcast3A_518 = vector.bitcast %gather3A_517 : vector<16xi32> to vector<32xbf16>
        %add3A_519 = arith.addi %shift_left3A_134, %and3A_482 : vector<16xi32>
        %gather3A_520 = tpu.vector_load_idx %arg5[%add3A_519] : memref<64000xi32, #tpu.memory_space<vmem>>[vector<16xi32>], vector<16xi32>,
        %bitcast3A_521 = vector.bitcast %gather3A_520 : vector<16xi32> to vector<32xbf16>
        %add3A_522 = arith.addi %shift_left3A_141, %and3A_482 : vector<16xi32>
        %gather3A_523 = tpu.vector_load_idx %arg5[%add3A_522] : memref<64000xi32, #tpu.memory_space<vmem>>[vector<16xi32>], vector<16xi32>,
        %bitcast3A_524 = vector.bitcast %gather3A_523 : vector<16xi32> to vector<32xbf16>
        %add3A_525 = arith.addi %shift_left3A_148, %and3A_482 : vector<16xi32>
        %gather3A_526 = tpu.vector_load_idx %arg5[%add3A_525] : memref<64000xi32, #tpu.memory_space<vmem>>[vector<16xi32>], vector<16xi32>,
        %bitcast3A_527 = vector.bitcast %gather3A_526 : vector<16xi32> to vector<32xbf16>
        %add3A_528 = arith.addi %shift_left3A_155, %and3A_482 : vector<16xi32>
        %gather3A_529 = tpu.vector_load_idx %arg5[%add3A_528] : memref<64000xi32, #tpu.memory_space<vmem>>[vector<16xi32>], vector<16xi32>,
        %bitcast3A_530 = vector.bitcast %gather3A_529 : vector<16xi32> to vector<32xbf16>
        %add3A_531 = arith.addi %shift_left3A_162, %and3A_482 : vector<16xi32>
        %gather3A_532 = tpu.vector_load_idx %arg5[%add3A_531] : memref<64000xi32, #tpu.memory_space<vmem>>[vector<16xi32>], vector<16xi32>,
        %bitcast3A_533 = vector.bitcast %gather3A_532 : vector<16xi32> to vector<32xbf16>
        %add3A_534 = arith.addi %shift_left3A_169, %and3A_482 : vector<16xi32>
        %gather3A_535 = tpu.vector_load_idx %arg5[%add3A_534] : memref<64000xi32, #tpu.memory_space<vmem>>[vector<16xi32>], vector<16xi32>,
        %bitcast3A_536 = vector.bitcast %gather3A_535 : vector<16xi32> to vector<32xbf16>
        %add3A_537 = arith.addi %shift_left3A_176, %and3A_482 : vector<16xi32>
        %gather3A_538 = tpu.vector_load_idx %arg5[%add3A_537] : memref<64000xi32, #tpu.memory_space<vmem>>[vector<16xi32>], vector<16xi32>,
        %bitcast3A_539 = vector.bitcast %gather3A_538 : vector<16xi32> to vector<32xbf16>
        %add3A_540 = arith.addi %shift_left3A_183, %and3A_482 : vector<16xi32>
        %gather3A_541 = tpu.vector_load_idx %arg5[%add3A_540] : memref<64000xi32, #tpu.memory_space<vmem>>[vector<16xi32>], vector<16xi32>,
        %bitcast3A_542 = vector.bitcast %gather3A_541 : vector<16xi32> to vector<32xbf16>
        %add3A_543 = arith.addf %bitcast3A_485, %bitcast3A_488 : vector<32xbf16>
        %add3A_544 = arith.addf %bitcast3A_491, %bitcast3A_494 : vector<32xbf16>
        %add3A_545 = arith.addf %bitcast3A_497, %bitcast3A_500 : vector<32xbf16>
        %add3A_546 = arith.addf %bitcast3A_503, %bitcast3A_506 : vector<32xbf16>
        %add3A_547 = arith.addf %bitcast3A_509, %bitcast3A_512 : vector<32xbf16>
        %add3A_548 = arith.addf %bitcast3A_515, %bitcast3A_518 : vector<32xbf16>
        %add3A_549 = arith.addf %bitcast3A_521, %bitcast3A_524 : vector<32xbf16>
        %add3A_550 = arith.addf %bitcast3A_527, %bitcast3A_530 : vector<32xbf16>
        %add3A_551 = arith.addf %bitcast3A_533, %bitcast3A_536 : vector<32xbf16>
        %add3A_552 = arith.addf %bitcast3A_539, %bitcast3A_542 : vector<32xbf16>
        %add3A_553 = arith.addf %add3A_543, %add3A_544 : vector<32xbf16>
        %add3A_554 = arith.addf %add3A_545, %add3A_546 : vector<32xbf16>
        %add3A_555 = arith.addf %add3A_547, %add3A_548 : vector<32xbf16>
        %add3A_556 = arith.addf %add3A_549, %add3A_550 : vector<32xbf16>
        %add3A_557 = arith.addf %add3A_551, %add3A_552 : vector<32xbf16>
        %add3A_558 = arith.addf %add3A_553, %add3A_554 : vector<32xbf16>
        %add3A_559 = arith.addf %add3A_555, %add3A_556 : vector<32xbf16>
        %add3A_560 = arith.addf %add3A_558, %add3A_559 : vector<32xbf16>
        %add3A_561 = arith.addf %add3A_560, %add3A_557 : vector<32xbf16>
        %bitcast3A_562 = vector.bitcast %add3A_561 : vector<32xbf16> to vector<16xi32>
        %shift_left3A_563 = arith.constant 16 : i32
        %shift_left3A_564 = vector.broadcast %shift_left3A_563 : i32 to vector<16xi32>
        %shift_left3A_565 = arith.shli %bitcast3A_562, %shift_left3A_564 : vector<16xi32>
        %bitcast3A_566 = vector.bitcast %shift_left3A_565 : vector<16xi32> to vector<16xf32>
        %and3A_567 = arith.constant -65536 : i32
        %and3A_568 = vector.broadcast %and3A_567 : i32 to vector<16xi32>
        %and3A_569 = arith.andi %bitcast3A_562, %and3A_568 : vector<16xi32>
        %bitcast3A_570 = vector.bitcast %and3A_569 : vector<16xi32> to vector<16xf32>
        tpu.vector_store_idx %arg7[%iota3A, %and3A_482], %bitcast3A_566 : memref<16x128xf32, #tpu.memory_space<vmem>>[vector<16xi32>, vector<16xi32>], vector<16xf32>,
        %add3A_571 = arith.constant 64 : i32
        %add3A_572 = vector.broadcast %add3A_571 : i32 to vector<16xi32>
        %add3A_573 = arith.addi %and3A_482, %add3A_572 : vector<16xi32>
        tpu.vector_store_idx %arg7[%iota3A, %add3A_573], %bitcast3A_570 : memref<16x128xf32, #tpu.memory_space<vmem>>[vector<16xi32>, vector<16xi32>], vector<16xf32>,
        %mul3A_574 = arith.constant 8 : i32
        %mul3A_575 = arith.muli %scan3A_375, %mul3A_574 : i32
        %add3A_576 = arith.constant 2 : i32
        %add3A_577 = arith.addi %mul3A_575, %add3A_576 : i32
        %add3A_578 = vector.broadcast %add3A_577 : i32 to vector<16xi32>
        %add3A_579 = arith.addi %add3A_578, %mul3A_5 : vector<16xi32>
        %and3A_580 = arith.constant 63 : i32
        %and3A_581 = vector.broadcast %and3A_580 : i32 to vector<16xi32>
        %and3A_582 = arith.andi %add3A_579, %and3A_581 : vector<16xi32>
        %add3A_583 = arith.addi %shift_left3A_50, %and3A_582 : vector<16xi32>
        %gather3A_584 = tpu.vector_load_idx %arg5[%add3A_583] : memref<64000xi32, #tpu.memory_space<vmem>>[vector<16xi32>], vector<16xi32>,
        %bitcast3A_585 = vector.bitcast %gather3A_584 : vector<16xi32> to vector<32xbf16>
        %add3A_586 = arith.addi %shift_left3A_57, %and3A_582 : vector<16xi32>
        %gather3A_587 = tpu.vector_load_idx %arg5[%add3A_586] : memref<64000xi32, #tpu.memory_space<vmem>>[vector<16xi32>], vector<16xi32>,
        %bitcast3A_588 = vector.bitcast %gather3A_587 : vector<16xi32> to vector<32xbf16>
        %add3A_589 = arith.addi %shift_left3A_64, %and3A_582 : vector<16xi32>
        %gather3A_590 = tpu.vector_load_idx %arg5[%add3A_589] : memref<64000xi32, #tpu.memory_space<vmem>>[vector<16xi32>], vector<16xi32>,
        %bitcast3A_591 = vector.bitcast %gather3A_590 : vector<16xi32> to vector<32xbf16>
        %add3A_592 = arith.addi %shift_left3A_71, %and3A_582 : vector<16xi32>
        %gather3A_593 = tpu.vector_load_idx %arg5[%add3A_592] : memref<64000xi32, #tpu.memory_space<vmem>>[vector<16xi32>], vector<16xi32>,
        %bitcast3A_594 = vector.bitcast %gather3A_593 : vector<16xi32> to vector<32xbf16>
        %add3A_595 = arith.addi %shift_left3A_78, %and3A_582 : vector<16xi32>
        %gather3A_596 = tpu.vector_load_idx %arg5[%add3A_595] : memref<64000xi32, #tpu.memory_space<vmem>>[vector<16xi32>], vector<16xi32>,
        %bitcast3A_597 = vector.bitcast %gather3A_596 : vector<16xi32> to vector<32xbf16>
        %add3A_598 = arith.addi %shift_left3A_85, %and3A_582 : vector<16xi32>
        %gather3A_599 = tpu.vector_load_idx %arg5[%add3A_598] : memref<64000xi32, #tpu.memory_space<vmem>>[vector<16xi32>], vector<16xi32>,
        %bitcast3A_600 = vector.bitcast %gather3A_599 : vector<16xi32> to vector<32xbf16>
        %add3A_601 = arith.addi %shift_left3A_92, %and3A_582 : vector<16xi32>
        %gather3A_602 = tpu.vector_load_idx %arg5[%add3A_601] : memref<64000xi32, #tpu.memory_space<vmem>>[vector<16xi32>], vector<16xi32>,
        %bitcast3A_603 = vector.bitcast %gather3A_602 : vector<16xi32> to vector<32xbf16>
        %add3A_604 = arith.addi %shift_left3A_99, %and3A_582 : vector<16xi32>
        %gather3A_605 = tpu.vector_load_idx %arg5[%add3A_604] : memref<64000xi32, #tpu.memory_space<vmem>>[vector<16xi32>], vector<16xi32>,
        %bitcast3A_606 = vector.bitcast %gather3A_605 : vector<16xi32> to vector<32xbf16>
        %add3A_607 = arith.addi %shift_left3A_106, %and3A_582 : vector<16xi32>
        %gather3A_608 = tpu.vector_load_idx %arg5[%add3A_607] : memref<64000xi32, #tpu.memory_space<vmem>>[vector<16xi32>], vector<16xi32>,
        %bitcast3A_609 = vector.bitcast %gather3A_608 : vector<16xi32> to vector<32xbf16>
        %add3A_610 = arith.addi %shift_left3A_113, %and3A_582 : vector<16xi32>
        %gather3A_611 = tpu.vector_load_idx %arg5[%add3A_610] : memref<64000xi32, #tpu.memory_space<vmem>>[vector<16xi32>], vector<16xi32>,
        %bitcast3A_612 = vector.bitcast %gather3A_611 : vector<16xi32> to vector<32xbf16>
        %add3A_613 = arith.addi %shift_left3A_120, %and3A_582 : vector<16xi32>
        %gather3A_614 = tpu.vector_load_idx %arg5[%add3A_613] : memref<64000xi32, #tpu.memory_space<vmem>>[vector<16xi32>], vector<16xi32>,
        %bitcast3A_615 = vector.bitcast %gather3A_614 : vector<16xi32> to vector<32xbf16>
        %add3A_616 = arith.addi %shift_left3A_127, %and3A_582 : vector<16xi32>
        %gather3A_617 = tpu.vector_load_idx %arg5[%add3A_616] : memref<64000xi32, #tpu.memory_space<vmem>>[vector<16xi32>], vector<16xi32>,
        %bitcast3A_618 = vector.bitcast %gather3A_617 : vector<16xi32> to vector<32xbf16>
        %add3A_619 = arith.addi %shift_left3A_134, %and3A_582 : vector<16xi32>
        %gather3A_620 = tpu.vector_load_idx %arg5[%add3A_619] : memref<64000xi32, #tpu.memory_space<vmem>>[vector<16xi32>], vector<16xi32>,
        %bitcast3A_621 = vector.bitcast %gather3A_620 : vector<16xi32> to vector<32xbf16>
        %add3A_622 = arith.addi %shift_left3A_141, %and3A_582 : vector<16xi32>
        %gather3A_623 = tpu.vector_load_idx %arg5[%add3A_622] : memref<64000xi32, #tpu.memory_space<vmem>>[vector<16xi32>], vector<16xi32>,
        %bitcast3A_624 = vector.bitcast %gather3A_623 : vector<16xi32> to vector<32xbf16>
        %add3A_625 = arith.addi %shift_left3A_148, %and3A_582 : vector<16xi32>
        %gather3A_626 = tpu.vector_load_idx %arg5[%add3A_625] : memref<64000xi32, #tpu.memory_space<vmem>>[vector<16xi32>], vector<16xi32>,
        %bitcast3A_627 = vector.bitcast %gather3A_626 : vector<16xi32> to vector<32xbf16>
        %add3A_628 = arith.addi %shift_left3A_155, %and3A_582 : vector<16xi32>
        %gather3A_629 = tpu.vector_load_idx %arg5[%add3A_628] : memref<64000xi32, #tpu.memory_space<vmem>>[vector<16xi32>], vector<16xi32>,
        %bitcast3A_630 = vector.bitcast %gather3A_629 : vector<16xi32> to vector<32xbf16>
        %add3A_631 = arith.addi %shift_left3A_162, %and3A_582 : vector<16xi32>
        %gather3A_632 = tpu.vector_load_idx %arg5[%add3A_631] : memref<64000xi32, #tpu.memory_space<vmem>>[vector<16xi32>], vector<16xi32>,
        %bitcast3A_633 = vector.bitcast %gather3A_632 : vector<16xi32> to vector<32xbf16>
        %add3A_634 = arith.addi %shift_left3A_169, %and3A_582 : vector<16xi32>
        %gather3A_635 = tpu.vector_load_idx %arg5[%add3A_634] : memref<64000xi32, #tpu.memory_space<vmem>>[vector<16xi32>], vector<16xi32>,
        %bitcast3A_636 = vector.bitcast %gather3A_635 : vector<16xi32> to vector<32xbf16>
        %add3A_637 = arith.addi %shift_left3A_176, %and3A_582 : vector<16xi32>
        %gather3A_638 = tpu.vector_load_idx %arg5[%add3A_637] : memref<64000xi32, #tpu.memory_space<vmem>>[vector<16xi32>], vector<16xi32>,
        %bitcast3A_639 = vector.bitcast %gather3A_638 : vector<16xi32> to vector<32xbf16>
        %add3A_640 = arith.addi %shift_left3A_183, %and3A_582 : vector<16xi32>
        %gather3A_641 = tpu.vector_load_idx %arg5[%add3A_640] : memref<64000xi32, #tpu.memory_space<vmem>>[vector<16xi32>], vector<16xi32>,
        %bitcast3A_642 = vector.bitcast %gather3A_641 : vector<16xi32> to vector<32xbf16>
        %add3A_643 = arith.addf %bitcast3A_585, %bitcast3A_588 : vector<32xbf16>
        %add3A_644 = arith.addf %bitcast3A_591, %bitcast3A_594 : vector<32xbf16>
        %add3A_645 = arith.addf %bitcast3A_597, %bitcast3A_600 : vector<32xbf16>
        %add3A_646 = arith.addf %bitcast3A_603, %bitcast3A_606 : vector<32xbf16>
        %add3A_647 = arith.addf %bitcast3A_609, %bitcast3A_612 : vector<32xbf16>
        %add3A_648 = arith.addf %bitcast3A_615, %bitcast3A_618 : vector<32xbf16>
        %add3A_649 = arith.addf %bitcast3A_621, %bitcast3A_624 : vector<32xbf16>
        %add3A_650 = arith.addf %bitcast3A_627, %bitcast3A_630 : vector<32xbf16>
        %add3A_651 = arith.addf %bitcast3A_633, %bitcast3A_636 : vector<32xbf16>
        %add3A_652 = arith.addf %bitcast3A_639, %bitcast3A_642 : vector<32xbf16>
        %add3A_653 = arith.addf %add3A_643, %add3A_644 : vector<32xbf16>
        %add3A_654 = arith.addf %add3A_645, %add3A_646 : vector<32xbf16>
        %add3A_655 = arith.addf %add3A_647, %add3A_648 : vector<32xbf16>
        %add3A_656 = arith.addf %add3A_649, %add3A_650 : vector<32xbf16>
        %add3A_657 = arith.addf %add3A_651, %add3A_652 : vector<32xbf16>
        %add3A_658 = arith.addf %add3A_653, %add3A_654 : vector<32xbf16>
        %add3A_659 = arith.addf %add3A_655, %add3A_656 : vector<32xbf16>
        %add3A_660 = arith.addf %add3A_658, %add3A_659 : vector<32xbf16>
        %add3A_661 = arith.addf %add3A_660, %add3A_657 : vector<32xbf16>
        %bitcast3A_662 = vector.bitcast %add3A_661 : vector<32xbf16> to vector<16xi32>
        %shift_left3A_663 = arith.constant 16 : i32
        %shift_left3A_664 = vector.broadcast %shift_left3A_663 : i32 to vector<16xi32>
        %shift_left3A_665 = arith.shli %bitcast3A_662, %shift_left3A_664 : vector<16xi32>
        %bitcast3A_666 = vector.bitcast %shift_left3A_665 : vector<16xi32> to vector<16xf32>
        %and3A_667 = arith.constant -65536 : i32
        %and3A_668 = vector.broadcast %and3A_667 : i32 to vector<16xi32>
        %and3A_669 = arith.andi %bitcast3A_662, %and3A_668 : vector<16xi32>
        %bitcast3A_670 = vector.bitcast %and3A_669 : vector<16xi32> to vector<16xf32>
        tpu.vector_store_idx %arg7[%iota3A, %and3A_582], %bitcast3A_666 : memref<16x128xf32, #tpu.memory_space<vmem>>[vector<16xi32>, vector<16xi32>], vector<16xf32>,
        %add3A_671 = arith.constant 64 : i32
        %add3A_672 = vector.broadcast %add3A_671 : i32 to vector<16xi32>
        %add3A_673 = arith.addi %and3A_582, %add3A_672 : vector<16xi32>
        tpu.vector_store_idx %arg7[%iota3A, %add3A_673], %bitcast3A_670 : memref<16x128xf32, #tpu.memory_space<vmem>>[vector<16xi32>, vector<16xi32>], vector<16xf32>,
        %mul3A_674 = arith.constant 8 : i32
        %mul3A_675 = arith.muli %scan3A_375, %mul3A_674 : i32
        %add3A_676 = arith.constant 3 : i32
        %add3A_677 = arith.addi %mul3A_675, %add3A_676 : i32
        %add3A_678 = vector.broadcast %add3A_677 : i32 to vector<16xi32>
        %add3A_679 = arith.addi %add3A_678, %mul3A_5 : vector<16xi32>
        %and3A_680 = arith.constant 63 : i32
        %and3A_681 = vector.broadcast %and3A_680 : i32 to vector<16xi32>
        %and3A_682 = arith.andi %add3A_679, %and3A_681 : vector<16xi32>
        %add3A_683 = arith.addi %shift_left3A_50, %and3A_682 : vector<16xi32>
        %gather3A_684 = tpu.vector_load_idx %arg5[%add3A_683] : memref<64000xi32, #tpu.memory_space<vmem>>[vector<16xi32>], vector<16xi32>,
        %bitcast3A_685 = vector.bitcast %gather3A_684 : vector<16xi32> to vector<32xbf16>
        %add3A_686 = arith.addi %shift_left3A_57, %and3A_682 : vector<16xi32>
        %gather3A_687 = tpu.vector_load_idx %arg5[%add3A_686] : memref<64000xi32, #tpu.memory_space<vmem>>[vector<16xi32>], vector<16xi32>,
        %bitcast3A_688 = vector.bitcast %gather3A_687 : vector<16xi32> to vector<32xbf16>
        %add3A_689 = arith.addi %shift_left3A_64, %and3A_682 : vector<16xi32>
        %gather3A_690 = tpu.vector_load_idx %arg5[%add3A_689] : memref<64000xi32, #tpu.memory_space<vmem>>[vector<16xi32>], vector<16xi32>,
        %bitcast3A_691 = vector.bitcast %gather3A_690 : vector<16xi32> to vector<32xbf16>
        %add3A_692 = arith.addi %shift_left3A_71, %and3A_682 : vector<16xi32>
        %gather3A_693 = tpu.vector_load_idx %arg5[%add3A_692] : memref<64000xi32, #tpu.memory_space<vmem>>[vector<16xi32>], vector<16xi32>,
        %bitcast3A_694 = vector.bitcast %gather3A_693 : vector<16xi32> to vector<32xbf16>
        %add3A_695 = arith.addi %shift_left3A_78, %and3A_682 : vector<16xi32>
        %gather3A_696 = tpu.vector_load_idx %arg5[%add3A_695] : memref<64000xi32, #tpu.memory_space<vmem>>[vector<16xi32>], vector<16xi32>,
        %bitcast3A_697 = vector.bitcast %gather3A_696 : vector<16xi32> to vector<32xbf16>
        %add3A_698 = arith.addi %shift_left3A_85, %and3A_682 : vector<16xi32>
        %gather3A_699 = tpu.vector_load_idx %arg5[%add3A_698] : memref<64000xi32, #tpu.memory_space<vmem>>[vector<16xi32>], vector<16xi32>,
        %bitcast3A_700 = vector.bitcast %gather3A_699 : vector<16xi32> to vector<32xbf16>
        %add3A_701 = arith.addi %shift_left3A_92, %and3A_682 : vector<16xi32>
        %gather3A_702 = tpu.vector_load_idx %arg5[%add3A_701] : memref<64000xi32, #tpu.memory_space<vmem>>[vector<16xi32>], vector<16xi32>,
        %bitcast3A_703 = vector.bitcast %gather3A_702 : vector<16xi32> to vector<32xbf16>
        %add3A_704 = arith.addi %shift_left3A_99, %and3A_682 : vector<16xi32>
        %gather3A_705 = tpu.vector_load_idx %arg5[%add3A_704] : memref<64000xi32, #tpu.memory_space<vmem>>[vector<16xi32>], vector<16xi32>,
        %bitcast3A_706 = vector.bitcast %gather3A_705 : vector<16xi32> to vector<32xbf16>
        %add3A_707 = arith.addi %shift_left3A_106, %and3A_682 : vector<16xi32>
        %gather3A_708 = tpu.vector_load_idx %arg5[%add3A_707] : memref<64000xi32, #tpu.memory_space<vmem>>[vector<16xi32>], vector<16xi32>,
        %bitcast3A_709 = vector.bitcast %gather3A_708 : vector<16xi32> to vector<32xbf16>
        %add3A_710 = arith.addi %shift_left3A_113, %and3A_682 : vector<16xi32>
        %gather3A_711 = tpu.vector_load_idx %arg5[%add3A_710] : memref<64000xi32, #tpu.memory_space<vmem>>[vector<16xi32>], vector<16xi32>,
        %bitcast3A_712 = vector.bitcast %gather3A_711 : vector<16xi32> to vector<32xbf16>
        %add3A_713 = arith.addi %shift_left3A_120, %and3A_682 : vector<16xi32>
        %gather3A_714 = tpu.vector_load_idx %arg5[%add3A_713] : memref<64000xi32, #tpu.memory_space<vmem>>[vector<16xi32>], vector<16xi32>,
        %bitcast3A_715 = vector.bitcast %gather3A_714 : vector<16xi32> to vector<32xbf16>
        %add3A_716 = arith.addi %shift_left3A_127, %and3A_682 : vector<16xi32>
        %gather3A_717 = tpu.vector_load_idx %arg5[%add3A_716] : memref<64000xi32, #tpu.memory_space<vmem>>[vector<16xi32>], vector<16xi32>,
        %bitcast3A_718 = vector.bitcast %gather3A_717 : vector<16xi32> to vector<32xbf16>
        %add3A_719 = arith.addi %shift_left3A_134, %and3A_682 : vector<16xi32>
        %gather3A_720 = tpu.vector_load_idx %arg5[%add3A_719] : memref<64000xi32, #tpu.memory_space<vmem>>[vector<16xi32>], vector<16xi32>,
        %bitcast3A_721 = vector.bitcast %gather3A_720 : vector<16xi32> to vector<32xbf16>
        %add3A_722 = arith.addi %shift_left3A_141, %and3A_682 : vector<16xi32>
        %gather3A_723 = tpu.vector_load_idx %arg5[%add3A_722] : memref<64000xi32, #tpu.memory_space<vmem>>[vector<16xi32>], vector<16xi32>,
        %bitcast3A_724 = vector.bitcast %gather3A_723 : vector<16xi32> to vector<32xbf16>
        %add3A_725 = arith.addi %shift_left3A_148, %and3A_682 : vector<16xi32>
        %gather3A_726 = tpu.vector_load_idx %arg5[%add3A_725] : memref<64000xi32, #tpu.memory_space<vmem>>[vector<16xi32>], vector<16xi32>,
        %bitcast3A_727 = vector.bitcast %gather3A_726 : vector<16xi32> to vector<32xbf16>
        %add3A_728 = arith.addi %shift_left3A_155, %and3A_682 : vector<16xi32>
        %gather3A_729 = tpu.vector_load_idx %arg5[%add3A_728] : memref<64000xi32, #tpu.memory_space<vmem>>[vector<16xi32>], vector<16xi32>,
        %bitcast3A_730 = vector.bitcast %gather3A_729 : vector<16xi32> to vector<32xbf16>
        %add3A_731 = arith.addi %shift_left3A_162, %and3A_682 : vector<16xi32>
        %gather3A_732 = tpu.vector_load_idx %arg5[%add3A_731] : memref<64000xi32, #tpu.memory_space<vmem>>[vector<16xi32>], vector<16xi32>,
        %bitcast3A_733 = vector.bitcast %gather3A_732 : vector<16xi32> to vector<32xbf16>
        %add3A_734 = arith.addi %shift_left3A_169, %and3A_682 : vector<16xi32>
        %gather3A_735 = tpu.vector_load_idx %arg5[%add3A_734] : memref<64000xi32, #tpu.memory_space<vmem>>[vector<16xi32>], vector<16xi32>,
        %bitcast3A_736 = vector.bitcast %gather3A_735 : vector<16xi32> to vector<32xbf16>
        %add3A_737 = arith.addi %shift_left3A_176, %and3A_682 : vector<16xi32>
        %gather3A_738 = tpu.vector_load_idx %arg5[%add3A_737] : memref<64000xi32, #tpu.memory_space<vmem>>[vector<16xi32>], vector<16xi32>,
        %bitcast3A_739 = vector.bitcast %gather3A_738 : vector<16xi32> to vector<32xbf16>
        %add3A_740 = arith.addi %shift_left3A_183, %and3A_682 : vector<16xi32>
        %gather3A_741 = tpu.vector_load_idx %arg5[%add3A_740] : memref<64000xi32, #tpu.memory_space<vmem>>[vector<16xi32>], vector<16xi32>,
        %bitcast3A_742 = vector.bitcast %gather3A_741 : vector<16xi32> to vector<32xbf16>
        %add3A_743 = arith.addf %bitcast3A_685, %bitcast3A_688 : vector<32xbf16>
        %add3A_744 = arith.addf %bitcast3A_691, %bitcast3A_694 : vector<32xbf16>
        %add3A_745 = arith.addf %bitcast3A_697, %bitcast3A_700 : vector<32xbf16>
        %add3A_746 = arith.addf %bitcast3A_703, %bitcast3A_706 : vector<32xbf16>
        %add3A_747 = arith.addf %bitcast3A_709, %bitcast3A_712 : vector<32xbf16>
        %add3A_748 = arith.addf %bitcast3A_715, %bitcast3A_718 : vector<32xbf16>
        %add3A_749 = arith.addf %bitcast3A_721, %bitcast3A_724 : vector<32xbf16>
        %add3A_750 = arith.addf %bitcast3A_727, %bitcast3A_730 : vector<32xbf16>
        %add3A_751 = arith.addf %bitcast3A_733, %bitcast3A_736 : vector<32xbf16>
        %add3A_752 = arith.addf %bitcast3A_739, %bitcast3A_742 : vector<32xbf16>
        %add3A_753 = arith.addf %add3A_743, %add3A_744 : vector<32xbf16>
        %add3A_754 = arith.addf %add3A_745, %add3A_746 : vector<32xbf16>
        %add3A_755 = arith.addf %add3A_747, %add3A_748 : vector<32xbf16>
        %add3A_756 = arith.addf %add3A_749, %add3A_750 : vector<32xbf16>
        %add3A_757 = arith.addf %add3A_751, %add3A_752 : vector<32xbf16>
        %add3A_758 = arith.addf %add3A_753, %add3A_754 : vector<32xbf16>
        %add3A_759 = arith.addf %add3A_755, %add3A_756 : vector<32xbf16>
        %add3A_760 = arith.addf %add3A_758, %add3A_759 : vector<32xbf16>
        %add3A_761 = arith.addf %add3A_760, %add3A_757 : vector<32xbf16>
        %bitcast3A_762 = vector.bitcast %add3A_761 : vector<32xbf16> to vector<16xi32>
        %shift_left3A_763 = arith.constant 16 : i32
        %shift_left3A_764 = vector.broadcast %shift_left3A_763 : i32 to vector<16xi32>
        %shift_left3A_765 = arith.shli %bitcast3A_762, %shift_left3A_764 : vector<16xi32>
        %bitcast3A_766 = vector.bitcast %shift_left3A_765 : vector<16xi32> to vector<16xf32>
        %and3A_767 = arith.constant -65536 : i32
        %and3A_768 = vector.broadcast %and3A_767 : i32 to vector<16xi32>
        %and3A_769 = arith.andi %bitcast3A_762, %and3A_768 : vector<16xi32>
        %bitcast3A_770 = vector.bitcast %and3A_769 : vector<16xi32> to vector<16xf32>
        tpu.vector_store_idx %arg7[%iota3A, %and3A_682], %bitcast3A_766 : memref<16x128xf32, #tpu.memory_space<vmem>>[vector<16xi32>, vector<16xi32>], vector<16xf32>,
        %add3A_771 = arith.constant 64 : i32
        %add3A_772 = vector.broadcast %add3A_771 : i32 to vector<16xi32>
        %add3A_773 = arith.addi %and3A_682, %add3A_772 : vector<16xi32>
        tpu.vector_store_idx %arg7[%iota3A, %add3A_773], %bitcast3A_770 : memref<16x128xf32, #tpu.memory_space<vmem>>[vector<16xi32>, vector<16xi32>], vector<16xf32>,
        %mul3A_774 = arith.constant 8 : i32
        %mul3A_775 = arith.muli %scan3A_375, %mul3A_774 : i32
        %add3A_776 = arith.constant 4 : i32
        %add3A_777 = arith.addi %mul3A_775, %add3A_776 : i32
        %add3A_778 = vector.broadcast %add3A_777 : i32 to vector<16xi32>
        %add3A_779 = arith.addi %add3A_778, %mul3A_5 : vector<16xi32>
        %and3A_780 = arith.constant 63 : i32
        %and3A_781 = vector.broadcast %and3A_780 : i32 to vector<16xi32>
        %and3A_782 = arith.andi %add3A_779, %and3A_781 : vector<16xi32>
        %add3A_783 = arith.addi %shift_left3A_50, %and3A_782 : vector<16xi32>
        %gather3A_784 = tpu.vector_load_idx %arg5[%add3A_783] : memref<64000xi32, #tpu.memory_space<vmem>>[vector<16xi32>], vector<16xi32>,
        %bitcast3A_785 = vector.bitcast %gather3A_784 : vector<16xi32> to vector<32xbf16>
        %add3A_786 = arith.addi %shift_left3A_57, %and3A_782 : vector<16xi32>
        %gather3A_787 = tpu.vector_load_idx %arg5[%add3A_786] : memref<64000xi32, #tpu.memory_space<vmem>>[vector<16xi32>], vector<16xi32>,
        %bitcast3A_788 = vector.bitcast %gather3A_787 : vector<16xi32> to vector<32xbf16>
        %add3A_789 = arith.addi %shift_left3A_64, %and3A_782 : vector<16xi32>
        %gather3A_790 = tpu.vector_load_idx %arg5[%add3A_789] : memref<64000xi32, #tpu.memory_space<vmem>>[vector<16xi32>], vector<16xi32>,
        %bitcast3A_791 = vector.bitcast %gather3A_790 : vector<16xi32> to vector<32xbf16>
        %add3A_792 = arith.addi %shift_left3A_71, %and3A_782 : vector<16xi32>
        %gather3A_793 = tpu.vector_load_idx %arg5[%add3A_792] : memref<64000xi32, #tpu.memory_space<vmem>>[vector<16xi32>], vector<16xi32>,
        %bitcast3A_794 = vector.bitcast %gather3A_793 : vector<16xi32> to vector<32xbf16>
        %add3A_795 = arith.addi %shift_left3A_78, %and3A_782 : vector<16xi32>
        %gather3A_796 = tpu.vector_load_idx %arg5[%add3A_795] : memref<64000xi32, #tpu.memory_space<vmem>>[vector<16xi32>], vector<16xi32>,
        %bitcast3A_797 = vector.bitcast %gather3A_796 : vector<16xi32> to vector<32xbf16>
        %add3A_798 = arith.addi %shift_left3A_85, %and3A_782 : vector<16xi32>
        %gather3A_799 = tpu.vector_load_idx %arg5[%add3A_798] : memref<64000xi32, #tpu.memory_space<vmem>>[vector<16xi32>], vector<16xi32>,
        %bitcast3A_800 = vector.bitcast %gather3A_799 : vector<16xi32> to vector<32xbf16>
        %add3A_801 = arith.addi %shift_left3A_92, %and3A_782 : vector<16xi32>
        %gather3A_802 = tpu.vector_load_idx %arg5[%add3A_801] : memref<64000xi32, #tpu.memory_space<vmem>>[vector<16xi32>], vector<16xi32>,
        %bitcast3A_803 = vector.bitcast %gather3A_802 : vector<16xi32> to vector<32xbf16>
        %add3A_804 = arith.addi %shift_left3A_99, %and3A_782 : vector<16xi32>
        %gather3A_805 = tpu.vector_load_idx %arg5[%add3A_804] : memref<64000xi32, #tpu.memory_space<vmem>>[vector<16xi32>], vector<16xi32>,
        %bitcast3A_806 = vector.bitcast %gather3A_805 : vector<16xi32> to vector<32xbf16>
        %add3A_807 = arith.addi %shift_left3A_106, %and3A_782 : vector<16xi32>
        %gather3A_808 = tpu.vector_load_idx %arg5[%add3A_807] : memref<64000xi32, #tpu.memory_space<vmem>>[vector<16xi32>], vector<16xi32>,
        %bitcast3A_809 = vector.bitcast %gather3A_808 : vector<16xi32> to vector<32xbf16>
        %add3A_810 = arith.addi %shift_left3A_113, %and3A_782 : vector<16xi32>
        %gather3A_811 = tpu.vector_load_idx %arg5[%add3A_810] : memref<64000xi32, #tpu.memory_space<vmem>>[vector<16xi32>], vector<16xi32>,
        %bitcast3A_812 = vector.bitcast %gather3A_811 : vector<16xi32> to vector<32xbf16>
        %add3A_813 = arith.addi %shift_left3A_120, %and3A_782 : vector<16xi32>
        %gather3A_814 = tpu.vector_load_idx %arg5[%add3A_813] : memref<64000xi32, #tpu.memory_space<vmem>>[vector<16xi32>], vector<16xi32>,
        %bitcast3A_815 = vector.bitcast %gather3A_814 : vector<16xi32> to vector<32xbf16>
        %add3A_816 = arith.addi %shift_left3A_127, %and3A_782 : vector<16xi32>
        %gather3A_817 = tpu.vector_load_idx %arg5[%add3A_816] : memref<64000xi32, #tpu.memory_space<vmem>>[vector<16xi32>], vector<16xi32>,
        %bitcast3A_818 = vector.bitcast %gather3A_817 : vector<16xi32> to vector<32xbf16>
        %add3A_819 = arith.addi %shift_left3A_134, %and3A_782 : vector<16xi32>
        %gather3A_820 = tpu.vector_load_idx %arg5[%add3A_819] : memref<64000xi32, #tpu.memory_space<vmem>>[vector<16xi32>], vector<16xi32>,
        %bitcast3A_821 = vector.bitcast %gather3A_820 : vector<16xi32> to vector<32xbf16>
        %add3A_822 = arith.addi %shift_left3A_141, %and3A_782 : vector<16xi32>
        %gather3A_823 = tpu.vector_load_idx %arg5[%add3A_822] : memref<64000xi32, #tpu.memory_space<vmem>>[vector<16xi32>], vector<16xi32>,
        %bitcast3A_824 = vector.bitcast %gather3A_823 : vector<16xi32> to vector<32xbf16>
        %add3A_825 = arith.addi %shift_left3A_148, %and3A_782 : vector<16xi32>
        %gather3A_826 = tpu.vector_load_idx %arg5[%add3A_825] : memref<64000xi32, #tpu.memory_space<vmem>>[vector<16xi32>], vector<16xi32>,
        %bitcast3A_827 = vector.bitcast %gather3A_826 : vector<16xi32> to vector<32xbf16>
        %add3A_828 = arith.addi %shift_left3A_155, %and3A_782 : vector<16xi32>
        %gather3A_829 = tpu.vector_load_idx %arg5[%add3A_828] : memref<64000xi32, #tpu.memory_space<vmem>>[vector<16xi32>], vector<16xi32>,
        %bitcast3A_830 = vector.bitcast %gather3A_829 : vector<16xi32> to vector<32xbf16>
        %add3A_831 = arith.addi %shift_left3A_162, %and3A_782 : vector<16xi32>
        %gather3A_832 = tpu.vector_load_idx %arg5[%add3A_831] : memref<64000xi32, #tpu.memory_space<vmem>>[vector<16xi32>], vector<16xi32>,
        %bitcast3A_833 = vector.bitcast %gather3A_832 : vector<16xi32> to vector<32xbf16>
        %add3A_834 = arith.addi %shift_left3A_169, %and3A_782 : vector<16xi32>
        %gather3A_835 = tpu.vector_load_idx %arg5[%add3A_834] : memref<64000xi32, #tpu.memory_space<vmem>>[vector<16xi32>], vector<16xi32>,
        %bitcast3A_836 = vector.bitcast %gather3A_835 : vector<16xi32> to vector<32xbf16>
        %add3A_837 = arith.addi %shift_left3A_176, %and3A_782 : vector<16xi32>
        %gather3A_838 = tpu.vector_load_idx %arg5[%add3A_837] : memref<64000xi32, #tpu.memory_space<vmem>>[vector<16xi32>], vector<16xi32>,
        %bitcast3A_839 = vector.bitcast %gather3A_838 : vector<16xi32> to vector<32xbf16>
        %add3A_840 = arith.addi %shift_left3A_183, %and3A_782 : vector<16xi32>
        %gather3A_841 = tpu.vector_load_idx %arg5[%add3A_840] : memref<64000xi32, #tpu.memory_space<vmem>>[vector<16xi32>], vector<16xi32>,
        %bitcast3A_842 = vector.bitcast %gather3A_841 : vector<16xi32> to vector<32xbf16>
        %add3A_843 = arith.addf %bitcast3A_785, %bitcast3A_788 : vector<32xbf16>
        %add3A_844 = arith.addf %bitcast3A_791, %bitcast3A_794 : vector<32xbf16>
        %add3A_845 = arith.addf %bitcast3A_797, %bitcast3A_800 : vector<32xbf16>
        %add3A_846 = arith.addf %bitcast3A_803, %bitcast3A_806 : vector<32xbf16>
        %add3A_847 = arith.addf %bitcast3A_809, %bitcast3A_812 : vector<32xbf16>
        %add3A_848 = arith.addf %bitcast3A_815, %bitcast3A_818 : vector<32xbf16>
        %add3A_849 = arith.addf %bitcast3A_821, %bitcast3A_824 : vector<32xbf16>
        %add3A_850 = arith.addf %bitcast3A_827, %bitcast3A_830 : vector<32xbf16>
        %add3A_851 = arith.addf %bitcast3A_833, %bitcast3A_836 : vector<32xbf16>
        %add3A_852 = arith.addf %bitcast3A_839, %bitcast3A_842 : vector<32xbf16>
        %add3A_853 = arith.addf %add3A_843, %add3A_844 : vector<32xbf16>
        %add3A_854 = arith.addf %add3A_845, %add3A_846 : vector<32xbf16>
        %add3A_855 = arith.addf %add3A_847, %add3A_848 : vector<32xbf16>
        %add3A_856 = arith.addf %add3A_849, %add3A_850 : vector<32xbf16>
        %add3A_857 = arith.addf %add3A_851, %add3A_852 : vector<32xbf16>
        %add3A_858 = arith.addf %add3A_853, %add3A_854 : vector<32xbf16>
        %add3A_859 = arith.addf %add3A_855, %add3A_856 : vector<32xbf16>
        %add3A_860 = arith.addf %add3A_858, %add3A_859 : vector<32xbf16>
        %add3A_861 = arith.addf %add3A_860, %add3A_857 : vector<32xbf16>
        %bitcast3A_862 = vector.bitcast %add3A_861 : vector<32xbf16> to vector<16xi32>
        %shift_left3A_863 = arith.constant 16 : i32
        %shift_left3A_864 = vector.broadcast %shift_left3A_863 : i32 to vector<16xi32>
        %shift_left3A_865 = arith.shli %bitcast3A_862, %shift_left3A_864 : vector<16xi32>
        %bitcast3A_866 = vector.bitcast %shift_left3A_865 : vector<16xi32> to vector<16xf32>
        %and3A_867 = arith.constant -65536 : i32
        %and3A_868 = vector.broadcast %and3A_867 : i32 to vector<16xi32>
        %and3A_869 = arith.andi %bitcast3A_862, %and3A_868 : vector<16xi32>
        %bitcast3A_870 = vector.bitcast %and3A_869 : vector<16xi32> to vector<16xf32>
        tpu.vector_store_idx %arg7[%iota3A, %and3A_782], %bitcast3A_866 : memref<16x128xf32, #tpu.memory_space<vmem>>[vector<16xi32>, vector<16xi32>], vector<16xf32>,
        %add3A_871 = arith.constant 64 : i32
        %add3A_872 = vector.broadcast %add3A_871 : i32 to vector<16xi32>
        %add3A_873 = arith.addi %and3A_782, %add3A_872 : vector<16xi32>
        tpu.vector_store_idx %arg7[%iota3A, %add3A_873], %bitcast3A_870 : memref<16x128xf32, #tpu.memory_space<vmem>>[vector<16xi32>, vector<16xi32>], vector<16xf32>,
        %mul3A_874 = arith.constant 8 : i32
        %mul3A_875 = arith.muli %scan3A_375, %mul3A_874 : i32
        %add3A_876 = arith.constant 5 : i32
        %add3A_877 = arith.addi %mul3A_875, %add3A_876 : i32
        %add3A_878 = vector.broadcast %add3A_877 : i32 to vector<16xi32>
        %add3A_879 = arith.addi %add3A_878, %mul3A_5 : vector<16xi32>
        %and3A_880 = arith.constant 63 : i32
        %and3A_881 = vector.broadcast %and3A_880 : i32 to vector<16xi32>
        %and3A_882 = arith.andi %add3A_879, %and3A_881 : vector<16xi32>
        %add3A_883 = arith.addi %shift_left3A_50, %and3A_882 : vector<16xi32>
        %gather3A_884 = tpu.vector_load_idx %arg5[%add3A_883] : memref<64000xi32, #tpu.memory_space<vmem>>[vector<16xi32>], vector<16xi32>,
        %bitcast3A_885 = vector.bitcast %gather3A_884 : vector<16xi32> to vector<32xbf16>
        %add3A_886 = arith.addi %shift_left3A_57, %and3A_882 : vector<16xi32>
        %gather3A_887 = tpu.vector_load_idx %arg5[%add3A_886] : memref<64000xi32, #tpu.memory_space<vmem>>[vector<16xi32>], vector<16xi32>,
        %bitcast3A_888 = vector.bitcast %gather3A_887 : vector<16xi32> to vector<32xbf16>
        %add3A_889 = arith.addi %shift_left3A_64, %and3A_882 : vector<16xi32>
        %gather3A_890 = tpu.vector_load_idx %arg5[%add3A_889] : memref<64000xi32, #tpu.memory_space<vmem>>[vector<16xi32>], vector<16xi32>,
        %bitcast3A_891 = vector.bitcast %gather3A_890 : vector<16xi32> to vector<32xbf16>
        %add3A_892 = arith.addi %shift_left3A_71, %and3A_882 : vector<16xi32>
        %gather3A_893 = tpu.vector_load_idx %arg5[%add3A_892] : memref<64000xi32, #tpu.memory_space<vmem>>[vector<16xi32>], vector<16xi32>,
        %bitcast3A_894 = vector.bitcast %gather3A_893 : vector<16xi32> to vector<32xbf16>
        %add3A_895 = arith.addi %shift_left3A_78, %and3A_882 : vector<16xi32>
        %gather3A_896 = tpu.vector_load_idx %arg5[%add3A_895] : memref<64000xi32, #tpu.memory_space<vmem>>[vector<16xi32>], vector<16xi32>,
        %bitcast3A_897 = vector.bitcast %gather3A_896 : vector<16xi32> to vector<32xbf16>
        %add3A_898 = arith.addi %shift_left3A_85, %and3A_882 : vector<16xi32>
        %gather3A_899 = tpu.vector_load_idx %arg5[%add3A_898] : memref<64000xi32, #tpu.memory_space<vmem>>[vector<16xi32>], vector<16xi32>,
        %bitcast3A_900 = vector.bitcast %gather3A_899 : vector<16xi32> to vector<32xbf16>
        %add3A_901 = arith.addi %shift_left3A_92, %and3A_882 : vector<16xi32>
        %gather3A_902 = tpu.vector_load_idx %arg5[%add3A_901] : memref<64000xi32, #tpu.memory_space<vmem>>[vector<16xi32>], vector<16xi32>,
        %bitcast3A_903 = vector.bitcast %gather3A_902 : vector<16xi32> to vector<32xbf16>
        %add3A_904 = arith.addi %shift_left3A_99, %and3A_882 : vector<16xi32>
        %gather3A_905 = tpu.vector_load_idx %arg5[%add3A_904] : memref<64000xi32, #tpu.memory_space<vmem>>[vector<16xi32>], vector<16xi32>,
        %bitcast3A_906 = vector.bitcast %gather3A_905 : vector<16xi32> to vector<32xbf16>
        %add3A_907 = arith.addi %shift_left3A_106, %and3A_882 : vector<16xi32>
        %gather3A_908 = tpu.vector_load_idx %arg5[%add3A_907] : memref<64000xi32, #tpu.memory_space<vmem>>[vector<16xi32>], vector<16xi32>,
        %bitcast3A_909 = vector.bitcast %gather3A_908 : vector<16xi32> to vector<32xbf16>
        %add3A_910 = arith.addi %shift_left3A_113, %and3A_882 : vector<16xi32>
        %gather3A_911 = tpu.vector_load_idx %arg5[%add3A_910] : memref<64000xi32, #tpu.memory_space<vmem>>[vector<16xi32>], vector<16xi32>,
        %bitcast3A_912 = vector.bitcast %gather3A_911 : vector<16xi32> to vector<32xbf16>
        %add3A_913 = arith.addi %shift_left3A_120, %and3A_882 : vector<16xi32>
        %gather3A_914 = tpu.vector_load_idx %arg5[%add3A_913] : memref<64000xi32, #tpu.memory_space<vmem>>[vector<16xi32>], vector<16xi32>,
        %bitcast3A_915 = vector.bitcast %gather3A_914 : vector<16xi32> to vector<32xbf16>
        %add3A_916 = arith.addi %shift_left3A_127, %and3A_882 : vector<16xi32>
        %gather3A_917 = tpu.vector_load_idx %arg5[%add3A_916] : memref<64000xi32, #tpu.memory_space<vmem>>[vector<16xi32>], vector<16xi32>,
        %bitcast3A_918 = vector.bitcast %gather3A_917 : vector<16xi32> to vector<32xbf16>
        %add3A_919 = arith.addi %shift_left3A_134, %and3A_882 : vector<16xi32>
        %gather3A_920 = tpu.vector_load_idx %arg5[%add3A_919] : memref<64000xi32, #tpu.memory_space<vmem>>[vector<16xi32>], vector<16xi32>,
        %bitcast3A_921 = vector.bitcast %gather3A_920 : vector<16xi32> to vector<32xbf16>
        %add3A_922 = arith.addi %shift_left3A_141, %and3A_882 : vector<16xi32>
        %gather3A_923 = tpu.vector_load_idx %arg5[%add3A_922] : memref<64000xi32, #tpu.memory_space<vmem>>[vector<16xi32>], vector<16xi32>,
        %bitcast3A_924 = vector.bitcast %gather3A_923 : vector<16xi32> to vector<32xbf16>
        %add3A_925 = arith.addi %shift_left3A_148, %and3A_882 : vector<16xi32>
        %gather3A_926 = tpu.vector_load_idx %arg5[%add3A_925] : memref<64000xi32, #tpu.memory_space<vmem>>[vector<16xi32>], vector<16xi32>,
        %bitcast3A_927 = vector.bitcast %gather3A_926 : vector<16xi32> to vector<32xbf16>
        %add3A_928 = arith.addi %shift_left3A_155, %and3A_882 : vector<16xi32>
        %gather3A_929 = tpu.vector_load_idx %arg5[%add3A_928] : memref<64000xi32, #tpu.memory_space<vmem>>[vector<16xi32>], vector<16xi32>,
        %bitcast3A_930 = vector.bitcast %gather3A_929 : vector<16xi32> to vector<32xbf16>
        %add3A_931 = arith.addi %shift_left3A_162, %and3A_882 : vector<16xi32>
        %gather3A_932 = tpu.vector_load_idx %arg5[%add3A_931] : memref<64000xi32, #tpu.memory_space<vmem>>[vector<16xi32>], vector<16xi32>,
        %bitcast3A_933 = vector.bitcast %gather3A_932 : vector<16xi32> to vector<32xbf16>
        %add3A_934 = arith.addi %shift_left3A_169, %and3A_882 : vector<16xi32>
        %gather3A_935 = tpu.vector_load_idx %arg5[%add3A_934] : memref<64000xi32, #tpu.memory_space<vmem>>[vector<16xi32>], vector<16xi32>,
        %bitcast3A_936 = vector.bitcast %gather3A_935 : vector<16xi32> to vector<32xbf16>
        %add3A_937 = arith.addi %shift_left3A_176, %and3A_882 : vector<16xi32>
        %gather3A_938 = tpu.vector_load_idx %arg5[%add3A_937] : memref<64000xi32, #tpu.memory_space<vmem>>[vector<16xi32>], vector<16xi32>,
        %bitcast3A_939 = vector.bitcast %gather3A_938 : vector<16xi32> to vector<32xbf16>
        %add3A_940 = arith.addi %shift_left3A_183, %and3A_882 : vector<16xi32>
        %gather3A_941 = tpu.vector_load_idx %arg5[%add3A_940] : memref<64000xi32, #tpu.memory_space<vmem>>[vector<16xi32>], vector<16xi32>,
        %bitcast3A_942 = vector.bitcast %gather3A_941 : vector<16xi32> to vector<32xbf16>
        %add3A_943 = arith.addf %bitcast3A_885, %bitcast3A_888 : vector<32xbf16>
        %add3A_944 = arith.addf %bitcast3A_891, %bitcast3A_894 : vector<32xbf16>
        %add3A_945 = arith.addf %bitcast3A_897, %bitcast3A_900 : vector<32xbf16>
        %add3A_946 = arith.addf %bitcast3A_903, %bitcast3A_906 : vector<32xbf16>
        %add3A_947 = arith.addf %bitcast3A_909, %bitcast3A_912 : vector<32xbf16>
        %add3A_948 = arith.addf %bitcast3A_915, %bitcast3A_918 : vector<32xbf16>
        %add3A_949 = arith.addf %bitcast3A_921, %bitcast3A_924 : vector<32xbf16>
        %add3A_950 = arith.addf %bitcast3A_927, %bitcast3A_930 : vector<32xbf16>
        %add3A_951 = arith.addf %bitcast3A_933, %bitcast3A_936 : vector<32xbf16>
        %add3A_952 = arith.addf %bitcast3A_939, %bitcast3A_942 : vector<32xbf16>
        %add3A_953 = arith.addf %add3A_943, %add3A_944 : vector<32xbf16>
        %add3A_954 = arith.addf %add3A_945, %add3A_946 : vector<32xbf16>
        %add3A_955 = arith.addf %add3A_947, %add3A_948 : vector<32xbf16>
        %add3A_956 = arith.addf %add3A_949, %add3A_950 : vector<32xbf16>
        %add3A_957 = arith.addf %add3A_951, %add3A_952 : vector<32xbf16>
        %add3A_958 = arith.addf %add3A_953, %add3A_954 : vector<32xbf16>
        %add3A_959 = arith.addf %add3A_955, %add3A_956 : vector<32xbf16>
        %add3A_960 = arith.addf %add3A_958, %add3A_959 : vector<32xbf16>
        %add3A_961 = arith.addf %add3A_960, %add3A_957 : vector<32xbf16>
        %bitcast3A_962 = vector.bitcast %add3A_961 : vector<32xbf16> to vector<16xi32>
        %shift_left3A_963 = arith.constant 16 : i32
        %shift_left3A_964 = vector.broadcast %shift_left3A_963 : i32 to vector<16xi32>
        %shift_left3A_965 = arith.shli %bitcast3A_962, %shift_left3A_964 : vector<16xi32>
        %bitcast3A_966 = vector.bitcast %shift_left3A_965 : vector<16xi32> to vector<16xf32>
        %and3A_967 = arith.constant -65536 : i32
        %and3A_968 = vector.broadcast %and3A_967 : i32 to vector<16xi32>
        %and3A_969 = arith.andi %bitcast3A_962, %and3A_968 : vector<16xi32>
        %bitcast3A_970 = vector.bitcast %and3A_969 : vector<16xi32> to vector<16xf32>
        tpu.vector_store_idx %arg7[%iota3A, %and3A_882], %bitcast3A_966 : memref<16x128xf32, #tpu.memory_space<vmem>>[vector<16xi32>, vector<16xi32>], vector<16xf32>,
        %add3A_971 = arith.constant 64 : i32
        %add3A_972 = vector.broadcast %add3A_971 : i32 to vector<16xi32>
        %add3A_973 = arith.addi %and3A_882, %add3A_972 : vector<16xi32>
        tpu.vector_store_idx %arg7[%iota3A, %add3A_973], %bitcast3A_970 : memref<16x128xf32, #tpu.memory_space<vmem>>[vector<16xi32>, vector<16xi32>], vector<16xf32>,
        %mul3A_974 = arith.constant 8 : i32
        %mul3A_975 = arith.muli %scan3A_375, %mul3A_974 : i32
        %add3A_976 = arith.constant 6 : i32
        %add3A_977 = arith.addi %mul3A_975, %add3A_976 : i32
        %add3A_978 = vector.broadcast %add3A_977 : i32 to vector<16xi32>
        %add3A_979 = arith.addi %add3A_978, %mul3A_5 : vector<16xi32>
        %and3A_980 = arith.constant 63 : i32
        %and3A_981 = vector.broadcast %and3A_980 : i32 to vector<16xi32>
        %and3A_982 = arith.andi %add3A_979, %and3A_981 : vector<16xi32>
        %add3A_983 = arith.addi %shift_left3A_50, %and3A_982 : vector<16xi32>
        %gather3A_984 = tpu.vector_load_idx %arg5[%add3A_983] : memref<64000xi32, #tpu.memory_space<vmem>>[vector<16xi32>], vector<16xi32>,
        %bitcast3A_985 = vector.bitcast %gather3A_984 : vector<16xi32> to vector<32xbf16>
        %add3A_986 = arith.addi %shift_left3A_57, %and3A_982 : vector<16xi32>
        %gather3A_987 = tpu.vector_load_idx %arg5[%add3A_986] : memref<64000xi32, #tpu.memory_space<vmem>>[vector<16xi32>], vector<16xi32>,
        %bitcast3A_988 = vector.bitcast %gather3A_987 : vector<16xi32> to vector<32xbf16>
        %add3A_989 = arith.addi %shift_left3A_64, %and3A_982 : vector<16xi32>
        %gather3A_990 = tpu.vector_load_idx %arg5[%add3A_989] : memref<64000xi32, #tpu.memory_space<vmem>>[vector<16xi32>], vector<16xi32>,
        %bitcast3A_991 = vector.bitcast %gather3A_990 : vector<16xi32> to vector<32xbf16>
        %add3A_992 = arith.addi %shift_left3A_71, %and3A_982 : vector<16xi32>
        %gather3A_993 = tpu.vector_load_idx %arg5[%add3A_992] : memref<64000xi32, #tpu.memory_space<vmem>>[vector<16xi32>], vector<16xi32>,
        %bitcast3A_994 = vector.bitcast %gather3A_993 : vector<16xi32> to vector<32xbf16>
        %add3A_995 = arith.addi %shift_left3A_78, %and3A_982 : vector<16xi32>
        %gather3A_996 = tpu.vector_load_idx %arg5[%add3A_995] : memref<64000xi32, #tpu.memory_space<vmem>>[vector<16xi32>], vector<16xi32>,
        %bitcast3A_997 = vector.bitcast %gather3A_996 : vector<16xi32> to vector<32xbf16>
        %add3A_998 = arith.addi %shift_left3A_85, %and3A_982 : vector<16xi32>
        %gather3A_999 = tpu.vector_load_idx %arg5[%add3A_998] : memref<64000xi32, #tpu.memory_space<vmem>>[vector<16xi32>], vector<16xi32>,
        %bitcast3A_1000 = vector.bitcast %gather3A_999 : vector<16xi32> to vector<32xbf16>
        %add3A_1001 = arith.addi %shift_left3A_92, %and3A_982 : vector<16xi32>
        %gather3A_1002 = tpu.vector_load_idx %arg5[%add3A_1001] : memref<64000xi32, #tpu.memory_space<vmem>>[vector<16xi32>], vector<16xi32>,
        %bitcast3A_1003 = vector.bitcast %gather3A_1002 : vector<16xi32> to vector<32xbf16>
        %add3A_1004 = arith.addi %shift_left3A_99, %and3A_982 : vector<16xi32>
        %gather3A_1005 = tpu.vector_load_idx %arg5[%add3A_1004] : memref<64000xi32, #tpu.memory_space<vmem>>[vector<16xi32>], vector<16xi32>,
        %bitcast3A_1006 = vector.bitcast %gather3A_1005 : vector<16xi32> to vector<32xbf16>
        %add3A_1007 = arith.addi %shift_left3A_106, %and3A_982 : vector<16xi32>
        %gather3A_1008 = tpu.vector_load_idx %arg5[%add3A_1007] : memref<64000xi32, #tpu.memory_space<vmem>>[vector<16xi32>], vector<16xi32>,
        %bitcast3A_1009 = vector.bitcast %gather3A_1008 : vector<16xi32> to vector<32xbf16>
        %add3A_1010 = arith.addi %shift_left3A_113, %and3A_982 : vector<16xi32>
        %gather3A_1011 = tpu.vector_load_idx %arg5[%add3A_1010] : memref<64000xi32, #tpu.memory_space<vmem>>[vector<16xi32>], vector<16xi32>,
        %bitcast3A_1012 = vector.bitcast %gather3A_1011 : vector<16xi32> to vector<32xbf16>
        %add3A_1013 = arith.addi %shift_left3A_120, %and3A_982 : vector<16xi32>
        %gather3A_1014 = tpu.vector_load_idx %arg5[%add3A_1013] : memref<64000xi32, #tpu.memory_space<vmem>>[vector<16xi32>], vector<16xi32>,
        %bitcast3A_1015 = vector.bitcast %gather3A_1014 : vector<16xi32> to vector<32xbf16>
        %add3A_1016 = arith.addi %shift_left3A_127, %and3A_982 : vector<16xi32>
        %gather3A_1017 = tpu.vector_load_idx %arg5[%add3A_1016] : memref<64000xi32, #tpu.memory_space<vmem>>[vector<16xi32>], vector<16xi32>,
        %bitcast3A_1018 = vector.bitcast %gather3A_1017 : vector<16xi32> to vector<32xbf16>
        %add3A_1019 = arith.addi %shift_left3A_134, %and3A_982 : vector<16xi32>
        %gather3A_1020 = tpu.vector_load_idx %arg5[%add3A_1019] : memref<64000xi32, #tpu.memory_space<vmem>>[vector<16xi32>], vector<16xi32>,
        %bitcast3A_1021 = vector.bitcast %gather3A_1020 : vector<16xi32> to vector<32xbf16>
        %add3A_1022 = arith.addi %shift_left3A_141, %and3A_982 : vector<16xi32>
        %gather3A_1023 = tpu.vector_load_idx %arg5[%add3A_1022] : memref<64000xi32, #tpu.memory_space<vmem>>[vector<16xi32>], vector<16xi32>,
        %bitcast3A_1024 = vector.bitcast %gather3A_1023 : vector<16xi32> to vector<32xbf16>
        %add3A_1025 = arith.addi %shift_left3A_148, %and3A_982 : vector<16xi32>
        %gather3A_1026 = tpu.vector_load_idx %arg5[%add3A_1025] : memref<64000xi32, #tpu.memory_space<vmem>>[vector<16xi32>], vector<16xi32>,
        %bitcast3A_1027 = vector.bitcast %gather3A_1026 : vector<16xi32> to vector<32xbf16>
        %add3A_1028 = arith.addi %shift_left3A_155, %and3A_982 : vector<16xi32>
        %gather3A_1029 = tpu.vector_load_idx %arg5[%add3A_1028] : memref<64000xi32, #tpu.memory_space<vmem>>[vector<16xi32>], vector<16xi32>,
        %bitcast3A_1030 = vector.bitcast %gather3A_1029 : vector<16xi32> to vector<32xbf16>
        %add3A_1031 = arith.addi %shift_left3A_162, %and3A_982 : vector<16xi32>
        %gather3A_1032 = tpu.vector_load_idx %arg5[%add3A_1031] : memref<64000xi32, #tpu.memory_space<vmem>>[vector<16xi32>], vector<16xi32>,
        %bitcast3A_1033 = vector.bitcast %gather3A_1032 : vector<16xi32> to vector<32xbf16>
        %add3A_1034 = arith.addi %shift_left3A_169, %and3A_982 : vector<16xi32>
        %gather3A_1035 = tpu.vector_load_idx %arg5[%add3A_1034] : memref<64000xi32, #tpu.memory_space<vmem>>[vector<16xi32>], vector<16xi32>,
        %bitcast3A_1036 = vector.bitcast %gather3A_1035 : vector<16xi32> to vector<32xbf16>
        %add3A_1037 = arith.addi %shift_left3A_176, %and3A_982 : vector<16xi32>
        %gather3A_1038 = tpu.vector_load_idx %arg5[%add3A_1037] : memref<64000xi32, #tpu.memory_space<vmem>>[vector<16xi32>], vector<16xi32>,
        %bitcast3A_1039 = vector.bitcast %gather3A_1038 : vector<16xi32> to vector<32xbf16>
        %add3A_1040 = arith.addi %shift_left3A_183, %and3A_982 : vector<16xi32>
        %gather3A_1041 = tpu.vector_load_idx %arg5[%add3A_1040] : memref<64000xi32, #tpu.memory_space<vmem>>[vector<16xi32>], vector<16xi32>,
        %bitcast3A_1042 = vector.bitcast %gather3A_1041 : vector<16xi32> to vector<32xbf16>
        %add3A_1043 = arith.addf %bitcast3A_985, %bitcast3A_988 : vector<32xbf16>
        %add3A_1044 = arith.addf %bitcast3A_991, %bitcast3A_994 : vector<32xbf16>
        %add3A_1045 = arith.addf %bitcast3A_997, %bitcast3A_1000 : vector<32xbf16>
        %add3A_1046 = arith.addf %bitcast3A_1003, %bitcast3A_1006 : vector<32xbf16>
        %add3A_1047 = arith.addf %bitcast3A_1009, %bitcast3A_1012 : vector<32xbf16>
        %add3A_1048 = arith.addf %bitcast3A_1015, %bitcast3A_1018 : vector<32xbf16>
        %add3A_1049 = arith.addf %bitcast3A_1021, %bitcast3A_1024 : vector<32xbf16>
        %add3A_1050 = arith.addf %bitcast3A_1027, %bitcast3A_1030 : vector<32xbf16>
        %add3A_1051 = arith.addf %bitcast3A_1033, %bitcast3A_1036 : vector<32xbf16>
        %add3A_1052 = arith.addf %bitcast3A_1039, %bitcast3A_1042 : vector<32xbf16>
        %add3A_1053 = arith.addf %add3A_1043, %add3A_1044 : vector<32xbf16>
        %add3A_1054 = arith.addf %add3A_1045, %add3A_1046 : vector<32xbf16>
        %add3A_1055 = arith.addf %add3A_1047, %add3A_1048 : vector<32xbf16>
        %add3A_1056 = arith.addf %add3A_1049, %add3A_1050 : vector<32xbf16>
        %add3A_1057 = arith.addf %add3A_1051, %add3A_1052 : vector<32xbf16>
        %add3A_1058 = arith.addf %add3A_1053, %add3A_1054 : vector<32xbf16>
        %add3A_1059 = arith.addf %add3A_1055, %add3A_1056 : vector<32xbf16>
        %add3A_1060 = arith.addf %add3A_1058, %add3A_1059 : vector<32xbf16>
        %add3A_1061 = arith.addf %add3A_1060, %add3A_1057 : vector<32xbf16>
        %bitcast3A_1062 = vector.bitcast %add3A_1061 : vector<32xbf16> to vector<16xi32>
        %shift_left3A_1063 = arith.constant 16 : i32
        %shift_left3A_1064 = vector.broadcast %shift_left3A_1063 : i32 to vector<16xi32>
        %shift_left3A_1065 = arith.shli %bitcast3A_1062, %shift_left3A_1064 : vector<16xi32>
        %bitcast3A_1066 = vector.bitcast %shift_left3A_1065 : vector<16xi32> to vector<16xf32>
        %and3A_1067 = arith.constant -65536 : i32
        %and3A_1068 = vector.broadcast %and3A_1067 : i32 to vector<16xi32>
        %and3A_1069 = arith.andi %bitcast3A_1062, %and3A_1068 : vector<16xi32>
        %bitcast3A_1070 = vector.bitcast %and3A_1069 : vector<16xi32> to vector<16xf32>
        tpu.vector_store_idx %arg7[%iota3A, %and3A_982], %bitcast3A_1066 : memref<16x128xf32, #tpu.memory_space<vmem>>[vector<16xi32>, vector<16xi32>], vector<16xf32>,
        %add3A_1071 = arith.constant 64 : i32
        %add3A_1072 = vector.broadcast %add3A_1071 : i32 to vector<16xi32>
        %add3A_1073 = arith.addi %and3A_982, %add3A_1072 : vector<16xi32>
        tpu.vector_store_idx %arg7[%iota3A, %add3A_1073], %bitcast3A_1070 : memref<16x128xf32, #tpu.memory_space<vmem>>[vector<16xi32>, vector<16xi32>], vector<16xf32>,
        %mul3A_1074 = arith.constant 8 : i32
        %mul3A_1075 = arith.muli %scan3A_375, %mul3A_1074 : i32
        %add3A_1076 = arith.constant 7 : i32
        %add3A_1077 = arith.addi %mul3A_1075, %add3A_1076 : i32
        %add3A_1078 = vector.broadcast %add3A_1077 : i32 to vector<16xi32>
        %add3A_1079 = arith.addi %add3A_1078, %mul3A_5 : vector<16xi32>
        %and3A_1080 = arith.constant 63 : i32
        %and3A_1081 = vector.broadcast %and3A_1080 : i32 to vector<16xi32>
        %and3A_1082 = arith.andi %add3A_1079, %and3A_1081 : vector<16xi32>
        %add3A_1083 = arith.addi %shift_left3A_50, %and3A_1082 : vector<16xi32>
        %gather3A_1084 = tpu.vector_load_idx %arg5[%add3A_1083] : memref<64000xi32, #tpu.memory_space<vmem>>[vector<16xi32>], vector<16xi32>,
        %bitcast3A_1085 = vector.bitcast %gather3A_1084 : vector<16xi32> to vector<32xbf16>
        %add3A_1086 = arith.addi %shift_left3A_57, %and3A_1082 : vector<16xi32>
        %gather3A_1087 = tpu.vector_load_idx %arg5[%add3A_1086] : memref<64000xi32, #tpu.memory_space<vmem>>[vector<16xi32>], vector<16xi32>,
        %bitcast3A_1088 = vector.bitcast %gather3A_1087 : vector<16xi32> to vector<32xbf16>
        %add3A_1089 = arith.addi %shift_left3A_64, %and3A_1082 : vector<16xi32>
        %gather3A_1090 = tpu.vector_load_idx %arg5[%add3A_1089] : memref<64000xi32, #tpu.memory_space<vmem>>[vector<16xi32>], vector<16xi32>,
        %bitcast3A_1091 = vector.bitcast %gather3A_1090 : vector<16xi32> to vector<32xbf16>
        %add3A_1092 = arith.addi %shift_left3A_71, %and3A_1082 : vector<16xi32>
        %gather3A_1093 = tpu.vector_load_idx %arg5[%add3A_1092] : memref<64000xi32, #tpu.memory_space<vmem>>[vector<16xi32>], vector<16xi32>,
        %bitcast3A_1094 = vector.bitcast %gather3A_1093 : vector<16xi32> to vector<32xbf16>
        %add3A_1095 = arith.addi %shift_left3A_78, %and3A_1082 : vector<16xi32>
        %gather3A_1096 = tpu.vector_load_idx %arg5[%add3A_1095] : memref<64000xi32, #tpu.memory_space<vmem>>[vector<16xi32>], vector<16xi32>,
        %bitcast3A_1097 = vector.bitcast %gather3A_1096 : vector<16xi32> to vector<32xbf16>
        %add3A_1098 = arith.addi %shift_left3A_85, %and3A_1082 : vector<16xi32>
        %gather3A_1099 = tpu.vector_load_idx %arg5[%add3A_1098] : memref<64000xi32, #tpu.memory_space<vmem>>[vector<16xi32>], vector<16xi32>,
        %bitcast3A_1100 = vector.bitcast %gather3A_1099 : vector<16xi32> to vector<32xbf16>
        %add3A_1101 = arith.addi %shift_left3A_92, %and3A_1082 : vector<16xi32>
        %gather3A_1102 = tpu.vector_load_idx %arg5[%add3A_1101] : memref<64000xi32, #tpu.memory_space<vmem>>[vector<16xi32>], vector<16xi32>,
        %bitcast3A_1103 = vector.bitcast %gather3A_1102 : vector<16xi32> to vector<32xbf16>
        %add3A_1104 = arith.addi %shift_left3A_99, %and3A_1082 : vector<16xi32>
        %gather3A_1105 = tpu.vector_load_idx %arg5[%add3A_1104] : memref<64000xi32, #tpu.memory_space<vmem>>[vector<16xi32>], vector<16xi32>,
        %bitcast3A_1106 = vector.bitcast %gather3A_1105 : vector<16xi32> to vector<32xbf16>
        %add3A_1107 = arith.addi %shift_left3A_106, %and3A_1082 : vector<16xi32>
        %gather3A_1108 = tpu.vector_load_idx %arg5[%add3A_1107] : memref<64000xi32, #tpu.memory_space<vmem>>[vector<16xi32>], vector<16xi32>,
        %bitcast3A_1109 = vector.bitcast %gather3A_1108 : vector<16xi32> to vector<32xbf16>
        %add3A_1110 = arith.addi %shift_left3A_113, %and3A_1082 : vector<16xi32>
        %gather3A_1111 = tpu.vector_load_idx %arg5[%add3A_1110] : memref<64000xi32, #tpu.memory_space<vmem>>[vector<16xi32>], vector<16xi32>,
        %bitcast3A_1112 = vector.bitcast %gather3A_1111 : vector<16xi32> to vector<32xbf16>
        %add3A_1113 = arith.addi %shift_left3A_120, %and3A_1082 : vector<16xi32>
        %gather3A_1114 = tpu.vector_load_idx %arg5[%add3A_1113] : memref<64000xi32, #tpu.memory_space<vmem>>[vector<16xi32>], vector<16xi32>,
        %bitcast3A_1115 = vector.bitcast %gather3A_1114 : vector<16xi32> to vector<32xbf16>
        %add3A_1116 = arith.addi %shift_left3A_127, %and3A_1082 : vector<16xi32>
        %gather3A_1117 = tpu.vector_load_idx %arg5[%add3A_1116] : memref<64000xi32, #tpu.memory_space<vmem>>[vector<16xi32>], vector<16xi32>,
        %bitcast3A_1118 = vector.bitcast %gather3A_1117 : vector<16xi32> to vector<32xbf16>
        %add3A_1119 = arith.addi %shift_left3A_134, %and3A_1082 : vector<16xi32>
        %gather3A_1120 = tpu.vector_load_idx %arg5[%add3A_1119] : memref<64000xi32, #tpu.memory_space<vmem>>[vector<16xi32>], vector<16xi32>,
        %bitcast3A_1121 = vector.bitcast %gather3A_1120 : vector<16xi32> to vector<32xbf16>
        %add3A_1122 = arith.addi %shift_left3A_141, %and3A_1082 : vector<16xi32>
        %gather3A_1123 = tpu.vector_load_idx %arg5[%add3A_1122] : memref<64000xi32, #tpu.memory_space<vmem>>[vector<16xi32>], vector<16xi32>,
        %bitcast3A_1124 = vector.bitcast %gather3A_1123 : vector<16xi32> to vector<32xbf16>
        %add3A_1125 = arith.addi %shift_left3A_148, %and3A_1082 : vector<16xi32>
        %gather3A_1126 = tpu.vector_load_idx %arg5[%add3A_1125] : memref<64000xi32, #tpu.memory_space<vmem>>[vector<16xi32>], vector<16xi32>,
        %bitcast3A_1127 = vector.bitcast %gather3A_1126 : vector<16xi32> to vector<32xbf16>
        %add3A_1128 = arith.addi %shift_left3A_155, %and3A_1082 : vector<16xi32>
        %gather3A_1129 = tpu.vector_load_idx %arg5[%add3A_1128] : memref<64000xi32, #tpu.memory_space<vmem>>[vector<16xi32>], vector<16xi32>,
        %bitcast3A_1130 = vector.bitcast %gather3A_1129 : vector<16xi32> to vector<32xbf16>
        %add3A_1131 = arith.addi %shift_left3A_162, %and3A_1082 : vector<16xi32>
        %gather3A_1132 = tpu.vector_load_idx %arg5[%add3A_1131] : memref<64000xi32, #tpu.memory_space<vmem>>[vector<16xi32>], vector<16xi32>,
        %bitcast3A_1133 = vector.bitcast %gather3A_1132 : vector<16xi32> to vector<32xbf16>
        %add3A_1134 = arith.addi %shift_left3A_169, %and3A_1082 : vector<16xi32>
        %gather3A_1135 = tpu.vector_load_idx %arg5[%add3A_1134] : memref<64000xi32, #tpu.memory_space<vmem>>[vector<16xi32>], vector<16xi32>,
        %bitcast3A_1136 = vector.bitcast %gather3A_1135 : vector<16xi32> to vector<32xbf16>
        %add3A_1137 = arith.addi %shift_left3A_176, %and3A_1082 : vector<16xi32>
        %gather3A_1138 = tpu.vector_load_idx %arg5[%add3A_1137] : memref<64000xi32, #tpu.memory_space<vmem>>[vector<16xi32>], vector<16xi32>,
        %bitcast3A_1139 = vector.bitcast %gather3A_1138 : vector<16xi32> to vector<32xbf16>
        %add3A_1140 = arith.addi %shift_left3A_183, %and3A_1082 : vector<16xi32>
        %gather3A_1141 = tpu.vector_load_idx %arg5[%add3A_1140] : memref<64000xi32, #tpu.memory_space<vmem>>[vector<16xi32>], vector<16xi32>,
        %bitcast3A_1142 = vector.bitcast %gather3A_1141 : vector<16xi32> to vector<32xbf16>
        %add3A_1143 = arith.addf %bitcast3A_1085, %bitcast3A_1088 : vector<32xbf16>
        %add3A_1144 = arith.addf %bitcast3A_1091, %bitcast3A_1094 : vector<32xbf16>
        %add3A_1145 = arith.addf %bitcast3A_1097, %bitcast3A_1100 : vector<32xbf16>
        %add3A_1146 = arith.addf %bitcast3A_1103, %bitcast3A_1106 : vector<32xbf16>
        %add3A_1147 = arith.addf %bitcast3A_1109, %bitcast3A_1112 : vector<32xbf16>
        %add3A_1148 = arith.addf %bitcast3A_1115, %bitcast3A_1118 : vector<32xbf16>
        %add3A_1149 = arith.addf %bitcast3A_1121, %bitcast3A_1124 : vector<32xbf16>
        %add3A_1150 = arith.addf %bitcast3A_1127, %bitcast3A_1130 : vector<32xbf16>
        %add3A_1151 = arith.addf %bitcast3A_1133, %bitcast3A_1136 : vector<32xbf16>
        %add3A_1152 = arith.addf %bitcast3A_1139, %bitcast3A_1142 : vector<32xbf16>
        %add3A_1153 = arith.addf %add3A_1143, %add3A_1144 : vector<32xbf16>
        %add3A_1154 = arith.addf %add3A_1145, %add3A_1146 : vector<32xbf16>
        %add3A_1155 = arith.addf %add3A_1147, %add3A_1148 : vector<32xbf16>
        %add3A_1156 = arith.addf %add3A_1149, %add3A_1150 : vector<32xbf16>
        %add3A_1157 = arith.addf %add3A_1151, %add3A_1152 : vector<32xbf16>
        %add3A_1158 = arith.addf %add3A_1153, %add3A_1154 : vector<32xbf16>
        %add3A_1159 = arith.addf %add3A_1155, %add3A_1156 : vector<32xbf16>
        %add3A_1160 = arith.addf %add3A_1158, %add3A_1159 : vector<32xbf16>
        %add3A_1161 = arith.addf %add3A_1160, %add3A_1157 : vector<32xbf16>
        %bitcast3A_1162 = vector.bitcast %add3A_1161 : vector<32xbf16> to vector<16xi32>
        %shift_left3A_1163 = arith.constant 16 : i32
        %shift_left3A_1164 = vector.broadcast %shift_left3A_1163 : i32 to vector<16xi32>
        %shift_left3A_1165 = arith.shli %bitcast3A_1162, %shift_left3A_1164 : vector<16xi32>
        %bitcast3A_1166 = vector.bitcast %shift_left3A_1165 : vector<16xi32> to vector<16xf32>
        %and3A_1167 = arith.constant -65536 : i32
        %and3A_1168 = vector.broadcast %and3A_1167 : i32 to vector<16xi32>
        %and3A_1169 = arith.andi %bitcast3A_1162, %and3A_1168 : vector<16xi32>
        %bitcast3A_1170 = vector.bitcast %and3A_1169 : vector<16xi32> to vector<16xf32>
        tpu.vector_store_idx %arg7[%iota3A, %and3A_1082], %bitcast3A_1166 : memref<16x128xf32, #tpu.memory_space<vmem>>[vector<16xi32>, vector<16xi32>], vector<16xf32>,
        %add3A_1171 = arith.constant 64 : i32
        %add3A_1172 = vector.broadcast %add3A_1171 : i32 to vector<16xi32>
        %add3A_1173 = arith.addi %and3A_1082, %add3A_1172 : vector<16xi32>
        tpu.vector_store_idx %arg7[%iota3A, %add3A_1173], %bitcast3A_1170 : memref<16x128xf32, #tpu.memory_space<vmem>>[vector<16xi32>, vector<16xi32>], vector<16xf32>,
      }
      %scan3A_189 = arith.constant 8 : i32
      %mul3A_190 = arith.constant 512 : i32
      %mul3A_191 = arith.muli %add3A, %mul3A_190 : i32
      %mul3A_192 = arith.constant 16 : i32
      %mul3A_193 = arith.muli %add3A_36, %mul3A_192 : i32
      %add3A_194 = arith.addi %mul3A_191, %mul3A_193 : i32
      %dma_start3A = arith.constant 0 : i32
      %dma_start3A_195 = arith.constant 0 : i32
      %dma_start3A_196 = tpu.memref_slice %arg4[%add3A_194, %dma_start3A_195] : memref<16384x128xf32, #tpu.memory_space<hbm>> -> memref<16x128xf32, #tpu.memory_space<hbm>>
      %dma_start3A_197 = tpu.memref_slice %arg9[%dma_start3A] : memref<2x!tpu.dma_semaphore, #tpu.memory_space<semaphore_mem>> -> memref<1x!tpu.dma_semaphore, #tpu.memory_space<semaphore_mem>>
      %dma_start3A_198 = tpu.memref_squeeze %dma_start3A_197 : memref<1x!tpu.dma_semaphore, #tpu.memory_space<semaphore_mem>> -> memref<!tpu.dma_semaphore, #tpu.memory_space<semaphore_mem>>
      %dma_start3A_199 = arith.constant 0 : i32
      %dma_start3A_200 = tpu.memref_slice %arg4[%add3A_194, %dma_start3A_199] : memref<16384x128xf32, #tpu.memory_space<hbm>> -> memref<16x128xf32, #tpu.memory_space<hbm>>
      tpu.enqueue_dma source(%arg7 : memref<16x128xf32, #tpu.memory_space<vmem>>) target(%dma_start3A_200 : memref<16x128xf32, #tpu.memory_space<hbm>>) target_semaphore(%dma_start3A_198 : memref<!tpu.dma_semaphore, #tpu.memory_space<semaphore_mem>>)
      %mul3A_201 = arith.constant 2 : i32
      %mul3A_202 = arith.muli %scan3A_32, %mul3A_201 : i32
      %add3A_203 = arith.constant 1 : i32
      %add3A_204 = arith.addi %mul3A_202, %add3A_203 : i32
      %ge3A_205 = arith.constant 1 : i32
      %ge3A_206 = arith.cmpi sge, %scan3A_32, %ge3A_205 : i32
      %convert_element_type3A_207 = arith.extui %ge3A_206 : i1 to i32
      %cond3A_208 = arith.constant 0 : i32
      %cond3A_209 = arith.cmpi ne, %convert_element_type3A_207, %cond3A_208 : i32
      scf.if %cond3A_209 {
        %sub3A = arith.constant 2 : i32
        %sub3A_375 = arith.subi %add3A_204, %sub3A : i32
        %mul3A_376 = arith.constant 512 : i32
        %mul3A_377 = arith.muli %add3A, %mul3A_376 : i32
        %mul3A_378 = arith.constant 16 : i32
        %mul3A_379 = arith.muli %sub3A_375, %mul3A_378 : i32
        %add3A_380 = arith.addi %mul3A_377, %mul3A_379 : i32
        %dma_wait3A_381 = arith.constant 1 : i32
        %dma_wait3A_382 = arith.constant 0 : i32
        %dma_wait3A_383 = tpu.memref_slice %arg4[%add3A_380, %dma_wait3A_382] : memref<16384x128xf32, #tpu.memory_space<hbm>> -> memref<16x128xf32, #tpu.memory_space<hbm>>
        %dma_wait3A_384 = tpu.memref_slice %arg9[%dma_wait3A_381] : memref<2x!tpu.dma_semaphore, #tpu.memory_space<semaphore_mem>> -> memref<1x!tpu.dma_semaphore, #tpu.memory_space<semaphore_mem>>
        %dma_wait3A_385 = tpu.memref_squeeze %dma_wait3A_384 : memref<1x!tpu.dma_semaphore, #tpu.memory_space<semaphore_mem>> -> memref<!tpu.dma_semaphore, #tpu.memory_space<semaphore_mem>>
        %dma_wait3A_386 = arith.constant 0 : i32
        %dma_wait3A_387 = tpu.memref_slice %arg4[%add3A_380, %dma_wait3A_386] : memref<16384x128xf32, #tpu.memory_space<hbm>> -> memref<16x128xf32, #tpu.memory_space<hbm>>
        tpu.wait_dma2 semaphore(%dma_wait3A_385 : memref<!tpu.dma_semaphore, #tpu.memory_space<semaphore_mem>>) src(%arg8 : memref<16x128xf32, #tpu.memory_space<vmem>>) dst(%dma_wait3A_387 : memref<16x128xf32, #tpu.memory_space<hbm>>)
      } else {
      }
      %mul3A_210 = arith.constant 320 : i32
      %mul3A_211 = arith.muli %add3A_204, %mul3A_210 : i32
      %mul3A_212 = arith.constant 20 : i32
      %mul3A_213 = vector.broadcast %mul3A_212 : i32 to vector<16xi32>
      %mul3A_214 = arith.muli %iota3A, %mul3A_213 : vector<16xi32>
      %add3A_215 = vector.broadcast %mul3A_211 : i32 to vector<16xi32>
      %add3A_216 = arith.addi %add3A_215, %mul3A_214 : vector<16xi32>
      %add3A_217 = arith.constant 0 : i32
      %add3A_218 = vector.broadcast %add3A_217 : i32 to vector<16xi32>
      %add3A_219 = arith.addi %add3A_216, %add3A_218 : vector<16xi32>
      %gather3A_220 = tpu.vector_load_idx %arg6[%add3A_219] : memref<10240xi32, #tpu.memory_space<vmem>>[vector<16xi32>], vector<16xi32>,
      %shift_left3A_221 = arith.constant 6 : i32
      %shift_left3A_222 = vector.broadcast %shift_left3A_221 : i32 to vector<16xi32>
      %shift_left3A_223 = arith.shli %gather3A_220, %shift_left3A_222 : vector<16xi32>
      %add3A_224 = arith.constant 1 : i32
      %add3A_225 = vector.broadcast %add3A_224 : i32 to vector<16xi32>
      %add3A_226 = arith.addi %add3A_216, %add3A_225 : vector<16xi32>
      %gather3A_227 = tpu.vector_load_idx %arg6[%add3A_226] : memref<10240xi32, #tpu.memory_space<vmem>>[vector<16xi32>], vector<16xi32>,
      %shift_left3A_228 = arith.constant 6 : i32
      %shift_left3A_229 = vector.broadcast %shift_left3A_228 : i32 to vector<16xi32>
      %shift_left3A_230 = arith.shli %gather3A_227, %shift_left3A_229 : vector<16xi32>
      %add3A_231 = arith.constant 2 : i32
      %add3A_232 = vector.broadcast %add3A_231 : i32 to vector<16xi32>
      %add3A_233 = arith.addi %add3A_216, %add3A_232 : vector<16xi32>
      %gather3A_234 = tpu.vector_load_idx %arg6[%add3A_233] : memref<10240xi32, #tpu.memory_space<vmem>>[vector<16xi32>], vector<16xi32>,
      %shift_left3A_235 = arith.constant 6 : i32
      %shift_left3A_236 = vector.broadcast %shift_left3A_235 : i32 to vector<16xi32>
      %shift_left3A_237 = arith.shli %gather3A_234, %shift_left3A_236 : vector<16xi32>
      %add3A_238 = arith.constant 3 : i32
      %add3A_239 = vector.broadcast %add3A_238 : i32 to vector<16xi32>
      %add3A_240 = arith.addi %add3A_216, %add3A_239 : vector<16xi32>
      %gather3A_241 = tpu.vector_load_idx %arg6[%add3A_240] : memref<10240xi32, #tpu.memory_space<vmem>>[vector<16xi32>], vector<16xi32>,
      %shift_left3A_242 = arith.constant 6 : i32
      %shift_left3A_243 = vector.broadcast %shift_left3A_242 : i32 to vector<16xi32>
      %shift_left3A_244 = arith.shli %gather3A_241, %shift_left3A_243 : vector<16xi32>
      %add3A_245 = arith.constant 4 : i32
      %add3A_246 = vector.broadcast %add3A_245 : i32 to vector<16xi32>
      %add3A_247 = arith.addi %add3A_216, %add3A_246 : vector<16xi32>
      %gather3A_248 = tpu.vector_load_idx %arg6[%add3A_247] : memref<10240xi32, #tpu.memory_space<vmem>>[vector<16xi32>], vector<16xi32>,
      %shift_left3A_249 = arith.constant 6 : i32
      %shift_left3A_250 = vector.broadcast %shift_left3A_249 : i32 to vector<16xi32>
      %shift_left3A_251 = arith.shli %gather3A_248, %shift_left3A_250 : vector<16xi32>
      %add3A_252 = arith.constant 5 : i32
      %add3A_253 = vector.broadcast %add3A_252 : i32 to vector<16xi32>
      %add3A_254 = arith.addi %add3A_216, %add3A_253 : vector<16xi32>
      %gather3A_255 = tpu.vector_load_idx %arg6[%add3A_254] : memref<10240xi32, #tpu.memory_space<vmem>>[vector<16xi32>], vector<16xi32>,
      %shift_left3A_256 = arith.constant 6 : i32
      %shift_left3A_257 = vector.broadcast %shift_left3A_256 : i32 to vector<16xi32>
      %shift_left3A_258 = arith.shli %gather3A_255, %shift_left3A_257 : vector<16xi32>
      %add3A_259 = arith.constant 6 : i32
      %add3A_260 = vector.broadcast %add3A_259 : i32 to vector<16xi32>
      %add3A_261 = arith.addi %add3A_216, %add3A_260 : vector<16xi32>
      %gather3A_262 = tpu.vector_load_idx %arg6[%add3A_261] : memref<10240xi32, #tpu.memory_space<vmem>>[vector<16xi32>], vector<16xi32>,
      %shift_left3A_263 = arith.constant 6 : i32
      %shift_left3A_264 = vector.broadcast %shift_left3A_263 : i32 to vector<16xi32>
      %shift_left3A_265 = arith.shli %gather3A_262, %shift_left3A_264 : vector<16xi32>
      %add3A_266 = arith.constant 7 : i32
      %add3A_267 = vector.broadcast %add3A_266 : i32 to vector<16xi32>
      %add3A_268 = arith.addi %add3A_216, %add3A_267 : vector<16xi32>
      %gather3A_269 = tpu.vector_load_idx %arg6[%add3A_268] : memref<10240xi32, #tpu.memory_space<vmem>>[vector<16xi32>], vector<16xi32>,
      %shift_left3A_270 = arith.constant 6 : i32
      %shift_left3A_271 = vector.broadcast %shift_left3A_270 : i32 to vector<16xi32>
      %shift_left3A_272 = arith.shli %gather3A_269, %shift_left3A_271 : vector<16xi32>
      %add3A_273 = arith.constant 8 : i32
      %add3A_274 = vector.broadcast %add3A_273 : i32 to vector<16xi32>
      %add3A_275 = arith.addi %add3A_216, %add3A_274 : vector<16xi32>
      %gather3A_276 = tpu.vector_load_idx %arg6[%add3A_275] : memref<10240xi32, #tpu.memory_space<vmem>>[vector<16xi32>], vector<16xi32>,
      %shift_left3A_277 = arith.constant 6 : i32
      %shift_left3A_278 = vector.broadcast %shift_left3A_277 : i32 to vector<16xi32>
      %shift_left3A_279 = arith.shli %gather3A_276, %shift_left3A_278 : vector<16xi32>
      %add3A_280 = arith.constant 9 : i32
      %add3A_281 = vector.broadcast %add3A_280 : i32 to vector<16xi32>
      %add3A_282 = arith.addi %add3A_216, %add3A_281 : vector<16xi32>
      %gather3A_283 = tpu.vector_load_idx %arg6[%add3A_282] : memref<10240xi32, #tpu.memory_space<vmem>>[vector<16xi32>], vector<16xi32>,
      %shift_left3A_284 = arith.constant 6 : i32
      %shift_left3A_285 = vector.broadcast %shift_left3A_284 : i32 to vector<16xi32>
      %shift_left3A_286 = arith.shli %gather3A_283, %shift_left3A_285 : vector<16xi32>
      %add3A_287 = arith.constant 10 : i32
      %add3A_288 = vector.broadcast %add3A_287 : i32 to vector<16xi32>
      %add3A_289 = arith.addi %add3A_216, %add3A_288 : vector<16xi32>
      %gather3A_290 = tpu.vector_load_idx %arg6[%add3A_289] : memref<10240xi32, #tpu.memory_space<vmem>>[vector<16xi32>], vector<16xi32>,
      %shift_left3A_291 = arith.constant 6 : i32
      %shift_left3A_292 = vector.broadcast %shift_left3A_291 : i32 to vector<16xi32>
      %shift_left3A_293 = arith.shli %gather3A_290, %shift_left3A_292 : vector<16xi32>
      %add3A_294 = arith.constant 11 : i32
      %add3A_295 = vector.broadcast %add3A_294 : i32 to vector<16xi32>
      %add3A_296 = arith.addi %add3A_216, %add3A_295 : vector<16xi32>
      %gather3A_297 = tpu.vector_load_idx %arg6[%add3A_296] : memref<10240xi32, #tpu.memory_space<vmem>>[vector<16xi32>], vector<16xi32>,
      %shift_left3A_298 = arith.constant 6 : i32
      %shift_left3A_299 = vector.broadcast %shift_left3A_298 : i32 to vector<16xi32>
      %shift_left3A_300 = arith.shli %gather3A_297, %shift_left3A_299 : vector<16xi32>
      %add3A_301 = arith.constant 12 : i32
      %add3A_302 = vector.broadcast %add3A_301 : i32 to vector<16xi32>
      %add3A_303 = arith.addi %add3A_216, %add3A_302 : vector<16xi32>
      %gather3A_304 = tpu.vector_load_idx %arg6[%add3A_303] : memref<10240xi32, #tpu.memory_space<vmem>>[vector<16xi32>], vector<16xi32>,
      %shift_left3A_305 = arith.constant 6 : i32
      %shift_left3A_306 = vector.broadcast %shift_left3A_305 : i32 to vector<16xi32>
      %shift_left3A_307 = arith.shli %gather3A_304, %shift_left3A_306 : vector<16xi32>
      %add3A_308 = arith.constant 13 : i32
      %add3A_309 = vector.broadcast %add3A_308 : i32 to vector<16xi32>
      %add3A_310 = arith.addi %add3A_216, %add3A_309 : vector<16xi32>
      %gather3A_311 = tpu.vector_load_idx %arg6[%add3A_310] : memref<10240xi32, #tpu.memory_space<vmem>>[vector<16xi32>], vector<16xi32>,
      %shift_left3A_312 = arith.constant 6 : i32
      %shift_left3A_313 = vector.broadcast %shift_left3A_312 : i32 to vector<16xi32>
      %shift_left3A_314 = arith.shli %gather3A_311, %shift_left3A_313 : vector<16xi32>
      %add3A_315 = arith.constant 14 : i32
      %add3A_316 = vector.broadcast %add3A_315 : i32 to vector<16xi32>
      %add3A_317 = arith.addi %add3A_216, %add3A_316 : vector<16xi32>
      %gather3A_318 = tpu.vector_load_idx %arg6[%add3A_317] : memref<10240xi32, #tpu.memory_space<vmem>>[vector<16xi32>], vector<16xi32>,
      %shift_left3A_319 = arith.constant 6 : i32
      %shift_left3A_320 = vector.broadcast %shift_left3A_319 : i32 to vector<16xi32>
      %shift_left3A_321 = arith.shli %gather3A_318, %shift_left3A_320 : vector<16xi32>
      %add3A_322 = arith.constant 15 : i32
      %add3A_323 = vector.broadcast %add3A_322 : i32 to vector<16xi32>
      %add3A_324 = arith.addi %add3A_216, %add3A_323 : vector<16xi32>
      %gather3A_325 = tpu.vector_load_idx %arg6[%add3A_324] : memref<10240xi32, #tpu.memory_space<vmem>>[vector<16xi32>], vector<16xi32>,
      %shift_left3A_326 = arith.constant 6 : i32
      %shift_left3A_327 = vector.broadcast %shift_left3A_326 : i32 to vector<16xi32>
      %shift_left3A_328 = arith.shli %gather3A_325, %shift_left3A_327 : vector<16xi32>
      %add3A_329 = arith.constant 16 : i32
      %add3A_330 = vector.broadcast %add3A_329 : i32 to vector<16xi32>
      %add3A_331 = arith.addi %add3A_216, %add3A_330 : vector<16xi32>
      %gather3A_332 = tpu.vector_load_idx %arg6[%add3A_331] : memref<10240xi32, #tpu.memory_space<vmem>>[vector<16xi32>], vector<16xi32>,
      %shift_left3A_333 = arith.constant 6 : i32
      %shift_left3A_334 = vector.broadcast %shift_left3A_333 : i32 to vector<16xi32>
      %shift_left3A_335 = arith.shli %gather3A_332, %shift_left3A_334 : vector<16xi32>
      %add3A_336 = arith.constant 17 : i32
      %add3A_337 = vector.broadcast %add3A_336 : i32 to vector<16xi32>
      %add3A_338 = arith.addi %add3A_216, %add3A_337 : vector<16xi32>
      %gather3A_339 = tpu.vector_load_idx %arg6[%add3A_338] : memref<10240xi32, #tpu.memory_space<vmem>>[vector<16xi32>], vector<16xi32>,
      %shift_left3A_340 = arith.constant 6 : i32
      %shift_left3A_341 = vector.broadcast %shift_left3A_340 : i32 to vector<16xi32>
      %shift_left3A_342 = arith.shli %gather3A_339, %shift_left3A_341 : vector<16xi32>
      %add3A_343 = arith.constant 18 : i32
      %add3A_344 = vector.broadcast %add3A_343 : i32 to vector<16xi32>
      %add3A_345 = arith.addi %add3A_216, %add3A_344 : vector<16xi32>
      %gather3A_346 = tpu.vector_load_idx %arg6[%add3A_345] : memref<10240xi32, #tpu.memory_space<vmem>>[vector<16xi32>], vector<16xi32>,
      %shift_left3A_347 = arith.constant 6 : i32
      %shift_left3A_348 = vector.broadcast %shift_left3A_347 : i32 to vector<16xi32>
      %shift_left3A_349 = arith.shli %gather3A_346, %shift_left3A_348 : vector<16xi32>
      %add3A_350 = arith.constant 19 : i32
      %add3A_351 = vector.broadcast %add3A_350 : i32 to vector<16xi32>
      %add3A_352 = arith.addi %add3A_216, %add3A_351 : vector<16xi32>
      %gather3A_353 = tpu.vector_load_idx %arg6[%add3A_352] : memref<10240xi32, #tpu.memory_space<vmem>>[vector<16xi32>], vector<16xi32>,
      %shift_left3A_354 = arith.constant 6 : i32
      %shift_left3A_355 = vector.broadcast %shift_left3A_354 : i32 to vector<16xi32>
      %shift_left3A_356 = arith.shli %gather3A_353, %shift_left3A_355 : vector<16xi32>
      %scan3A_357 = arith.constant 0 : i32
      %scan3A_358 = arith.constant 0 : i32
      %scan3A_359 = arith.constant 8 : i32
      %scan3A_360 = arith.addi %scan3A_358, %scan3A_359 : i32
      %scan3A_361 = arith.constant 1 : i32
      scf.for %scan3A_375 = %scan3A_358 to %scan3A_360 step %scan3A_361  : i32 {
        %mul3A_376 = arith.constant 8 : i32
        %mul3A_377 = arith.muli %scan3A_375, %mul3A_376 : i32
        %add3A_378 = arith.constant 0 : i32
        %add3A_379 = arith.addi %mul3A_377, %add3A_378 : i32
        %add3A_380 = vector.broadcast %add3A_379 : i32 to vector<16xi32>
        %add3A_381 = arith.addi %add3A_380, %mul3A_5 : vector<16xi32>
        %and3A = arith.constant 63 : i32
        %and3A_382 = vector.broadcast %and3A : i32 to vector<16xi32>
        %and3A_383 = arith.andi %add3A_381, %and3A_382 : vector<16xi32>
        %add3A_384 = arith.addi %shift_left3A_223, %and3A_383 : vector<16xi32>
        %gather3A_385 = tpu.vector_load_idx %arg5[%add3A_384] : memref<64000xi32, #tpu.memory_space<vmem>>[vector<16xi32>], vector<16xi32>,
        %bitcast3A = vector.bitcast %gather3A_385 : vector<16xi32> to vector<32xbf16>
        %add3A_386 = arith.addi %shift_left3A_230, %and3A_383 : vector<16xi32>
        %gather3A_387 = tpu.vector_load_idx %arg5[%add3A_386] : memref<64000xi32, #tpu.memory_space<vmem>>[vector<16xi32>], vector<16xi32>,
        %bitcast3A_388 = vector.bitcast %gather3A_387 : vector<16xi32> to vector<32xbf16>
        %add3A_389 = arith.addi %shift_left3A_237, %and3A_383 : vector<16xi32>
        %gather3A_390 = tpu.vector_load_idx %arg5[%add3A_389] : memref<64000xi32, #tpu.memory_space<vmem>>[vector<16xi32>], vector<16xi32>,
        %bitcast3A_391 = vector.bitcast %gather3A_390 : vector<16xi32> to vector<32xbf16>
        %add3A_392 = arith.addi %shift_left3A_244, %and3A_383 : vector<16xi32>
        %gather3A_393 = tpu.vector_load_idx %arg5[%add3A_392] : memref<64000xi32, #tpu.memory_space<vmem>>[vector<16xi32>], vector<16xi32>,
        %bitcast3A_394 = vector.bitcast %gather3A_393 : vector<16xi32> to vector<32xbf16>
        %add3A_395 = arith.addi %shift_left3A_251, %and3A_383 : vector<16xi32>
        %gather3A_396 = tpu.vector_load_idx %arg5[%add3A_395] : memref<64000xi32, #tpu.memory_space<vmem>>[vector<16xi32>], vector<16xi32>,
        %bitcast3A_397 = vector.bitcast %gather3A_396 : vector<16xi32> to vector<32xbf16>
        %add3A_398 = arith.addi %shift_left3A_258, %and3A_383 : vector<16xi32>
        %gather3A_399 = tpu.vector_load_idx %arg5[%add3A_398] : memref<64000xi32, #tpu.memory_space<vmem>>[vector<16xi32>], vector<16xi32>,
        %bitcast3A_400 = vector.bitcast %gather3A_399 : vector<16xi32> to vector<32xbf16>
        %add3A_401 = arith.addi %shift_left3A_265, %and3A_383 : vector<16xi32>
        %gather3A_402 = tpu.vector_load_idx %arg5[%add3A_401] : memref<64000xi32, #tpu.memory_space<vmem>>[vector<16xi32>], vector<16xi32>,
        %bitcast3A_403 = vector.bitcast %gather3A_402 : vector<16xi32> to vector<32xbf16>
        %add3A_404 = arith.addi %shift_left3A_272, %and3A_383 : vector<16xi32>
        %gather3A_405 = tpu.vector_load_idx %arg5[%add3A_404] : memref<64000xi32, #tpu.memory_space<vmem>>[vector<16xi32>], vector<16xi32>,
        %bitcast3A_406 = vector.bitcast %gather3A_405 : vector<16xi32> to vector<32xbf16>
        %add3A_407 = arith.addi %shift_left3A_279, %and3A_383 : vector<16xi32>
        %gather3A_408 = tpu.vector_load_idx %arg5[%add3A_407] : memref<64000xi32, #tpu.memory_space<vmem>>[vector<16xi32>], vector<16xi32>,
        %bitcast3A_409 = vector.bitcast %gather3A_408 : vector<16xi32> to vector<32xbf16>
        %add3A_410 = arith.addi %shift_left3A_286, %and3A_383 : vector<16xi32>
        %gather3A_411 = tpu.vector_load_idx %arg5[%add3A_410] : memref<64000xi32, #tpu.memory_space<vmem>>[vector<16xi32>], vector<16xi32>,
        %bitcast3A_412 = vector.bitcast %gather3A_411 : vector<16xi32> to vector<32xbf16>
        %add3A_413 = arith.addi %shift_left3A_293, %and3A_383 : vector<16xi32>
        %gather3A_414 = tpu.vector_load_idx %arg5[%add3A_413] : memref<64000xi32, #tpu.memory_space<vmem>>[vector<16xi32>], vector<16xi32>,
        %bitcast3A_415 = vector.bitcast %gather3A_414 : vector<16xi32> to vector<32xbf16>
        %add3A_416 = arith.addi %shift_left3A_300, %and3A_383 : vector<16xi32>
        %gather3A_417 = tpu.vector_load_idx %arg5[%add3A_416] : memref<64000xi32, #tpu.memory_space<vmem>>[vector<16xi32>], vector<16xi32>,
        %bitcast3A_418 = vector.bitcast %gather3A_417 : vector<16xi32> to vector<32xbf16>
        %add3A_419 = arith.addi %shift_left3A_307, %and3A_383 : vector<16xi32>
        %gather3A_420 = tpu.vector_load_idx %arg5[%add3A_419] : memref<64000xi32, #tpu.memory_space<vmem>>[vector<16xi32>], vector<16xi32>,
        %bitcast3A_421 = vector.bitcast %gather3A_420 : vector<16xi32> to vector<32xbf16>
        %add3A_422 = arith.addi %shift_left3A_314, %and3A_383 : vector<16xi32>
        %gather3A_423 = tpu.vector_load_idx %arg5[%add3A_422] : memref<64000xi32, #tpu.memory_space<vmem>>[vector<16xi32>], vector<16xi32>,
        %bitcast3A_424 = vector.bitcast %gather3A_423 : vector<16xi32> to vector<32xbf16>
        %add3A_425 = arith.addi %shift_left3A_321, %and3A_383 : vector<16xi32>
        %gather3A_426 = tpu.vector_load_idx %arg5[%add3A_425] : memref<64000xi32, #tpu.memory_space<vmem>>[vector<16xi32>], vector<16xi32>,
        %bitcast3A_427 = vector.bitcast %gather3A_426 : vector<16xi32> to vector<32xbf16>
        %add3A_428 = arith.addi %shift_left3A_328, %and3A_383 : vector<16xi32>
        %gather3A_429 = tpu.vector_load_idx %arg5[%add3A_428] : memref<64000xi32, #tpu.memory_space<vmem>>[vector<16xi32>], vector<16xi32>,
        %bitcast3A_430 = vector.bitcast %gather3A_429 : vector<16xi32> to vector<32xbf16>
        %add3A_431 = arith.addi %shift_left3A_335, %and3A_383 : vector<16xi32>
        %gather3A_432 = tpu.vector_load_idx %arg5[%add3A_431] : memref<64000xi32, #tpu.memory_space<vmem>>[vector<16xi32>], vector<16xi32>,
        %bitcast3A_433 = vector.bitcast %gather3A_432 : vector<16xi32> to vector<32xbf16>
        %add3A_434 = arith.addi %shift_left3A_342, %and3A_383 : vector<16xi32>
        %gather3A_435 = tpu.vector_load_idx %arg5[%add3A_434] : memref<64000xi32, #tpu.memory_space<vmem>>[vector<16xi32>], vector<16xi32>,
        %bitcast3A_436 = vector.bitcast %gather3A_435 : vector<16xi32> to vector<32xbf16>
        %add3A_437 = arith.addi %shift_left3A_349, %and3A_383 : vector<16xi32>
        %gather3A_438 = tpu.vector_load_idx %arg5[%add3A_437] : memref<64000xi32, #tpu.memory_space<vmem>>[vector<16xi32>], vector<16xi32>,
        %bitcast3A_439 = vector.bitcast %gather3A_438 : vector<16xi32> to vector<32xbf16>
        %add3A_440 = arith.addi %shift_left3A_356, %and3A_383 : vector<16xi32>
        %gather3A_441 = tpu.vector_load_idx %arg5[%add3A_440] : memref<64000xi32, #tpu.memory_space<vmem>>[vector<16xi32>], vector<16xi32>,
        %bitcast3A_442 = vector.bitcast %gather3A_441 : vector<16xi32> to vector<32xbf16>
        %add3A_443 = arith.addf %bitcast3A, %bitcast3A_388 : vector<32xbf16>
        %add3A_444 = arith.addf %bitcast3A_391, %bitcast3A_394 : vector<32xbf16>
        %add3A_445 = arith.addf %bitcast3A_397, %bitcast3A_400 : vector<32xbf16>
        %add3A_446 = arith.addf %bitcast3A_403, %bitcast3A_406 : vector<32xbf16>
        %add3A_447 = arith.addf %bitcast3A_409, %bitcast3A_412 : vector<32xbf16>
        %add3A_448 = arith.addf %bitcast3A_415, %bitcast3A_418 : vector<32xbf16>
        %add3A_449 = arith.addf %bitcast3A_421, %bitcast3A_424 : vector<32xbf16>
        %add3A_450 = arith.addf %bitcast3A_427, %bitcast3A_430 : vector<32xbf16>
        %add3A_451 = arith.addf %bitcast3A_433, %bitcast3A_436 : vector<32xbf16>
        %add3A_452 = arith.addf %bitcast3A_439, %bitcast3A_442 : vector<32xbf16>
        %add3A_453 = arith.addf %add3A_443, %add3A_444 : vector<32xbf16>
        %add3A_454 = arith.addf %add3A_445, %add3A_446 : vector<32xbf16>
        %add3A_455 = arith.addf %add3A_447, %add3A_448 : vector<32xbf16>
        %add3A_456 = arith.addf %add3A_449, %add3A_450 : vector<32xbf16>
        %add3A_457 = arith.addf %add3A_451, %add3A_452 : vector<32xbf16>
        %add3A_458 = arith.addf %add3A_453, %add3A_454 : vector<32xbf16>
        %add3A_459 = arith.addf %add3A_455, %add3A_456 : vector<32xbf16>
        %add3A_460 = arith.addf %add3A_458, %add3A_459 : vector<32xbf16>
        %add3A_461 = arith.addf %add3A_460, %add3A_457 : vector<32xbf16>
        %bitcast3A_462 = vector.bitcast %add3A_461 : vector<32xbf16> to vector<16xi32>
        %shift_left3A_463 = arith.constant 16 : i32
        %shift_left3A_464 = vector.broadcast %shift_left3A_463 : i32 to vector<16xi32>
        %shift_left3A_465 = arith.shli %bitcast3A_462, %shift_left3A_464 : vector<16xi32>
        %bitcast3A_466 = vector.bitcast %shift_left3A_465 : vector<16xi32> to vector<16xf32>
        %and3A_467 = arith.constant -65536 : i32
        %and3A_468 = vector.broadcast %and3A_467 : i32 to vector<16xi32>
        %and3A_469 = arith.andi %bitcast3A_462, %and3A_468 : vector<16xi32>
        %bitcast3A_470 = vector.bitcast %and3A_469 : vector<16xi32> to vector<16xf32>
        tpu.vector_store_idx %arg8[%iota3A, %and3A_383], %bitcast3A_466 : memref<16x128xf32, #tpu.memory_space<vmem>>[vector<16xi32>, vector<16xi32>], vector<16xf32>,
        %add3A_471 = arith.constant 64 : i32
        %add3A_472 = vector.broadcast %add3A_471 : i32 to vector<16xi32>
        %add3A_473 = arith.addi %and3A_383, %add3A_472 : vector<16xi32>
        tpu.vector_store_idx %arg8[%iota3A, %add3A_473], %bitcast3A_470 : memref<16x128xf32, #tpu.memory_space<vmem>>[vector<16xi32>, vector<16xi32>], vector<16xf32>,
        %mul3A_474 = arith.constant 8 : i32
        %mul3A_475 = arith.muli %scan3A_375, %mul3A_474 : i32
        %add3A_476 = arith.constant 1 : i32
        %add3A_477 = arith.addi %mul3A_475, %add3A_476 : i32
        %add3A_478 = vector.broadcast %add3A_477 : i32 to vector<16xi32>
        %add3A_479 = arith.addi %add3A_478, %mul3A_5 : vector<16xi32>
        %and3A_480 = arith.constant 63 : i32
        %and3A_481 = vector.broadcast %and3A_480 : i32 to vector<16xi32>
        %and3A_482 = arith.andi %add3A_479, %and3A_481 : vector<16xi32>
        %add3A_483 = arith.addi %shift_left3A_223, %and3A_482 : vector<16xi32>
        %gather3A_484 = tpu.vector_load_idx %arg5[%add3A_483] : memref<64000xi32, #tpu.memory_space<vmem>>[vector<16xi32>], vector<16xi32>,
        %bitcast3A_485 = vector.bitcast %gather3A_484 : vector<16xi32> to vector<32xbf16>
        %add3A_486 = arith.addi %shift_left3A_230, %and3A_482 : vector<16xi32>
        %gather3A_487 = tpu.vector_load_idx %arg5[%add3A_486] : memref<64000xi32, #tpu.memory_space<vmem>>[vector<16xi32>], vector<16xi32>,
        %bitcast3A_488 = vector.bitcast %gather3A_487 : vector<16xi32> to vector<32xbf16>
        %add3A_489 = arith.addi %shift_left3A_237, %and3A_482 : vector<16xi32>
        %gather3A_490 = tpu.vector_load_idx %arg5[%add3A_489] : memref<64000xi32, #tpu.memory_space<vmem>>[vector<16xi32>], vector<16xi32>,
        %bitcast3A_491 = vector.bitcast %gather3A_490 : vector<16xi32> to vector<32xbf16>
        %add3A_492 = arith.addi %shift_left3A_244, %and3A_482 : vector<16xi32>
        %gather3A_493 = tpu.vector_load_idx %arg5[%add3A_492] : memref<64000xi32, #tpu.memory_space<vmem>>[vector<16xi32>], vector<16xi32>,
        %bitcast3A_494 = vector.bitcast %gather3A_493 : vector<16xi32> to vector<32xbf16>
        %add3A_495 = arith.addi %shift_left3A_251, %and3A_482 : vector<16xi32>
        %gather3A_496 = tpu.vector_load_idx %arg5[%add3A_495] : memref<64000xi32, #tpu.memory_space<vmem>>[vector<16xi32>], vector<16xi32>,
        %bitcast3A_497 = vector.bitcast %gather3A_496 : vector<16xi32> to vector<32xbf16>
        %add3A_498 = arith.addi %shift_left3A_258, %and3A_482 : vector<16xi32>
        %gather3A_499 = tpu.vector_load_idx %arg5[%add3A_498] : memref<64000xi32, #tpu.memory_space<vmem>>[vector<16xi32>], vector<16xi32>,
        %bitcast3A_500 = vector.bitcast %gather3A_499 : vector<16xi32> to vector<32xbf16>
        %add3A_501 = arith.addi %shift_left3A_265, %and3A_482 : vector<16xi32>
        %gather3A_502 = tpu.vector_load_idx %arg5[%add3A_501] : memref<64000xi32, #tpu.memory_space<vmem>>[vector<16xi32>], vector<16xi32>,
        %bitcast3A_503 = vector.bitcast %gather3A_502 : vector<16xi32> to vector<32xbf16>
        %add3A_504 = arith.addi %shift_left3A_272, %and3A_482 : vector<16xi32>
        %gather3A_505 = tpu.vector_load_idx %arg5[%add3A_504] : memref<64000xi32, #tpu.memory_space<vmem>>[vector<16xi32>], vector<16xi32>,
        %bitcast3A_506 = vector.bitcast %gather3A_505 : vector<16xi32> to vector<32xbf16>
        %add3A_507 = arith.addi %shift_left3A_279, %and3A_482 : vector<16xi32>
        %gather3A_508 = tpu.vector_load_idx %arg5[%add3A_507] : memref<64000xi32, #tpu.memory_space<vmem>>[vector<16xi32>], vector<16xi32>,
        %bitcast3A_509 = vector.bitcast %gather3A_508 : vector<16xi32> to vector<32xbf16>
        %add3A_510 = arith.addi %shift_left3A_286, %and3A_482 : vector<16xi32>
        %gather3A_511 = tpu.vector_load_idx %arg5[%add3A_510] : memref<64000xi32, #tpu.memory_space<vmem>>[vector<16xi32>], vector<16xi32>,
        %bitcast3A_512 = vector.bitcast %gather3A_511 : vector<16xi32> to vector<32xbf16>
        %add3A_513 = arith.addi %shift_left3A_293, %and3A_482 : vector<16xi32>
        %gather3A_514 = tpu.vector_load_idx %arg5[%add3A_513] : memref<64000xi32, #tpu.memory_space<vmem>>[vector<16xi32>], vector<16xi32>,
        %bitcast3A_515 = vector.bitcast %gather3A_514 : vector<16xi32> to vector<32xbf16>
        %add3A_516 = arith.addi %shift_left3A_300, %and3A_482 : vector<16xi32>
        %gather3A_517 = tpu.vector_load_idx %arg5[%add3A_516] : memref<64000xi32, #tpu.memory_space<vmem>>[vector<16xi32>], vector<16xi32>,
        %bitcast3A_518 = vector.bitcast %gather3A_517 : vector<16xi32> to vector<32xbf16>
        %add3A_519 = arith.addi %shift_left3A_307, %and3A_482 : vector<16xi32>
        %gather3A_520 = tpu.vector_load_idx %arg5[%add3A_519] : memref<64000xi32, #tpu.memory_space<vmem>>[vector<16xi32>], vector<16xi32>,
        %bitcast3A_521 = vector.bitcast %gather3A_520 : vector<16xi32> to vector<32xbf16>
        %add3A_522 = arith.addi %shift_left3A_314, %and3A_482 : vector<16xi32>
        %gather3A_523 = tpu.vector_load_idx %arg5[%add3A_522] : memref<64000xi32, #tpu.memory_space<vmem>>[vector<16xi32>], vector<16xi32>,
        %bitcast3A_524 = vector.bitcast %gather3A_523 : vector<16xi32> to vector<32xbf16>
        %add3A_525 = arith.addi %shift_left3A_321, %and3A_482 : vector<16xi32>
        %gather3A_526 = tpu.vector_load_idx %arg5[%add3A_525] : memref<64000xi32, #tpu.memory_space<vmem>>[vector<16xi32>], vector<16xi32>,
        %bitcast3A_527 = vector.bitcast %gather3A_526 : vector<16xi32> to vector<32xbf16>
        %add3A_528 = arith.addi %shift_left3A_328, %and3A_482 : vector<16xi32>
        %gather3A_529 = tpu.vector_load_idx %arg5[%add3A_528] : memref<64000xi32, #tpu.memory_space<vmem>>[vector<16xi32>], vector<16xi32>,
        %bitcast3A_530 = vector.bitcast %gather3A_529 : vector<16xi32> to vector<32xbf16>
        %add3A_531 = arith.addi %shift_left3A_335, %and3A_482 : vector<16xi32>
        %gather3A_532 = tpu.vector_load_idx %arg5[%add3A_531] : memref<64000xi32, #tpu.memory_space<vmem>>[vector<16xi32>], vector<16xi32>,
        %bitcast3A_533 = vector.bitcast %gather3A_532 : vector<16xi32> to vector<32xbf16>
        %add3A_534 = arith.addi %shift_left3A_342, %and3A_482 : vector<16xi32>
        %gather3A_535 = tpu.vector_load_idx %arg5[%add3A_534] : memref<64000xi32, #tpu.memory_space<vmem>>[vector<16xi32>], vector<16xi32>,
        %bitcast3A_536 = vector.bitcast %gather3A_535 : vector<16xi32> to vector<32xbf16>
        %add3A_537 = arith.addi %shift_left3A_349, %and3A_482 : vector<16xi32>
        %gather3A_538 = tpu.vector_load_idx %arg5[%add3A_537] : memref<64000xi32, #tpu.memory_space<vmem>>[vector<16xi32>], vector<16xi32>,
        %bitcast3A_539 = vector.bitcast %gather3A_538 : vector<16xi32> to vector<32xbf16>
        %add3A_540 = arith.addi %shift_left3A_356, %and3A_482 : vector<16xi32>
        %gather3A_541 = tpu.vector_load_idx %arg5[%add3A_540] : memref<64000xi32, #tpu.memory_space<vmem>>[vector<16xi32>], vector<16xi32>,
        %bitcast3A_542 = vector.bitcast %gather3A_541 : vector<16xi32> to vector<32xbf16>
        %add3A_543 = arith.addf %bitcast3A_485, %bitcast3A_488 : vector<32xbf16>
        %add3A_544 = arith.addf %bitcast3A_491, %bitcast3A_494 : vector<32xbf16>
        %add3A_545 = arith.addf %bitcast3A_497, %bitcast3A_500 : vector<32xbf16>
        %add3A_546 = arith.addf %bitcast3A_503, %bitcast3A_506 : vector<32xbf16>
        %add3A_547 = arith.addf %bitcast3A_509, %bitcast3A_512 : vector<32xbf16>
        %add3A_548 = arith.addf %bitcast3A_515, %bitcast3A_518 : vector<32xbf16>
        %add3A_549 = arith.addf %bitcast3A_521, %bitcast3A_524 : vector<32xbf16>
        %add3A_550 = arith.addf %bitcast3A_527, %bitcast3A_530 : vector<32xbf16>
        %add3A_551 = arith.addf %bitcast3A_533, %bitcast3A_536 : vector<32xbf16>
        %add3A_552 = arith.addf %bitcast3A_539, %bitcast3A_542 : vector<32xbf16>
        %add3A_553 = arith.addf %add3A_543, %add3A_544 : vector<32xbf16>
        %add3A_554 = arith.addf %add3A_545, %add3A_546 : vector<32xbf16>
        %add3A_555 = arith.addf %add3A_547, %add3A_548 : vector<32xbf16>
        %add3A_556 = arith.addf %add3A_549, %add3A_550 : vector<32xbf16>
        %add3A_557 = arith.addf %add3A_551, %add3A_552 : vector<32xbf16>
        %add3A_558 = arith.addf %add3A_553, %add3A_554 : vector<32xbf16>
        %add3A_559 = arith.addf %add3A_555, %add3A_556 : vector<32xbf16>
        %add3A_560 = arith.addf %add3A_558, %add3A_559 : vector<32xbf16>
        %add3A_561 = arith.addf %add3A_560, %add3A_557 : vector<32xbf16>
        %bitcast3A_562 = vector.bitcast %add3A_561 : vector<32xbf16> to vector<16xi32>
        %shift_left3A_563 = arith.constant 16 : i32
        %shift_left3A_564 = vector.broadcast %shift_left3A_563 : i32 to vector<16xi32>
        %shift_left3A_565 = arith.shli %bitcast3A_562, %shift_left3A_564 : vector<16xi32>
        %bitcast3A_566 = vector.bitcast %shift_left3A_565 : vector<16xi32> to vector<16xf32>
        %and3A_567 = arith.constant -65536 : i32
        %and3A_568 = vector.broadcast %and3A_567 : i32 to vector<16xi32>
        %and3A_569 = arith.andi %bitcast3A_562, %and3A_568 : vector<16xi32>
        %bitcast3A_570 = vector.bitcast %and3A_569 : vector<16xi32> to vector<16xf32>
        tpu.vector_store_idx %arg8[%iota3A, %and3A_482], %bitcast3A_566 : memref<16x128xf32, #tpu.memory_space<vmem>>[vector<16xi32>, vector<16xi32>], vector<16xf32>,
        %add3A_571 = arith.constant 64 : i32
        %add3A_572 = vector.broadcast %add3A_571 : i32 to vector<16xi32>
        %add3A_573 = arith.addi %and3A_482, %add3A_572 : vector<16xi32>
        tpu.vector_store_idx %arg8[%iota3A, %add3A_573], %bitcast3A_570 : memref<16x128xf32, #tpu.memory_space<vmem>>[vector<16xi32>, vector<16xi32>], vector<16xf32>,
        %mul3A_574 = arith.constant 8 : i32
        %mul3A_575 = arith.muli %scan3A_375, %mul3A_574 : i32
        %add3A_576 = arith.constant 2 : i32
        %add3A_577 = arith.addi %mul3A_575, %add3A_576 : i32
        %add3A_578 = vector.broadcast %add3A_577 : i32 to vector<16xi32>
        %add3A_579 = arith.addi %add3A_578, %mul3A_5 : vector<16xi32>
        %and3A_580 = arith.constant 63 : i32
        %and3A_581 = vector.broadcast %and3A_580 : i32 to vector<16xi32>
        %and3A_582 = arith.andi %add3A_579, %and3A_581 : vector<16xi32>
        %add3A_583 = arith.addi %shift_left3A_223, %and3A_582 : vector<16xi32>
        %gather3A_584 = tpu.vector_load_idx %arg5[%add3A_583] : memref<64000xi32, #tpu.memory_space<vmem>>[vector<16xi32>], vector<16xi32>,
        %bitcast3A_585 = vector.bitcast %gather3A_584 : vector<16xi32> to vector<32xbf16>
        %add3A_586 = arith.addi %shift_left3A_230, %and3A_582 : vector<16xi32>
        %gather3A_587 = tpu.vector_load_idx %arg5[%add3A_586] : memref<64000xi32, #tpu.memory_space<vmem>>[vector<16xi32>], vector<16xi32>,
        %bitcast3A_588 = vector.bitcast %gather3A_587 : vector<16xi32> to vector<32xbf16>
        %add3A_589 = arith.addi %shift_left3A_237, %and3A_582 : vector<16xi32>
        %gather3A_590 = tpu.vector_load_idx %arg5[%add3A_589] : memref<64000xi32, #tpu.memory_space<vmem>>[vector<16xi32>], vector<16xi32>,
        %bitcast3A_591 = vector.bitcast %gather3A_590 : vector<16xi32> to vector<32xbf16>
        %add3A_592 = arith.addi %shift_left3A_244, %and3A_582 : vector<16xi32>
        %gather3A_593 = tpu.vector_load_idx %arg5[%add3A_592] : memref<64000xi32, #tpu.memory_space<vmem>>[vector<16xi32>], vector<16xi32>,
        %bitcast3A_594 = vector.bitcast %gather3A_593 : vector<16xi32> to vector<32xbf16>
        %add3A_595 = arith.addi %shift_left3A_251, %and3A_582 : vector<16xi32>
        %gather3A_596 = tpu.vector_load_idx %arg5[%add3A_595] : memref<64000xi32, #tpu.memory_space<vmem>>[vector<16xi32>], vector<16xi32>,
        %bitcast3A_597 = vector.bitcast %gather3A_596 : vector<16xi32> to vector<32xbf16>
        %add3A_598 = arith.addi %shift_left3A_258, %and3A_582 : vector<16xi32>
        %gather3A_599 = tpu.vector_load_idx %arg5[%add3A_598] : memref<64000xi32, #tpu.memory_space<vmem>>[vector<16xi32>], vector<16xi32>,
        %bitcast3A_600 = vector.bitcast %gather3A_599 : vector<16xi32> to vector<32xbf16>
        %add3A_601 = arith.addi %shift_left3A_265, %and3A_582 : vector<16xi32>
        %gather3A_602 = tpu.vector_load_idx %arg5[%add3A_601] : memref<64000xi32, #tpu.memory_space<vmem>>[vector<16xi32>], vector<16xi32>,
        %bitcast3A_603 = vector.bitcast %gather3A_602 : vector<16xi32> to vector<32xbf16>
        %add3A_604 = arith.addi %shift_left3A_272, %and3A_582 : vector<16xi32>
        %gather3A_605 = tpu.vector_load_idx %arg5[%add3A_604] : memref<64000xi32, #tpu.memory_space<vmem>>[vector<16xi32>], vector<16xi32>,
        %bitcast3A_606 = vector.bitcast %gather3A_605 : vector<16xi32> to vector<32xbf16>
        %add3A_607 = arith.addi %shift_left3A_279, %and3A_582 : vector<16xi32>
        %gather3A_608 = tpu.vector_load_idx %arg5[%add3A_607] : memref<64000xi32, #tpu.memory_space<vmem>>[vector<16xi32>], vector<16xi32>,
        %bitcast3A_609 = vector.bitcast %gather3A_608 : vector<16xi32> to vector<32xbf16>
        %add3A_610 = arith.addi %shift_left3A_286, %and3A_582 : vector<16xi32>
        %gather3A_611 = tpu.vector_load_idx %arg5[%add3A_610] : memref<64000xi32, #tpu.memory_space<vmem>>[vector<16xi32>], vector<16xi32>,
        %bitcast3A_612 = vector.bitcast %gather3A_611 : vector<16xi32> to vector<32xbf16>
        %add3A_613 = arith.addi %shift_left3A_293, %and3A_582 : vector<16xi32>
        %gather3A_614 = tpu.vector_load_idx %arg5[%add3A_613] : memref<64000xi32, #tpu.memory_space<vmem>>[vector<16xi32>], vector<16xi32>,
        %bitcast3A_615 = vector.bitcast %gather3A_614 : vector<16xi32> to vector<32xbf16>
        %add3A_616 = arith.addi %shift_left3A_300, %and3A_582 : vector<16xi32>
        %gather3A_617 = tpu.vector_load_idx %arg5[%add3A_616] : memref<64000xi32, #tpu.memory_space<vmem>>[vector<16xi32>], vector<16xi32>,
        %bitcast3A_618 = vector.bitcast %gather3A_617 : vector<16xi32> to vector<32xbf16>
        %add3A_619 = arith.addi %shift_left3A_307, %and3A_582 : vector<16xi32>
        %gather3A_620 = tpu.vector_load_idx %arg5[%add3A_619] : memref<64000xi32, #tpu.memory_space<vmem>>[vector<16xi32>], vector<16xi32>,
        %bitcast3A_621 = vector.bitcast %gather3A_620 : vector<16xi32> to vector<32xbf16>
        %add3A_622 = arith.addi %shift_left3A_314, %and3A_582 : vector<16xi32>
        %gather3A_623 = tpu.vector_load_idx %arg5[%add3A_622] : memref<64000xi32, #tpu.memory_space<vmem>>[vector<16xi32>], vector<16xi32>,
        %bitcast3A_624 = vector.bitcast %gather3A_623 : vector<16xi32> to vector<32xbf16>
        %add3A_625 = arith.addi %shift_left3A_321, %and3A_582 : vector<16xi32>
        %gather3A_626 = tpu.vector_load_idx %arg5[%add3A_625] : memref<64000xi32, #tpu.memory_space<vmem>>[vector<16xi32>], vector<16xi32>,
        %bitcast3A_627 = vector.bitcast %gather3A_626 : vector<16xi32> to vector<32xbf16>
        %add3A_628 = arith.addi %shift_left3A_328, %and3A_582 : vector<16xi32>
        %gather3A_629 = tpu.vector_load_idx %arg5[%add3A_628] : memref<64000xi32, #tpu.memory_space<vmem>>[vector<16xi32>], vector<16xi32>,
        %bitcast3A_630 = vector.bitcast %gather3A_629 : vector<16xi32> to vector<32xbf16>
        %add3A_631 = arith.addi %shift_left3A_335, %and3A_582 : vector<16xi32>
        %gather3A_632 = tpu.vector_load_idx %arg5[%add3A_631] : memref<64000xi32, #tpu.memory_space<vmem>>[vector<16xi32>], vector<16xi32>,
        %bitcast3A_633 = vector.bitcast %gather3A_632 : vector<16xi32> to vector<32xbf16>
        %add3A_634 = arith.addi %shift_left3A_342, %and3A_582 : vector<16xi32>
        %gather3A_635 = tpu.vector_load_idx %arg5[%add3A_634] : memref<64000xi32, #tpu.memory_space<vmem>>[vector<16xi32>], vector<16xi32>,
        %bitcast3A_636 = vector.bitcast %gather3A_635 : vector<16xi32> to vector<32xbf16>
        %add3A_637 = arith.addi %shift_left3A_349, %and3A_582 : vector<16xi32>
        %gather3A_638 = tpu.vector_load_idx %arg5[%add3A_637] : memref<64000xi32, #tpu.memory_space<vmem>>[vector<16xi32>], vector<16xi32>,
        %bitcast3A_639 = vector.bitcast %gather3A_638 : vector<16xi32> to vector<32xbf16>
        %add3A_640 = arith.addi %shift_left3A_356, %and3A_582 : vector<16xi32>
        %gather3A_641 = tpu.vector_load_idx %arg5[%add3A_640] : memref<64000xi32, #tpu.memory_space<vmem>>[vector<16xi32>], vector<16xi32>,
        %bitcast3A_642 = vector.bitcast %gather3A_641 : vector<16xi32> to vector<32xbf16>
        %add3A_643 = arith.addf %bitcast3A_585, %bitcast3A_588 : vector<32xbf16>
        %add3A_644 = arith.addf %bitcast3A_591, %bitcast3A_594 : vector<32xbf16>
        %add3A_645 = arith.addf %bitcast3A_597, %bitcast3A_600 : vector<32xbf16>
        %add3A_646 = arith.addf %bitcast3A_603, %bitcast3A_606 : vector<32xbf16>
        %add3A_647 = arith.addf %bitcast3A_609, %bitcast3A_612 : vector<32xbf16>
        %add3A_648 = arith.addf %bitcast3A_615, %bitcast3A_618 : vector<32xbf16>
        %add3A_649 = arith.addf %bitcast3A_621, %bitcast3A_624 : vector<32xbf16>
        %add3A_650 = arith.addf %bitcast3A_627, %bitcast3A_630 : vector<32xbf16>
        %add3A_651 = arith.addf %bitcast3A_633, %bitcast3A_636 : vector<32xbf16>
        %add3A_652 = arith.addf %bitcast3A_639, %bitcast3A_642 : vector<32xbf16>
        %add3A_653 = arith.addf %add3A_643, %add3A_644 : vector<32xbf16>
        %add3A_654 = arith.addf %add3A_645, %add3A_646 : vector<32xbf16>
        %add3A_655 = arith.addf %add3A_647, %add3A_648 : vector<32xbf16>
        %add3A_656 = arith.addf %add3A_649, %add3A_650 : vector<32xbf16>
        %add3A_657 = arith.addf %add3A_651, %add3A_652 : vector<32xbf16>
        %add3A_658 = arith.addf %add3A_653, %add3A_654 : vector<32xbf16>
        %add3A_659 = arith.addf %add3A_655, %add3A_656 : vector<32xbf16>
        %add3A_660 = arith.addf %add3A_658, %add3A_659 : vector<32xbf16>
        %add3A_661 = arith.addf %add3A_660, %add3A_657 : vector<32xbf16>
        %bitcast3A_662 = vector.bitcast %add3A_661 : vector<32xbf16> to vector<16xi32>
        %shift_left3A_663 = arith.constant 16 : i32
        %shift_left3A_664 = vector.broadcast %shift_left3A_663 : i32 to vector<16xi32>
        %shift_left3A_665 = arith.shli %bitcast3A_662, %shift_left3A_664 : vector<16xi32>
        %bitcast3A_666 = vector.bitcast %shift_left3A_665 : vector<16xi32> to vector<16xf32>
        %and3A_667 = arith.constant -65536 : i32
        %and3A_668 = vector.broadcast %and3A_667 : i32 to vector<16xi32>
        %and3A_669 = arith.andi %bitcast3A_662, %and3A_668 : vector<16xi32>
        %bitcast3A_670 = vector.bitcast %and3A_669 : vector<16xi32> to vector<16xf32>
        tpu.vector_store_idx %arg8[%iota3A, %and3A_582], %bitcast3A_666 : memref<16x128xf32, #tpu.memory_space<vmem>>[vector<16xi32>, vector<16xi32>], vector<16xf32>,
        %add3A_671 = arith.constant 64 : i32
        %add3A_672 = vector.broadcast %add3A_671 : i32 to vector<16xi32>
        %add3A_673 = arith.addi %and3A_582, %add3A_672 : vector<16xi32>
        tpu.vector_store_idx %arg8[%iota3A, %add3A_673], %bitcast3A_670 : memref<16x128xf32, #tpu.memory_space<vmem>>[vector<16xi32>, vector<16xi32>], vector<16xf32>,
        %mul3A_674 = arith.constant 8 : i32
        %mul3A_675 = arith.muli %scan3A_375, %mul3A_674 : i32
        %add3A_676 = arith.constant 3 : i32
        %add3A_677 = arith.addi %mul3A_675, %add3A_676 : i32
        %add3A_678 = vector.broadcast %add3A_677 : i32 to vector<16xi32>
        %add3A_679 = arith.addi %add3A_678, %mul3A_5 : vector<16xi32>
        %and3A_680 = arith.constant 63 : i32
        %and3A_681 = vector.broadcast %and3A_680 : i32 to vector<16xi32>
        %and3A_682 = arith.andi %add3A_679, %and3A_681 : vector<16xi32>
        %add3A_683 = arith.addi %shift_left3A_223, %and3A_682 : vector<16xi32>
        %gather3A_684 = tpu.vector_load_idx %arg5[%add3A_683] : memref<64000xi32, #tpu.memory_space<vmem>>[vector<16xi32>], vector<16xi32>,
        %bitcast3A_685 = vector.bitcast %gather3A_684 : vector<16xi32> to vector<32xbf16>
        %add3A_686 = arith.addi %shift_left3A_230, %and3A_682 : vector<16xi32>
        %gather3A_687 = tpu.vector_load_idx %arg5[%add3A_686] : memref<64000xi32, #tpu.memory_space<vmem>>[vector<16xi32>], vector<16xi32>,
        %bitcast3A_688 = vector.bitcast %gather3A_687 : vector<16xi32> to vector<32xbf16>
        %add3A_689 = arith.addi %shift_left3A_237, %and3A_682 : vector<16xi32>
        %gather3A_690 = tpu.vector_load_idx %arg5[%add3A_689] : memref<64000xi32, #tpu.memory_space<vmem>>[vector<16xi32>], vector<16xi32>,
        %bitcast3A_691 = vector.bitcast %gather3A_690 : vector<16xi32> to vector<32xbf16>
        %add3A_692 = arith.addi %shift_left3A_244, %and3A_682 : vector<16xi32>
        %gather3A_693 = tpu.vector_load_idx %arg5[%add3A_692] : memref<64000xi32, #tpu.memory_space<vmem>>[vector<16xi32>], vector<16xi32>,
        %bitcast3A_694 = vector.bitcast %gather3A_693 : vector<16xi32> to vector<32xbf16>
        %add3A_695 = arith.addi %shift_left3A_251, %and3A_682 : vector<16xi32>
        %gather3A_696 = tpu.vector_load_idx %arg5[%add3A_695] : memref<64000xi32, #tpu.memory_space<vmem>>[vector<16xi32>], vector<16xi32>,
        %bitcast3A_697 = vector.bitcast %gather3A_696 : vector<16xi32> to vector<32xbf16>
        %add3A_698 = arith.addi %shift_left3A_258, %and3A_682 : vector<16xi32>
        %gather3A_699 = tpu.vector_load_idx %arg5[%add3A_698] : memref<64000xi32, #tpu.memory_space<vmem>>[vector<16xi32>], vector<16xi32>,
        %bitcast3A_700 = vector.bitcast %gather3A_699 : vector<16xi32> to vector<32xbf16>
        %add3A_701 = arith.addi %shift_left3A_265, %and3A_682 : vector<16xi32>
        %gather3A_702 = tpu.vector_load_idx %arg5[%add3A_701] : memref<64000xi32, #tpu.memory_space<vmem>>[vector<16xi32>], vector<16xi32>,
        %bitcast3A_703 = vector.bitcast %gather3A_702 : vector<16xi32> to vector<32xbf16>
        %add3A_704 = arith.addi %shift_left3A_272, %and3A_682 : vector<16xi32>
        %gather3A_705 = tpu.vector_load_idx %arg5[%add3A_704] : memref<64000xi32, #tpu.memory_space<vmem>>[vector<16xi32>], vector<16xi32>,
        %bitcast3A_706 = vector.bitcast %gather3A_705 : vector<16xi32> to vector<32xbf16>
        %add3A_707 = arith.addi %shift_left3A_279, %and3A_682 : vector<16xi32>
        %gather3A_708 = tpu.vector_load_idx %arg5[%add3A_707] : memref<64000xi32, #tpu.memory_space<vmem>>[vector<16xi32>], vector<16xi32>,
        %bitcast3A_709 = vector.bitcast %gather3A_708 : vector<16xi32> to vector<32xbf16>
        %add3A_710 = arith.addi %shift_left3A_286, %and3A_682 : vector<16xi32>
        %gather3A_711 = tpu.vector_load_idx %arg5[%add3A_710] : memref<64000xi32, #tpu.memory_space<vmem>>[vector<16xi32>], vector<16xi32>,
        %bitcast3A_712 = vector.bitcast %gather3A_711 : vector<16xi32> to vector<32xbf16>
        %add3A_713 = arith.addi %shift_left3A_293, %and3A_682 : vector<16xi32>
        %gather3A_714 = tpu.vector_load_idx %arg5[%add3A_713] : memref<64000xi32, #tpu.memory_space<vmem>>[vector<16xi32>], vector<16xi32>,
        %bitcast3A_715 = vector.bitcast %gather3A_714 : vector<16xi32> to vector<32xbf16>
        %add3A_716 = arith.addi %shift_left3A_300, %and3A_682 : vector<16xi32>
        %gather3A_717 = tpu.vector_load_idx %arg5[%add3A_716] : memref<64000xi32, #tpu.memory_space<vmem>>[vector<16xi32>], vector<16xi32>,
        %bitcast3A_718 = vector.bitcast %gather3A_717 : vector<16xi32> to vector<32xbf16>
        %add3A_719 = arith.addi %shift_left3A_307, %and3A_682 : vector<16xi32>
        %gather3A_720 = tpu.vector_load_idx %arg5[%add3A_719] : memref<64000xi32, #tpu.memory_space<vmem>>[vector<16xi32>], vector<16xi32>,
        %bitcast3A_721 = vector.bitcast %gather3A_720 : vector<16xi32> to vector<32xbf16>
        %add3A_722 = arith.addi %shift_left3A_314, %and3A_682 : vector<16xi32>
        %gather3A_723 = tpu.vector_load_idx %arg5[%add3A_722] : memref<64000xi32, #tpu.memory_space<vmem>>[vector<16xi32>], vector<16xi32>,
        %bitcast3A_724 = vector.bitcast %gather3A_723 : vector<16xi32> to vector<32xbf16>
        %add3A_725 = arith.addi %shift_left3A_321, %and3A_682 : vector<16xi32>
        %gather3A_726 = tpu.vector_load_idx %arg5[%add3A_725] : memref<64000xi32, #tpu.memory_space<vmem>>[vector<16xi32>], vector<16xi32>,
        %bitcast3A_727 = vector.bitcast %gather3A_726 : vector<16xi32> to vector<32xbf16>
        %add3A_728 = arith.addi %shift_left3A_328, %and3A_682 : vector<16xi32>
        %gather3A_729 = tpu.vector_load_idx %arg5[%add3A_728] : memref<64000xi32, #tpu.memory_space<vmem>>[vector<16xi32>], vector<16xi32>,
        %bitcast3A_730 = vector.bitcast %gather3A_729 : vector<16xi32> to vector<32xbf16>
        %add3A_731 = arith.addi %shift_left3A_335, %and3A_682 : vector<16xi32>
        %gather3A_732 = tpu.vector_load_idx %arg5[%add3A_731] : memref<64000xi32, #tpu.memory_space<vmem>>[vector<16xi32>], vector<16xi32>,
        %bitcast3A_733 = vector.bitcast %gather3A_732 : vector<16xi32> to vector<32xbf16>
        %add3A_734 = arith.addi %shift_left3A_342, %and3A_682 : vector<16xi32>
        %gather3A_735 = tpu.vector_load_idx %arg5[%add3A_734] : memref<64000xi32, #tpu.memory_space<vmem>>[vector<16xi32>], vector<16xi32>,
        %bitcast3A_736 = vector.bitcast %gather3A_735 : vector<16xi32> to vector<32xbf16>
        %add3A_737 = arith.addi %shift_left3A_349, %and3A_682 : vector<16xi32>
        %gather3A_738 = tpu.vector_load_idx %arg5[%add3A_737] : memref<64000xi32, #tpu.memory_space<vmem>>[vector<16xi32>], vector<16xi32>,
        %bitcast3A_739 = vector.bitcast %gather3A_738 : vector<16xi32> to vector<32xbf16>
        %add3A_740 = arith.addi %shift_left3A_356, %and3A_682 : vector<16xi32>
        %gather3A_741 = tpu.vector_load_idx %arg5[%add3A_740] : memref<64000xi32, #tpu.memory_space<vmem>>[vector<16xi32>], vector<16xi32>,
        %bitcast3A_742 = vector.bitcast %gather3A_741 : vector<16xi32> to vector<32xbf16>
        %add3A_743 = arith.addf %bitcast3A_685, %bitcast3A_688 : vector<32xbf16>
        %add3A_744 = arith.addf %bitcast3A_691, %bitcast3A_694 : vector<32xbf16>
        %add3A_745 = arith.addf %bitcast3A_697, %bitcast3A_700 : vector<32xbf16>
        %add3A_746 = arith.addf %bitcast3A_703, %bitcast3A_706 : vector<32xbf16>
        %add3A_747 = arith.addf %bitcast3A_709, %bitcast3A_712 : vector<32xbf16>
        %add3A_748 = arith.addf %bitcast3A_715, %bitcast3A_718 : vector<32xbf16>
        %add3A_749 = arith.addf %bitcast3A_721, %bitcast3A_724 : vector<32xbf16>
        %add3A_750 = arith.addf %bitcast3A_727, %bitcast3A_730 : vector<32xbf16>
        %add3A_751 = arith.addf %bitcast3A_733, %bitcast3A_736 : vector<32xbf16>
        %add3A_752 = arith.addf %bitcast3A_739, %bitcast3A_742 : vector<32xbf16>
        %add3A_753 = arith.addf %add3A_743, %add3A_744 : vector<32xbf16>
        %add3A_754 = arith.addf %add3A_745, %add3A_746 : vector<32xbf16>
        %add3A_755 = arith.addf %add3A_747, %add3A_748 : vector<32xbf16>
        %add3A_756 = arith.addf %add3A_749, %add3A_750 : vector<32xbf16>
        %add3A_757 = arith.addf %add3A_751, %add3A_752 : vector<32xbf16>
        %add3A_758 = arith.addf %add3A_753, %add3A_754 : vector<32xbf16>
        %add3A_759 = arith.addf %add3A_755, %add3A_756 : vector<32xbf16>
        %add3A_760 = arith.addf %add3A_758, %add3A_759 : vector<32xbf16>
        %add3A_761 = arith.addf %add3A_760, %add3A_757 : vector<32xbf16>
        %bitcast3A_762 = vector.bitcast %add3A_761 : vector<32xbf16> to vector<16xi32>
        %shift_left3A_763 = arith.constant 16 : i32
        %shift_left3A_764 = vector.broadcast %shift_left3A_763 : i32 to vector<16xi32>
        %shift_left3A_765 = arith.shli %bitcast3A_762, %shift_left3A_764 : vector<16xi32>
        %bitcast3A_766 = vector.bitcast %shift_left3A_765 : vector<16xi32> to vector<16xf32>
        %and3A_767 = arith.constant -65536 : i32
        %and3A_768 = vector.broadcast %and3A_767 : i32 to vector<16xi32>
        %and3A_769 = arith.andi %bitcast3A_762, %and3A_768 : vector<16xi32>
        %bitcast3A_770 = vector.bitcast %and3A_769 : vector<16xi32> to vector<16xf32>
        tpu.vector_store_idx %arg8[%iota3A, %and3A_682], %bitcast3A_766 : memref<16x128xf32, #tpu.memory_space<vmem>>[vector<16xi32>, vector<16xi32>], vector<16xf32>,
        %add3A_771 = arith.constant 64 : i32
        %add3A_772 = vector.broadcast %add3A_771 : i32 to vector<16xi32>
        %add3A_773 = arith.addi %and3A_682, %add3A_772 : vector<16xi32>
        tpu.vector_store_idx %arg8[%iota3A, %add3A_773], %bitcast3A_770 : memref<16x128xf32, #tpu.memory_space<vmem>>[vector<16xi32>, vector<16xi32>], vector<16xf32>,
        %mul3A_774 = arith.constant 8 : i32
        %mul3A_775 = arith.muli %scan3A_375, %mul3A_774 : i32
        %add3A_776 = arith.constant 4 : i32
        %add3A_777 = arith.addi %mul3A_775, %add3A_776 : i32
        %add3A_778 = vector.broadcast %add3A_777 : i32 to vector<16xi32>
        %add3A_779 = arith.addi %add3A_778, %mul3A_5 : vector<16xi32>
        %and3A_780 = arith.constant 63 : i32
        %and3A_781 = vector.broadcast %and3A_780 : i32 to vector<16xi32>
        %and3A_782 = arith.andi %add3A_779, %and3A_781 : vector<16xi32>
        %add3A_783 = arith.addi %shift_left3A_223, %and3A_782 : vector<16xi32>
        %gather3A_784 = tpu.vector_load_idx %arg5[%add3A_783] : memref<64000xi32, #tpu.memory_space<vmem>>[vector<16xi32>], vector<16xi32>,
        %bitcast3A_785 = vector.bitcast %gather3A_784 : vector<16xi32> to vector<32xbf16>
        %add3A_786 = arith.addi %shift_left3A_230, %and3A_782 : vector<16xi32>
        %gather3A_787 = tpu.vector_load_idx %arg5[%add3A_786] : memref<64000xi32, #tpu.memory_space<vmem>>[vector<16xi32>], vector<16xi32>,
        %bitcast3A_788 = vector.bitcast %gather3A_787 : vector<16xi32> to vector<32xbf16>
        %add3A_789 = arith.addi %shift_left3A_237, %and3A_782 : vector<16xi32>
        %gather3A_790 = tpu.vector_load_idx %arg5[%add3A_789] : memref<64000xi32, #tpu.memory_space<vmem>>[vector<16xi32>], vector<16xi32>,
        %bitcast3A_791 = vector.bitcast %gather3A_790 : vector<16xi32> to vector<32xbf16>
        %add3A_792 = arith.addi %shift_left3A_244, %and3A_782 : vector<16xi32>
        %gather3A_793 = tpu.vector_load_idx %arg5[%add3A_792] : memref<64000xi32, #tpu.memory_space<vmem>>[vector<16xi32>], vector<16xi32>,
        %bitcast3A_794 = vector.bitcast %gather3A_793 : vector<16xi32> to vector<32xbf16>
        %add3A_795 = arith.addi %shift_left3A_251, %and3A_782 : vector<16xi32>
        %gather3A_796 = tpu.vector_load_idx %arg5[%add3A_795] : memref<64000xi32, #tpu.memory_space<vmem>>[vector<16xi32>], vector<16xi32>,
        %bitcast3A_797 = vector.bitcast %gather3A_796 : vector<16xi32> to vector<32xbf16>
        %add3A_798 = arith.addi %shift_left3A_258, %and3A_782 : vector<16xi32>
        %gather3A_799 = tpu.vector_load_idx %arg5[%add3A_798] : memref<64000xi32, #tpu.memory_space<vmem>>[vector<16xi32>], vector<16xi32>,
        %bitcast3A_800 = vector.bitcast %gather3A_799 : vector<16xi32> to vector<32xbf16>
        %add3A_801 = arith.addi %shift_left3A_265, %and3A_782 : vector<16xi32>
        %gather3A_802 = tpu.vector_load_idx %arg5[%add3A_801] : memref<64000xi32, #tpu.memory_space<vmem>>[vector<16xi32>], vector<16xi32>,
        %bitcast3A_803 = vector.bitcast %gather3A_802 : vector<16xi32> to vector<32xbf16>
        %add3A_804 = arith.addi %shift_left3A_272, %and3A_782 : vector<16xi32>
        %gather3A_805 = tpu.vector_load_idx %arg5[%add3A_804] : memref<64000xi32, #tpu.memory_space<vmem>>[vector<16xi32>], vector<16xi32>,
        %bitcast3A_806 = vector.bitcast %gather3A_805 : vector<16xi32> to vector<32xbf16>
        %add3A_807 = arith.addi %shift_left3A_279, %and3A_782 : vector<16xi32>
        %gather3A_808 = tpu.vector_load_idx %arg5[%add3A_807] : memref<64000xi32, #tpu.memory_space<vmem>>[vector<16xi32>], vector<16xi32>,
        %bitcast3A_809 = vector.bitcast %gather3A_808 : vector<16xi32> to vector<32xbf16>
        %add3A_810 = arith.addi %shift_left3A_286, %and3A_782 : vector<16xi32>
        %gather3A_811 = tpu.vector_load_idx %arg5[%add3A_810] : memref<64000xi32, #tpu.memory_space<vmem>>[vector<16xi32>], vector<16xi32>,
        %bitcast3A_812 = vector.bitcast %gather3A_811 : vector<16xi32> to vector<32xbf16>
        %add3A_813 = arith.addi %shift_left3A_293, %and3A_782 : vector<16xi32>
        %gather3A_814 = tpu.vector_load_idx %arg5[%add3A_813] : memref<64000xi32, #tpu.memory_space<vmem>>[vector<16xi32>], vector<16xi32>,
        %bitcast3A_815 = vector.bitcast %gather3A_814 : vector<16xi32> to vector<32xbf16>
        %add3A_816 = arith.addi %shift_left3A_300, %and3A_782 : vector<16xi32>
        %gather3A_817 = tpu.vector_load_idx %arg5[%add3A_816] : memref<64000xi32, #tpu.memory_space<vmem>>[vector<16xi32>], vector<16xi32>,
        %bitcast3A_818 = vector.bitcast %gather3A_817 : vector<16xi32> to vector<32xbf16>
        %add3A_819 = arith.addi %shift_left3A_307, %and3A_782 : vector<16xi32>
        %gather3A_820 = tpu.vector_load_idx %arg5[%add3A_819] : memref<64000xi32, #tpu.memory_space<vmem>>[vector<16xi32>], vector<16xi32>,
        %bitcast3A_821 = vector.bitcast %gather3A_820 : vector<16xi32> to vector<32xbf16>
        %add3A_822 = arith.addi %shift_left3A_314, %and3A_782 : vector<16xi32>
        %gather3A_823 = tpu.vector_load_idx %arg5[%add3A_822] : memref<64000xi32, #tpu.memory_space<vmem>>[vector<16xi32>], vector<16xi32>,
        %bitcast3A_824 = vector.bitcast %gather3A_823 : vector<16xi32> to vector<32xbf16>
        %add3A_825 = arith.addi %shift_left3A_321, %and3A_782 : vector<16xi32>
        %gather3A_826 = tpu.vector_load_idx %arg5[%add3A_825] : memref<64000xi32, #tpu.memory_space<vmem>>[vector<16xi32>], vector<16xi32>,
        %bitcast3A_827 = vector.bitcast %gather3A_826 : vector<16xi32> to vector<32xbf16>
        %add3A_828 = arith.addi %shift_left3A_328, %and3A_782 : vector<16xi32>
        %gather3A_829 = tpu.vector_load_idx %arg5[%add3A_828] : memref<64000xi32, #tpu.memory_space<vmem>>[vector<16xi32>], vector<16xi32>,
        %bitcast3A_830 = vector.bitcast %gather3A_829 : vector<16xi32> to vector<32xbf16>
        %add3A_831 = arith.addi %shift_left3A_335, %and3A_782 : vector<16xi32>
        %gather3A_832 = tpu.vector_load_idx %arg5[%add3A_831] : memref<64000xi32, #tpu.memory_space<vmem>>[vector<16xi32>], vector<16xi32>,
        %bitcast3A_833 = vector.bitcast %gather3A_832 : vector<16xi32> to vector<32xbf16>
        %add3A_834 = arith.addi %shift_left3A_342, %and3A_782 : vector<16xi32>
        %gather3A_835 = tpu.vector_load_idx %arg5[%add3A_834] : memref<64000xi32, #tpu.memory_space<vmem>>[vector<16xi32>], vector<16xi32>,
        %bitcast3A_836 = vector.bitcast %gather3A_835 : vector<16xi32> to vector<32xbf16>
        %add3A_837 = arith.addi %shift_left3A_349, %and3A_782 : vector<16xi32>
        %gather3A_838 = tpu.vector_load_idx %arg5[%add3A_837] : memref<64000xi32, #tpu.memory_space<vmem>>[vector<16xi32>], vector<16xi32>,
        %bitcast3A_839 = vector.bitcast %gather3A_838 : vector<16xi32> to vector<32xbf16>
        %add3A_840 = arith.addi %shift_left3A_356, %and3A_782 : vector<16xi32>
        %gather3A_841 = tpu.vector_load_idx %arg5[%add3A_840] : memref<64000xi32, #tpu.memory_space<vmem>>[vector<16xi32>], vector<16xi32>,
        %bitcast3A_842 = vector.bitcast %gather3A_841 : vector<16xi32> to vector<32xbf16>
        %add3A_843 = arith.addf %bitcast3A_785, %bitcast3A_788 : vector<32xbf16>
        %add3A_844 = arith.addf %bitcast3A_791, %bitcast3A_794 : vector<32xbf16>
        %add3A_845 = arith.addf %bitcast3A_797, %bitcast3A_800 : vector<32xbf16>
        %add3A_846 = arith.addf %bitcast3A_803, %bitcast3A_806 : vector<32xbf16>
        %add3A_847 = arith.addf %bitcast3A_809, %bitcast3A_812 : vector<32xbf16>
        %add3A_848 = arith.addf %bitcast3A_815, %bitcast3A_818 : vector<32xbf16>
        %add3A_849 = arith.addf %bitcast3A_821, %bitcast3A_824 : vector<32xbf16>
        %add3A_850 = arith.addf %bitcast3A_827, %bitcast3A_830 : vector<32xbf16>
        %add3A_851 = arith.addf %bitcast3A_833, %bitcast3A_836 : vector<32xbf16>
        %add3A_852 = arith.addf %bitcast3A_839, %bitcast3A_842 : vector<32xbf16>
        %add3A_853 = arith.addf %add3A_843, %add3A_844 : vector<32xbf16>
        %add3A_854 = arith.addf %add3A_845, %add3A_846 : vector<32xbf16>
        %add3A_855 = arith.addf %add3A_847, %add3A_848 : vector<32xbf16>
        %add3A_856 = arith.addf %add3A_849, %add3A_850 : vector<32xbf16>
        %add3A_857 = arith.addf %add3A_851, %add3A_852 : vector<32xbf16>
        %add3A_858 = arith.addf %add3A_853, %add3A_854 : vector<32xbf16>
        %add3A_859 = arith.addf %add3A_855, %add3A_856 : vector<32xbf16>
        %add3A_860 = arith.addf %add3A_858, %add3A_859 : vector<32xbf16>
        %add3A_861 = arith.addf %add3A_860, %add3A_857 : vector<32xbf16>
        %bitcast3A_862 = vector.bitcast %add3A_861 : vector<32xbf16> to vector<16xi32>
        %shift_left3A_863 = arith.constant 16 : i32
        %shift_left3A_864 = vector.broadcast %shift_left3A_863 : i32 to vector<16xi32>
        %shift_left3A_865 = arith.shli %bitcast3A_862, %shift_left3A_864 : vector<16xi32>
        %bitcast3A_866 = vector.bitcast %shift_left3A_865 : vector<16xi32> to vector<16xf32>
        %and3A_867 = arith.constant -65536 : i32
        %and3A_868 = vector.broadcast %and3A_867 : i32 to vector<16xi32>
        %and3A_869 = arith.andi %bitcast3A_862, %and3A_868 : vector<16xi32>
        %bitcast3A_870 = vector.bitcast %and3A_869 : vector<16xi32> to vector<16xf32>
        tpu.vector_store_idx %arg8[%iota3A, %and3A_782], %bitcast3A_866 : memref<16x128xf32, #tpu.memory_space<vmem>>[vector<16xi32>, vector<16xi32>], vector<16xf32>,
        %add3A_871 = arith.constant 64 : i32
        %add3A_872 = vector.broadcast %add3A_871 : i32 to vector<16xi32>
        %add3A_873 = arith.addi %and3A_782, %add3A_872 : vector<16xi32>
        tpu.vector_store_idx %arg8[%iota3A, %add3A_873], %bitcast3A_870 : memref<16x128xf32, #tpu.memory_space<vmem>>[vector<16xi32>, vector<16xi32>], vector<16xf32>,
        %mul3A_874 = arith.constant 8 : i32
        %mul3A_875 = arith.muli %scan3A_375, %mul3A_874 : i32
        %add3A_876 = arith.constant 5 : i32
        %add3A_877 = arith.addi %mul3A_875, %add3A_876 : i32
        %add3A_878 = vector.broadcast %add3A_877 : i32 to vector<16xi32>
        %add3A_879 = arith.addi %add3A_878, %mul3A_5 : vector<16xi32>
        %and3A_880 = arith.constant 63 : i32
        %and3A_881 = vector.broadcast %and3A_880 : i32 to vector<16xi32>
        %and3A_882 = arith.andi %add3A_879, %and3A_881 : vector<16xi32>
        %add3A_883 = arith.addi %shift_left3A_223, %and3A_882 : vector<16xi32>
        %gather3A_884 = tpu.vector_load_idx %arg5[%add3A_883] : memref<64000xi32, #tpu.memory_space<vmem>>[vector<16xi32>], vector<16xi32>,
        %bitcast3A_885 = vector.bitcast %gather3A_884 : vector<16xi32> to vector<32xbf16>
        %add3A_886 = arith.addi %shift_left3A_230, %and3A_882 : vector<16xi32>
        %gather3A_887 = tpu.vector_load_idx %arg5[%add3A_886] : memref<64000xi32, #tpu.memory_space<vmem>>[vector<16xi32>], vector<16xi32>,
        %bitcast3A_888 = vector.bitcast %gather3A_887 : vector<16xi32> to vector<32xbf16>
        %add3A_889 = arith.addi %shift_left3A_237, %and3A_882 : vector<16xi32>
        %gather3A_890 = tpu.vector_load_idx %arg5[%add3A_889] : memref<64000xi32, #tpu.memory_space<vmem>>[vector<16xi32>], vector<16xi32>,
        %bitcast3A_891 = vector.bitcast %gather3A_890 : vector<16xi32> to vector<32xbf16>
        %add3A_892 = arith.addi %shift_left3A_244, %and3A_882 : vector<16xi32>
        %gather3A_893 = tpu.vector_load_idx %arg5[%add3A_892] : memref<64000xi32, #tpu.memory_space<vmem>>[vector<16xi32>], vector<16xi32>,
        %bitcast3A_894 = vector.bitcast %gather3A_893 : vector<16xi32> to vector<32xbf16>
        %add3A_895 = arith.addi %shift_left3A_251, %and3A_882 : vector<16xi32>
        %gather3A_896 = tpu.vector_load_idx %arg5[%add3A_895] : memref<64000xi32, #tpu.memory_space<vmem>>[vector<16xi32>], vector<16xi32>,
        %bitcast3A_897 = vector.bitcast %gather3A_896 : vector<16xi32> to vector<32xbf16>
        %add3A_898 = arith.addi %shift_left3A_258, %and3A_882 : vector<16xi32>
        %gather3A_899 = tpu.vector_load_idx %arg5[%add3A_898] : memref<64000xi32, #tpu.memory_space<vmem>>[vector<16xi32>], vector<16xi32>,
        %bitcast3A_900 = vector.bitcast %gather3A_899 : vector<16xi32> to vector<32xbf16>
        %add3A_901 = arith.addi %shift_left3A_265, %and3A_882 : vector<16xi32>
        %gather3A_902 = tpu.vector_load_idx %arg5[%add3A_901] : memref<64000xi32, #tpu.memory_space<vmem>>[vector<16xi32>], vector<16xi32>,
        %bitcast3A_903 = vector.bitcast %gather3A_902 : vector<16xi32> to vector<32xbf16>
        %add3A_904 = arith.addi %shift_left3A_272, %and3A_882 : vector<16xi32>
        %gather3A_905 = tpu.vector_load_idx %arg5[%add3A_904] : memref<64000xi32, #tpu.memory_space<vmem>>[vector<16xi32>], vector<16xi32>,
        %bitcast3A_906 = vector.bitcast %gather3A_905 : vector<16xi32> to vector<32xbf16>
        %add3A_907 = arith.addi %shift_left3A_279, %and3A_882 : vector<16xi32>
        %gather3A_908 = tpu.vector_load_idx %arg5[%add3A_907] : memref<64000xi32, #tpu.memory_space<vmem>>[vector<16xi32>], vector<16xi32>,
        %bitcast3A_909 = vector.bitcast %gather3A_908 : vector<16xi32> to vector<32xbf16>
        %add3A_910 = arith.addi %shift_left3A_286, %and3A_882 : vector<16xi32>
        %gather3A_911 = tpu.vector_load_idx %arg5[%add3A_910] : memref<64000xi32, #tpu.memory_space<vmem>>[vector<16xi32>], vector<16xi32>,
        %bitcast3A_912 = vector.bitcast %gather3A_911 : vector<16xi32> to vector<32xbf16>
        %add3A_913 = arith.addi %shift_left3A_293, %and3A_882 : vector<16xi32>
        %gather3A_914 = tpu.vector_load_idx %arg5[%add3A_913] : memref<64000xi32, #tpu.memory_space<vmem>>[vector<16xi32>], vector<16xi32>,
        %bitcast3A_915 = vector.bitcast %gather3A_914 : vector<16xi32> to vector<32xbf16>
        %add3A_916 = arith.addi %shift_left3A_300, %and3A_882 : vector<16xi32>
        %gather3A_917 = tpu.vector_load_idx %arg5[%add3A_916] : memref<64000xi32, #tpu.memory_space<vmem>>[vector<16xi32>], vector<16xi32>,
        %bitcast3A_918 = vector.bitcast %gather3A_917 : vector<16xi32> to vector<32xbf16>
        %add3A_919 = arith.addi %shift_left3A_307, %and3A_882 : vector<16xi32>
        %gather3A_920 = tpu.vector_load_idx %arg5[%add3A_919] : memref<64000xi32, #tpu.memory_space<vmem>>[vector<16xi32>], vector<16xi32>,
        %bitcast3A_921 = vector.bitcast %gather3A_920 : vector<16xi32> to vector<32xbf16>
        %add3A_922 = arith.addi %shift_left3A_314, %and3A_882 : vector<16xi32>
        %gather3A_923 = tpu.vector_load_idx %arg5[%add3A_922] : memref<64000xi32, #tpu.memory_space<vmem>>[vector<16xi32>], vector<16xi32>,
        %bitcast3A_924 = vector.bitcast %gather3A_923 : vector<16xi32> to vector<32xbf16>
        %add3A_925 = arith.addi %shift_left3A_321, %and3A_882 : vector<16xi32>
        %gather3A_926 = tpu.vector_load_idx %arg5[%add3A_925] : memref<64000xi32, #tpu.memory_space<vmem>>[vector<16xi32>], vector<16xi32>,
        %bitcast3A_927 = vector.bitcast %gather3A_926 : vector<16xi32> to vector<32xbf16>
        %add3A_928 = arith.addi %shift_left3A_328, %and3A_882 : vector<16xi32>
        %gather3A_929 = tpu.vector_load_idx %arg5[%add3A_928] : memref<64000xi32, #tpu.memory_space<vmem>>[vector<16xi32>], vector<16xi32>,
        %bitcast3A_930 = vector.bitcast %gather3A_929 : vector<16xi32> to vector<32xbf16>
        %add3A_931 = arith.addi %shift_left3A_335, %and3A_882 : vector<16xi32>
        %gather3A_932 = tpu.vector_load_idx %arg5[%add3A_931] : memref<64000xi32, #tpu.memory_space<vmem>>[vector<16xi32>], vector<16xi32>,
        %bitcast3A_933 = vector.bitcast %gather3A_932 : vector<16xi32> to vector<32xbf16>
        %add3A_934 = arith.addi %shift_left3A_342, %and3A_882 : vector<16xi32>
        %gather3A_935 = tpu.vector_load_idx %arg5[%add3A_934] : memref<64000xi32, #tpu.memory_space<vmem>>[vector<16xi32>], vector<16xi32>,
        %bitcast3A_936 = vector.bitcast %gather3A_935 : vector<16xi32> to vector<32xbf16>
        %add3A_937 = arith.addi %shift_left3A_349, %and3A_882 : vector<16xi32>
        %gather3A_938 = tpu.vector_load_idx %arg5[%add3A_937] : memref<64000xi32, #tpu.memory_space<vmem>>[vector<16xi32>], vector<16xi32>,
        %bitcast3A_939 = vector.bitcast %gather3A_938 : vector<16xi32> to vector<32xbf16>
        %add3A_940 = arith.addi %shift_left3A_356, %and3A_882 : vector<16xi32>
        %gather3A_941 = tpu.vector_load_idx %arg5[%add3A_940] : memref<64000xi32, #tpu.memory_space<vmem>>[vector<16xi32>], vector<16xi32>,
        %bitcast3A_942 = vector.bitcast %gather3A_941 : vector<16xi32> to vector<32xbf16>
        %add3A_943 = arith.addf %bitcast3A_885, %bitcast3A_888 : vector<32xbf16>
        %add3A_944 = arith.addf %bitcast3A_891, %bitcast3A_894 : vector<32xbf16>
        %add3A_945 = arith.addf %bitcast3A_897, %bitcast3A_900 : vector<32xbf16>
        %add3A_946 = arith.addf %bitcast3A_903, %bitcast3A_906 : vector<32xbf16>
        %add3A_947 = arith.addf %bitcast3A_909, %bitcast3A_912 : vector<32xbf16>
        %add3A_948 = arith.addf %bitcast3A_915, %bitcast3A_918 : vector<32xbf16>
        %add3A_949 = arith.addf %bitcast3A_921, %bitcast3A_924 : vector<32xbf16>
        %add3A_950 = arith.addf %bitcast3A_927, %bitcast3A_930 : vector<32xbf16>
        %add3A_951 = arith.addf %bitcast3A_933, %bitcast3A_936 : vector<32xbf16>
        %add3A_952 = arith.addf %bitcast3A_939, %bitcast3A_942 : vector<32xbf16>
        %add3A_953 = arith.addf %add3A_943, %add3A_944 : vector<32xbf16>
        %add3A_954 = arith.addf %add3A_945, %add3A_946 : vector<32xbf16>
        %add3A_955 = arith.addf %add3A_947, %add3A_948 : vector<32xbf16>
        %add3A_956 = arith.addf %add3A_949, %add3A_950 : vector<32xbf16>
        %add3A_957 = arith.addf %add3A_951, %add3A_952 : vector<32xbf16>
        %add3A_958 = arith.addf %add3A_953, %add3A_954 : vector<32xbf16>
        %add3A_959 = arith.addf %add3A_955, %add3A_956 : vector<32xbf16>
        %add3A_960 = arith.addf %add3A_958, %add3A_959 : vector<32xbf16>
        %add3A_961 = arith.addf %add3A_960, %add3A_957 : vector<32xbf16>
        %bitcast3A_962 = vector.bitcast %add3A_961 : vector<32xbf16> to vector<16xi32>
        %shift_left3A_963 = arith.constant 16 : i32
        %shift_left3A_964 = vector.broadcast %shift_left3A_963 : i32 to vector<16xi32>
        %shift_left3A_965 = arith.shli %bitcast3A_962, %shift_left3A_964 : vector<16xi32>
        %bitcast3A_966 = vector.bitcast %shift_left3A_965 : vector<16xi32> to vector<16xf32>
        %and3A_967 = arith.constant -65536 : i32
        %and3A_968 = vector.broadcast %and3A_967 : i32 to vector<16xi32>
        %and3A_969 = arith.andi %bitcast3A_962, %and3A_968 : vector<16xi32>
        %bitcast3A_970 = vector.bitcast %and3A_969 : vector<16xi32> to vector<16xf32>
        tpu.vector_store_idx %arg8[%iota3A, %and3A_882], %bitcast3A_966 : memref<16x128xf32, #tpu.memory_space<vmem>>[vector<16xi32>, vector<16xi32>], vector<16xf32>,
        %add3A_971 = arith.constant 64 : i32
        %add3A_972 = vector.broadcast %add3A_971 : i32 to vector<16xi32>
        %add3A_973 = arith.addi %and3A_882, %add3A_972 : vector<16xi32>
        tpu.vector_store_idx %arg8[%iota3A, %add3A_973], %bitcast3A_970 : memref<16x128xf32, #tpu.memory_space<vmem>>[vector<16xi32>, vector<16xi32>], vector<16xf32>,
        %mul3A_974 = arith.constant 8 : i32
        %mul3A_975 = arith.muli %scan3A_375, %mul3A_974 : i32
        %add3A_976 = arith.constant 6 : i32
        %add3A_977 = arith.addi %mul3A_975, %add3A_976 : i32
        %add3A_978 = vector.broadcast %add3A_977 : i32 to vector<16xi32>
        %add3A_979 = arith.addi %add3A_978, %mul3A_5 : vector<16xi32>
        %and3A_980 = arith.constant 63 : i32
        %and3A_981 = vector.broadcast %and3A_980 : i32 to vector<16xi32>
        %and3A_982 = arith.andi %add3A_979, %and3A_981 : vector<16xi32>
        %add3A_983 = arith.addi %shift_left3A_223, %and3A_982 : vector<16xi32>
        %gather3A_984 = tpu.vector_load_idx %arg5[%add3A_983] : memref<64000xi32, #tpu.memory_space<vmem>>[vector<16xi32>], vector<16xi32>,
        %bitcast3A_985 = vector.bitcast %gather3A_984 : vector<16xi32> to vector<32xbf16>
        %add3A_986 = arith.addi %shift_left3A_230, %and3A_982 : vector<16xi32>
        %gather3A_987 = tpu.vector_load_idx %arg5[%add3A_986] : memref<64000xi32, #tpu.memory_space<vmem>>[vector<16xi32>], vector<16xi32>,
        %bitcast3A_988 = vector.bitcast %gather3A_987 : vector<16xi32> to vector<32xbf16>
        %add3A_989 = arith.addi %shift_left3A_237, %and3A_982 : vector<16xi32>
        %gather3A_990 = tpu.vector_load_idx %arg5[%add3A_989] : memref<64000xi32, #tpu.memory_space<vmem>>[vector<16xi32>], vector<16xi32>,
        %bitcast3A_991 = vector.bitcast %gather3A_990 : vector<16xi32> to vector<32xbf16>
        %add3A_992 = arith.addi %shift_left3A_244, %and3A_982 : vector<16xi32>
        %gather3A_993 = tpu.vector_load_idx %arg5[%add3A_992] : memref<64000xi32, #tpu.memory_space<vmem>>[vector<16xi32>], vector<16xi32>,
        %bitcast3A_994 = vector.bitcast %gather3A_993 : vector<16xi32> to vector<32xbf16>
        %add3A_995 = arith.addi %shift_left3A_251, %and3A_982 : vector<16xi32>
        %gather3A_996 = tpu.vector_load_idx %arg5[%add3A_995] : memref<64000xi32, #tpu.memory_space<vmem>>[vector<16xi32>], vector<16xi32>,
        %bitcast3A_997 = vector.bitcast %gather3A_996 : vector<16xi32> to vector<32xbf16>
        %add3A_998 = arith.addi %shift_left3A_258, %and3A_982 : vector<16xi32>
        %gather3A_999 = tpu.vector_load_idx %arg5[%add3A_998] : memref<64000xi32, #tpu.memory_space<vmem>>[vector<16xi32>], vector<16xi32>,
        %bitcast3A_1000 = vector.bitcast %gather3A_999 : vector<16xi32> to vector<32xbf16>
        %add3A_1001 = arith.addi %shift_left3A_265, %and3A_982 : vector<16xi32>
        %gather3A_1002 = tpu.vector_load_idx %arg5[%add3A_1001] : memref<64000xi32, #tpu.memory_space<vmem>>[vector<16xi32>], vector<16xi32>,
        %bitcast3A_1003 = vector.bitcast %gather3A_1002 : vector<16xi32> to vector<32xbf16>
        %add3A_1004 = arith.addi %shift_left3A_272, %and3A_982 : vector<16xi32>
        %gather3A_1005 = tpu.vector_load_idx %arg5[%add3A_1004] : memref<64000xi32, #tpu.memory_space<vmem>>[vector<16xi32>], vector<16xi32>,
        %bitcast3A_1006 = vector.bitcast %gather3A_1005 : vector<16xi32> to vector<32xbf16>
        %add3A_1007 = arith.addi %shift_left3A_279, %and3A_982 : vector<16xi32>
        %gather3A_1008 = tpu.vector_load_idx %arg5[%add3A_1007] : memref<64000xi32, #tpu.memory_space<vmem>>[vector<16xi32>], vector<16xi32>,
        %bitcast3A_1009 = vector.bitcast %gather3A_1008 : vector<16xi32> to vector<32xbf16>
        %add3A_1010 = arith.addi %shift_left3A_286, %and3A_982 : vector<16xi32>
        %gather3A_1011 = tpu.vector_load_idx %arg5[%add3A_1010] : memref<64000xi32, #tpu.memory_space<vmem>>[vector<16xi32>], vector<16xi32>,
        %bitcast3A_1012 = vector.bitcast %gather3A_1011 : vector<16xi32> to vector<32xbf16>
        %add3A_1013 = arith.addi %shift_left3A_293, %and3A_982 : vector<16xi32>
        %gather3A_1014 = tpu.vector_load_idx %arg5[%add3A_1013] : memref<64000xi32, #tpu.memory_space<vmem>>[vector<16xi32>], vector<16xi32>,
        %bitcast3A_1015 = vector.bitcast %gather3A_1014 : vector<16xi32> to vector<32xbf16>
        %add3A_1016 = arith.addi %shift_left3A_300, %and3A_982 : vector<16xi32>
        %gather3A_1017 = tpu.vector_load_idx %arg5[%add3A_1016] : memref<64000xi32, #tpu.memory_space<vmem>>[vector<16xi32>], vector<16xi32>,
        %bitcast3A_1018 = vector.bitcast %gather3A_1017 : vector<16xi32> to vector<32xbf16>
        %add3A_1019 = arith.addi %shift_left3A_307, %and3A_982 : vector<16xi32>
        %gather3A_1020 = tpu.vector_load_idx %arg5[%add3A_1019] : memref<64000xi32, #tpu.memory_space<vmem>>[vector<16xi32>], vector<16xi32>,
        %bitcast3A_1021 = vector.bitcast %gather3A_1020 : vector<16xi32> to vector<32xbf16>
        %add3A_1022 = arith.addi %shift_left3A_314, %and3A_982 : vector<16xi32>
        %gather3A_1023 = tpu.vector_load_idx %arg5[%add3A_1022] : memref<64000xi32, #tpu.memory_space<vmem>>[vector<16xi32>], vector<16xi32>,
        %bitcast3A_1024 = vector.bitcast %gather3A_1023 : vector<16xi32> to vector<32xbf16>
        %add3A_1025 = arith.addi %shift_left3A_321, %and3A_982 : vector<16xi32>
        %gather3A_1026 = tpu.vector_load_idx %arg5[%add3A_1025] : memref<64000xi32, #tpu.memory_space<vmem>>[vector<16xi32>], vector<16xi32>,
        %bitcast3A_1027 = vector.bitcast %gather3A_1026 : vector<16xi32> to vector<32xbf16>
        %add3A_1028 = arith.addi %shift_left3A_328, %and3A_982 : vector<16xi32>
        %gather3A_1029 = tpu.vector_load_idx %arg5[%add3A_1028] : memref<64000xi32, #tpu.memory_space<vmem>>[vector<16xi32>], vector<16xi32>,
        %bitcast3A_1030 = vector.bitcast %gather3A_1029 : vector<16xi32> to vector<32xbf16>
        %add3A_1031 = arith.addi %shift_left3A_335, %and3A_982 : vector<16xi32>
        %gather3A_1032 = tpu.vector_load_idx %arg5[%add3A_1031] : memref<64000xi32, #tpu.memory_space<vmem>>[vector<16xi32>], vector<16xi32>,
        %bitcast3A_1033 = vector.bitcast %gather3A_1032 : vector<16xi32> to vector<32xbf16>
        %add3A_1034 = arith.addi %shift_left3A_342, %and3A_982 : vector<16xi32>
        %gather3A_1035 = tpu.vector_load_idx %arg5[%add3A_1034] : memref<64000xi32, #tpu.memory_space<vmem>>[vector<16xi32>], vector<16xi32>,
        %bitcast3A_1036 = vector.bitcast %gather3A_1035 : vector<16xi32> to vector<32xbf16>
        %add3A_1037 = arith.addi %shift_left3A_349, %and3A_982 : vector<16xi32>
        %gather3A_1038 = tpu.vector_load_idx %arg5[%add3A_1037] : memref<64000xi32, #tpu.memory_space<vmem>>[vector<16xi32>], vector<16xi32>,
        %bitcast3A_1039 = vector.bitcast %gather3A_1038 : vector<16xi32> to vector<32xbf16>
        %add3A_1040 = arith.addi %shift_left3A_356, %and3A_982 : vector<16xi32>
        %gather3A_1041 = tpu.vector_load_idx %arg5[%add3A_1040] : memref<64000xi32, #tpu.memory_space<vmem>>[vector<16xi32>], vector<16xi32>,
        %bitcast3A_1042 = vector.bitcast %gather3A_1041 : vector<16xi32> to vector<32xbf16>
        %add3A_1043 = arith.addf %bitcast3A_985, %bitcast3A_988 : vector<32xbf16>
        %add3A_1044 = arith.addf %bitcast3A_991, %bitcast3A_994 : vector<32xbf16>
        %add3A_1045 = arith.addf %bitcast3A_997, %bitcast3A_1000 : vector<32xbf16>
        %add3A_1046 = arith.addf %bitcast3A_1003, %bitcast3A_1006 : vector<32xbf16>
        %add3A_1047 = arith.addf %bitcast3A_1009, %bitcast3A_1012 : vector<32xbf16>
        %add3A_1048 = arith.addf %bitcast3A_1015, %bitcast3A_1018 : vector<32xbf16>
        %add3A_1049 = arith.addf %bitcast3A_1021, %bitcast3A_1024 : vector<32xbf16>
        %add3A_1050 = arith.addf %bitcast3A_1027, %bitcast3A_1030 : vector<32xbf16>
        %add3A_1051 = arith.addf %bitcast3A_1033, %bitcast3A_1036 : vector<32xbf16>
        %add3A_1052 = arith.addf %bitcast3A_1039, %bitcast3A_1042 : vector<32xbf16>
        %add3A_1053 = arith.addf %add3A_1043, %add3A_1044 : vector<32xbf16>
        %add3A_1054 = arith.addf %add3A_1045, %add3A_1046 : vector<32xbf16>
        %add3A_1055 = arith.addf %add3A_1047, %add3A_1048 : vector<32xbf16>
        %add3A_1056 = arith.addf %add3A_1049, %add3A_1050 : vector<32xbf16>
        %add3A_1057 = arith.addf %add3A_1051, %add3A_1052 : vector<32xbf16>
        %add3A_1058 = arith.addf %add3A_1053, %add3A_1054 : vector<32xbf16>
        %add3A_1059 = arith.addf %add3A_1055, %add3A_1056 : vector<32xbf16>
        %add3A_1060 = arith.addf %add3A_1058, %add3A_1059 : vector<32xbf16>
        %add3A_1061 = arith.addf %add3A_1060, %add3A_1057 : vector<32xbf16>
        %bitcast3A_1062 = vector.bitcast %add3A_1061 : vector<32xbf16> to vector<16xi32>
        %shift_left3A_1063 = arith.constant 16 : i32
        %shift_left3A_1064 = vector.broadcast %shift_left3A_1063 : i32 to vector<16xi32>
        %shift_left3A_1065 = arith.shli %bitcast3A_1062, %shift_left3A_1064 : vector<16xi32>
        %bitcast3A_1066 = vector.bitcast %shift_left3A_1065 : vector<16xi32> to vector<16xf32>
        %and3A_1067 = arith.constant -65536 : i32
        %and3A_1068 = vector.broadcast %and3A_1067 : i32 to vector<16xi32>
        %and3A_1069 = arith.andi %bitcast3A_1062, %and3A_1068 : vector<16xi32>
        %bitcast3A_1070 = vector.bitcast %and3A_1069 : vector<16xi32> to vector<16xf32>
        tpu.vector_store_idx %arg8[%iota3A, %and3A_982], %bitcast3A_1066 : memref<16x128xf32, #tpu.memory_space<vmem>>[vector<16xi32>, vector<16xi32>], vector<16xf32>,
        %add3A_1071 = arith.constant 64 : i32
        %add3A_1072 = vector.broadcast %add3A_1071 : i32 to vector<16xi32>
        %add3A_1073 = arith.addi %and3A_982, %add3A_1072 : vector<16xi32>
        tpu.vector_store_idx %arg8[%iota3A, %add3A_1073], %bitcast3A_1070 : memref<16x128xf32, #tpu.memory_space<vmem>>[vector<16xi32>, vector<16xi32>], vector<16xf32>,
        %mul3A_1074 = arith.constant 8 : i32
        %mul3A_1075 = arith.muli %scan3A_375, %mul3A_1074 : i32
        %add3A_1076 = arith.constant 7 : i32
        %add3A_1077 = arith.addi %mul3A_1075, %add3A_1076 : i32
        %add3A_1078 = vector.broadcast %add3A_1077 : i32 to vector<16xi32>
        %add3A_1079 = arith.addi %add3A_1078, %mul3A_5 : vector<16xi32>
        %and3A_1080 = arith.constant 63 : i32
        %and3A_1081 = vector.broadcast %and3A_1080 : i32 to vector<16xi32>
        %and3A_1082 = arith.andi %add3A_1079, %and3A_1081 : vector<16xi32>
        %add3A_1083 = arith.addi %shift_left3A_223, %and3A_1082 : vector<16xi32>
        %gather3A_1084 = tpu.vector_load_idx %arg5[%add3A_1083] : memref<64000xi32, #tpu.memory_space<vmem>>[vector<16xi32>], vector<16xi32>,
        %bitcast3A_1085 = vector.bitcast %gather3A_1084 : vector<16xi32> to vector<32xbf16>
        %add3A_1086 = arith.addi %shift_left3A_230, %and3A_1082 : vector<16xi32>
        %gather3A_1087 = tpu.vector_load_idx %arg5[%add3A_1086] : memref<64000xi32, #tpu.memory_space<vmem>>[vector<16xi32>], vector<16xi32>,
        %bitcast3A_1088 = vector.bitcast %gather3A_1087 : vector<16xi32> to vector<32xbf16>
        %add3A_1089 = arith.addi %shift_left3A_237, %and3A_1082 : vector<16xi32>
        %gather3A_1090 = tpu.vector_load_idx %arg5[%add3A_1089] : memref<64000xi32, #tpu.memory_space<vmem>>[vector<16xi32>], vector<16xi32>,
        %bitcast3A_1091 = vector.bitcast %gather3A_1090 : vector<16xi32> to vector<32xbf16>
        %add3A_1092 = arith.addi %shift_left3A_244, %and3A_1082 : vector<16xi32>
        %gather3A_1093 = tpu.vector_load_idx %arg5[%add3A_1092] : memref<64000xi32, #tpu.memory_space<vmem>>[vector<16xi32>], vector<16xi32>,
        %bitcast3A_1094 = vector.bitcast %gather3A_1093 : vector<16xi32> to vector<32xbf16>
        %add3A_1095 = arith.addi %shift_left3A_251, %and3A_1082 : vector<16xi32>
        %gather3A_1096 = tpu.vector_load_idx %arg5[%add3A_1095] : memref<64000xi32, #tpu.memory_space<vmem>>[vector<16xi32>], vector<16xi32>,
        %bitcast3A_1097 = vector.bitcast %gather3A_1096 : vector<16xi32> to vector<32xbf16>
        %add3A_1098 = arith.addi %shift_left3A_258, %and3A_1082 : vector<16xi32>
        %gather3A_1099 = tpu.vector_load_idx %arg5[%add3A_1098] : memref<64000xi32, #tpu.memory_space<vmem>>[vector<16xi32>], vector<16xi32>,
        %bitcast3A_1100 = vector.bitcast %gather3A_1099 : vector<16xi32> to vector<32xbf16>
        %add3A_1101 = arith.addi %shift_left3A_265, %and3A_1082 : vector<16xi32>
        %gather3A_1102 = tpu.vector_load_idx %arg5[%add3A_1101] : memref<64000xi32, #tpu.memory_space<vmem>>[vector<16xi32>], vector<16xi32>,
        %bitcast3A_1103 = vector.bitcast %gather3A_1102 : vector<16xi32> to vector<32xbf16>
        %add3A_1104 = arith.addi %shift_left3A_272, %and3A_1082 : vector<16xi32>
        %gather3A_1105 = tpu.vector_load_idx %arg5[%add3A_1104] : memref<64000xi32, #tpu.memory_space<vmem>>[vector<16xi32>], vector<16xi32>,
        %bitcast3A_1106 = vector.bitcast %gather3A_1105 : vector<16xi32> to vector<32xbf16>
        %add3A_1107 = arith.addi %shift_left3A_279, %and3A_1082 : vector<16xi32>
        %gather3A_1108 = tpu.vector_load_idx %arg5[%add3A_1107] : memref<64000xi32, #tpu.memory_space<vmem>>[vector<16xi32>], vector<16xi32>,
        %bitcast3A_1109 = vector.bitcast %gather3A_1108 : vector<16xi32> to vector<32xbf16>
        %add3A_1110 = arith.addi %shift_left3A_286, %and3A_1082 : vector<16xi32>
        %gather3A_1111 = tpu.vector_load_idx %arg5[%add3A_1110] : memref<64000xi32, #tpu.memory_space<vmem>>[vector<16xi32>], vector<16xi32>,
        %bitcast3A_1112 = vector.bitcast %gather3A_1111 : vector<16xi32> to vector<32xbf16>
        %add3A_1113 = arith.addi %shift_left3A_293, %and3A_1082 : vector<16xi32>
        %gather3A_1114 = tpu.vector_load_idx %arg5[%add3A_1113] : memref<64000xi32, #tpu.memory_space<vmem>>[vector<16xi32>], vector<16xi32>,
        %bitcast3A_1115 = vector.bitcast %gather3A_1114 : vector<16xi32> to vector<32xbf16>
        %add3A_1116 = arith.addi %shift_left3A_300, %and3A_1082 : vector<16xi32>
        %gather3A_1117 = tpu.vector_load_idx %arg5[%add3A_1116] : memref<64000xi32, #tpu.memory_space<vmem>>[vector<16xi32>], vector<16xi32>,
        %bitcast3A_1118 = vector.bitcast %gather3A_1117 : vector<16xi32> to vector<32xbf16>
        %add3A_1119 = arith.addi %shift_left3A_307, %and3A_1082 : vector<16xi32>
        %gather3A_1120 = tpu.vector_load_idx %arg5[%add3A_1119] : memref<64000xi32, #tpu.memory_space<vmem>>[vector<16xi32>], vector<16xi32>,
        %bitcast3A_1121 = vector.bitcast %gather3A_1120 : vector<16xi32> to vector<32xbf16>
        %add3A_1122 = arith.addi %shift_left3A_314, %and3A_1082 : vector<16xi32>
        %gather3A_1123 = tpu.vector_load_idx %arg5[%add3A_1122] : memref<64000xi32, #tpu.memory_space<vmem>>[vector<16xi32>], vector<16xi32>,
        %bitcast3A_1124 = vector.bitcast %gather3A_1123 : vector<16xi32> to vector<32xbf16>
        %add3A_1125 = arith.addi %shift_left3A_321, %and3A_1082 : vector<16xi32>
        %gather3A_1126 = tpu.vector_load_idx %arg5[%add3A_1125] : memref<64000xi32, #tpu.memory_space<vmem>>[vector<16xi32>], vector<16xi32>,
        %bitcast3A_1127 = vector.bitcast %gather3A_1126 : vector<16xi32> to vector<32xbf16>
        %add3A_1128 = arith.addi %shift_left3A_328, %and3A_1082 : vector<16xi32>
        %gather3A_1129 = tpu.vector_load_idx %arg5[%add3A_1128] : memref<64000xi32, #tpu.memory_space<vmem>>[vector<16xi32>], vector<16xi32>,
        %bitcast3A_1130 = vector.bitcast %gather3A_1129 : vector<16xi32> to vector<32xbf16>
        %add3A_1131 = arith.addi %shift_left3A_335, %and3A_1082 : vector<16xi32>
        %gather3A_1132 = tpu.vector_load_idx %arg5[%add3A_1131] : memref<64000xi32, #tpu.memory_space<vmem>>[vector<16xi32>], vector<16xi32>,
        %bitcast3A_1133 = vector.bitcast %gather3A_1132 : vector<16xi32> to vector<32xbf16>
        %add3A_1134 = arith.addi %shift_left3A_342, %and3A_1082 : vector<16xi32>
        %gather3A_1135 = tpu.vector_load_idx %arg5[%add3A_1134] : memref<64000xi32, #tpu.memory_space<vmem>>[vector<16xi32>], vector<16xi32>,
        %bitcast3A_1136 = vector.bitcast %gather3A_1135 : vector<16xi32> to vector<32xbf16>
        %add3A_1137 = arith.addi %shift_left3A_349, %and3A_1082 : vector<16xi32>
        %gather3A_1138 = tpu.vector_load_idx %arg5[%add3A_1137] : memref<64000xi32, #tpu.memory_space<vmem>>[vector<16xi32>], vector<16xi32>,
        %bitcast3A_1139 = vector.bitcast %gather3A_1138 : vector<16xi32> to vector<32xbf16>
        %add3A_1140 = arith.addi %shift_left3A_356, %and3A_1082 : vector<16xi32>
        %gather3A_1141 = tpu.vector_load_idx %arg5[%add3A_1140] : memref<64000xi32, #tpu.memory_space<vmem>>[vector<16xi32>], vector<16xi32>,
        %bitcast3A_1142 = vector.bitcast %gather3A_1141 : vector<16xi32> to vector<32xbf16>
        %add3A_1143 = arith.addf %bitcast3A_1085, %bitcast3A_1088 : vector<32xbf16>
        %add3A_1144 = arith.addf %bitcast3A_1091, %bitcast3A_1094 : vector<32xbf16>
        %add3A_1145 = arith.addf %bitcast3A_1097, %bitcast3A_1100 : vector<32xbf16>
        %add3A_1146 = arith.addf %bitcast3A_1103, %bitcast3A_1106 : vector<32xbf16>
        %add3A_1147 = arith.addf %bitcast3A_1109, %bitcast3A_1112 : vector<32xbf16>
        %add3A_1148 = arith.addf %bitcast3A_1115, %bitcast3A_1118 : vector<32xbf16>
        %add3A_1149 = arith.addf %bitcast3A_1121, %bitcast3A_1124 : vector<32xbf16>
        %add3A_1150 = arith.addf %bitcast3A_1127, %bitcast3A_1130 : vector<32xbf16>
        %add3A_1151 = arith.addf %bitcast3A_1133, %bitcast3A_1136 : vector<32xbf16>
        %add3A_1152 = arith.addf %bitcast3A_1139, %bitcast3A_1142 : vector<32xbf16>
        %add3A_1153 = arith.addf %add3A_1143, %add3A_1144 : vector<32xbf16>
        %add3A_1154 = arith.addf %add3A_1145, %add3A_1146 : vector<32xbf16>
        %add3A_1155 = arith.addf %add3A_1147, %add3A_1148 : vector<32xbf16>
        %add3A_1156 = arith.addf %add3A_1149, %add3A_1150 : vector<32xbf16>
        %add3A_1157 = arith.addf %add3A_1151, %add3A_1152 : vector<32xbf16>
        %add3A_1158 = arith.addf %add3A_1153, %add3A_1154 : vector<32xbf16>
        %add3A_1159 = arith.addf %add3A_1155, %add3A_1156 : vector<32xbf16>
        %add3A_1160 = arith.addf %add3A_1158, %add3A_1159 : vector<32xbf16>
        %add3A_1161 = arith.addf %add3A_1160, %add3A_1157 : vector<32xbf16>
        %bitcast3A_1162 = vector.bitcast %add3A_1161 : vector<32xbf16> to vector<16xi32>
        %shift_left3A_1163 = arith.constant 16 : i32
        %shift_left3A_1164 = vector.broadcast %shift_left3A_1163 : i32 to vector<16xi32>
        %shift_left3A_1165 = arith.shli %bitcast3A_1162, %shift_left3A_1164 : vector<16xi32>
        %bitcast3A_1166 = vector.bitcast %shift_left3A_1165 : vector<16xi32> to vector<16xf32>
        %and3A_1167 = arith.constant -65536 : i32
        %and3A_1168 = vector.broadcast %and3A_1167 : i32 to vector<16xi32>
        %and3A_1169 = arith.andi %bitcast3A_1162, %and3A_1168 : vector<16xi32>
        %bitcast3A_1170 = vector.bitcast %and3A_1169 : vector<16xi32> to vector<16xf32>
        tpu.vector_store_idx %arg8[%iota3A, %and3A_1082], %bitcast3A_1166 : memref<16x128xf32, #tpu.memory_space<vmem>>[vector<16xi32>, vector<16xi32>], vector<16xf32>,
        %add3A_1171 = arith.constant 64 : i32
        %add3A_1172 = vector.broadcast %add3A_1171 : i32 to vector<16xi32>
        %add3A_1173 = arith.addi %and3A_1082, %add3A_1172 : vector<16xi32>
        tpu.vector_store_idx %arg8[%iota3A, %add3A_1173], %bitcast3A_1170 : memref<16x128xf32, #tpu.memory_space<vmem>>[vector<16xi32>, vector<16xi32>], vector<16xf32>,
      }
      %scan3A_362 = arith.constant 8 : i32
      %mul3A_363 = arith.constant 512 : i32
      %mul3A_364 = arith.muli %add3A, %mul3A_363 : i32
      %mul3A_365 = arith.constant 16 : i32
      %mul3A_366 = arith.muli %add3A_204, %mul3A_365 : i32
      %add3A_367 = arith.addi %mul3A_364, %mul3A_366 : i32
      %dma_start3A_368 = arith.constant 1 : i32
      %dma_start3A_369 = arith.constant 0 : i32
      %dma_start3A_370 = tpu.memref_slice %arg4[%add3A_367, %dma_start3A_369] : memref<16384x128xf32, #tpu.memory_space<hbm>> -> memref<16x128xf32, #tpu.memory_space<hbm>>
      %dma_start3A_371 = tpu.memref_slice %arg9[%dma_start3A_368] : memref<2x!tpu.dma_semaphore, #tpu.memory_space<semaphore_mem>> -> memref<1x!tpu.dma_semaphore, #tpu.memory_space<semaphore_mem>>
      %dma_start3A_372 = tpu.memref_squeeze %dma_start3A_371 : memref<1x!tpu.dma_semaphore, #tpu.memory_space<semaphore_mem>> -> memref<!tpu.dma_semaphore, #tpu.memory_space<semaphore_mem>>
      %dma_start3A_373 = arith.constant 0 : i32
      %dma_start3A_374 = tpu.memref_slice %arg4[%add3A_367, %dma_start3A_373] : memref<16384x128xf32, #tpu.memory_space<hbm>> -> memref<16x128xf32, #tpu.memory_space<hbm>>
      tpu.enqueue_dma source(%arg8 : memref<16x128xf32, #tpu.memory_space<vmem>>) target(%dma_start3A_374 : memref<16x128xf32, #tpu.memory_space<hbm>>) target_semaphore(%dma_start3A_372 : memref<!tpu.dma_semaphore, #tpu.memory_space<semaphore_mem>>)
    }
    %scan3A_10 = arith.constant 16 : i32
    %mul3A_11 = arith.constant 512 : i32
    %mul3A_12 = arith.muli %add3A, %mul3A_11 : i32
    %add3A_13 = arith.constant 480 : i32
    %add3A_14 = arith.addi %mul3A_12, %add3A_13 : i32
    %dma_wait3A = arith.constant 0 : i32
    %dma_wait3A_15 = arith.constant 0 : i32
    %dma_wait3A_16 = tpu.memref_slice %arg4[%add3A_14, %dma_wait3A_15] : memref<16384x128xf32, #tpu.memory_space<hbm>> -> memref<16x128xf32, #tpu.memory_space<hbm>>
    %dma_wait3A_17 = tpu.memref_slice %arg9[%dma_wait3A] : memref<2x!tpu.dma_semaphore, #tpu.memory_space<semaphore_mem>> -> memref<1x!tpu.dma_semaphore, #tpu.memory_space<semaphore_mem>>
    %dma_wait3A_18 = tpu.memref_squeeze %dma_wait3A_17 : memref<1x!tpu.dma_semaphore, #tpu.memory_space<semaphore_mem>> -> memref<!tpu.dma_semaphore, #tpu.memory_space<semaphore_mem>>
    %dma_wait3A_19 = arith.constant 0 : i32
    %dma_wait3A_20 = tpu.memref_slice %arg4[%add3A_14, %dma_wait3A_19] : memref<16384x128xf32, #tpu.memory_space<hbm>> -> memref<16x128xf32, #tpu.memory_space<hbm>>
    tpu.wait_dma2 semaphore(%dma_wait3A_18 : memref<!tpu.dma_semaphore, #tpu.memory_space<semaphore_mem>>) src(%arg7 : memref<16x128xf32, #tpu.memory_space<vmem>>) dst(%dma_wait3A_20 : memref<16x128xf32, #tpu.memory_space<hbm>>)
    %mul3A_21 = arith.constant 512 : i32
    %mul3A_22 = arith.muli %add3A, %mul3A_21 : i32
    %add3A_23 = arith.constant 496 : i32
    %add3A_24 = arith.addi %mul3A_22, %add3A_23 : i32
    %dma_wait3A_25 = arith.constant 1 : i32
    %dma_wait3A_26 = arith.constant 0 : i32
    %dma_wait3A_27 = tpu.memref_slice %arg4[%add3A_24, %dma_wait3A_26] : memref<16384x128xf32, #tpu.memory_space<hbm>> -> memref<16x128xf32, #tpu.memory_space<hbm>>
    %dma_wait3A_28 = tpu.memref_slice %arg9[%dma_wait3A_25] : memref<2x!tpu.dma_semaphore, #tpu.memory_space<semaphore_mem>> -> memref<1x!tpu.dma_semaphore, #tpu.memory_space<semaphore_mem>>
    %dma_wait3A_29 = tpu.memref_squeeze %dma_wait3A_28 : memref<1x!tpu.dma_semaphore, #tpu.memory_space<semaphore_mem>> -> memref<!tpu.dma_semaphore, #tpu.memory_space<semaphore_mem>>
    %dma_wait3A_30 = arith.constant 0 : i32
    %dma_wait3A_31 = tpu.memref_slice %arg4[%add3A_24, %dma_wait3A_30] : memref<16384x128xf32, #tpu.memory_space<hbm>> -> memref<16x128xf32, #tpu.memory_space<hbm>>
    tpu.wait_dma2 semaphore(%dma_wait3A_29 : memref<!tpu.dma_semaphore, #tpu.memory_space<semaphore_mem>>) src(%arg8 : memref<16x128xf32, #tpu.memory_space<vmem>>) dst(%dma_wait3A_31 : memref<16x128xf32, #tpu.memory_space<hbm>>)
    return
  }
}

module attributes {stable_mosaic.version = 14 : i64} {
  func.func @_fold_body(%arg0: memref<1000x128xf32, #tpu.memory_space<vmem>>, %arg1: memref<128x128xf32, #tpu.memory_space<vmem>>, %arg2: memref<1x128xf32, #tpu.memory_space<vmem>>, %arg3: memref<1000x64xi32, #tpu.memory_space<vmem>>) attributes {dimension_semantics = [], scalar_prefetch = 0 : i64, scratch_operands = 0 : i64, tpu.core_type = #tpu.core_type<tc>} {
    %get3A = arith.constant 0 : index
    %get3A_0 = arith.constant 0 : index
    %get3A_1 = vector.load %arg0[%get3A, %get3A_0] : memref<1000x128xf32, #tpu.memory_space<vmem>>, vector<1000x128xf32>
    %iota3A = tpu.iota {dimensions = array<i32: 0>} : vector<1000x128xi32>
    %eq3A = arith.constant 0 : i32
    %eq3A_2 = vector.broadcast %eq3A : i32 to vector<1000x128xi32>
    %eq3A_3 = arith.cmpi eq, %iota3A, %eq3A_2 : vector<1000x128xi32>
    %jit3A = arith.constant 0.000000e+00 : f32
    %broadcast_in_dim3A = vector.broadcast %jit3A : f32 to vector<1000x128xf32>
    %select_n3A = arith.select %eq3A_3, %broadcast_in_dim3A, %get3A_1 : vector<1000x128xi1>, vector<1000x128xf32>
    %get3A_4 = arith.constant 0 : index
    %get3A_5 = arith.constant 0 : index
    %get3A_6 = vector.load %arg1[%get3A_4, %get3A_5] : memref<128x128xf32, #tpu.memory_space<vmem>>, vector<128x128xf32>
    %dot_general3A = arith.constant dense<0.000000e+00> : vector<1000x128xf32>
    %dot_general3A_7 = tpu.matmul %select_n3A, %get3A_6, %dot_general3A {dimension_numbers = #tpu.dot_dimension_numbers<[1], [1], [0], [0], [0, 0, 1, 0], [], []>, transpose_lhs_hint = false} : vector<1000x128xf32>, vector<128x128xf32>, vector<1000x128xf32> -> vector<1000x128xf32>
    %get3A_8 = arith.constant 0 : index
    %get3A_9 = arith.constant 0 : index
    %get3A_10 = vector.load %arg2[%get3A_8, %get3A_9] : memref<1x128xf32, #tpu.memory_space<vmem>>, vector<1x128xf32>
    %add3A = vector.broadcast %get3A_10 : vector<1x128xf32> to vector<1000x128xf32>
    %add3A_11 = arith.addf %dot_general3A_7, %add3A : vector<1000x128xf32>
    %mul3A = arith.constant 5.000000e-02 : f32
    %mul3A_12 = vector.broadcast %mul3A : f32 to vector<1000x128xf32>
    %mul3A_13 = arith.mulf %add3A_11, %mul3A_12 : vector<1000x128xf32>
    %bitcast3A = tpu.bitcast %mul3A_13 : vector<1000x128xf32> -> vector<1000x128xi32>
    %add3A_14 = arith.constant 32768 : i32
    %add3A_15 = vector.broadcast %add3A_14 : i32 to vector<1000x128xi32>
    %add3A_16 = arith.addi %bitcast3A, %add3A_15 : vector<1000x128xi32>
    %slice3A = vector.extract_strided_slice %add3A_16 {offsets = [0, 0], sizes = [1000, 64], strides = [1, 1]} : vector<1000x128xi32> to vector<1000x64xi32>
    %shift_right_logical3A = arith.constant 16 : i32
    %shift_right_logical3A_17 = vector.broadcast %shift_right_logical3A : i32 to vector<1000x64xi32>
    %shift_right_logical3A_18 = arith.shrui %slice3A, %shift_right_logical3A_17 : vector<1000x64xi32>
    %slice3A_19 = vector.extract_strided_slice %add3A_16 {offsets = [0, 64], sizes = [1000, 64], strides = [1, 1]} : vector<1000x128xi32> to vector<1000x64xi32>
    %and3A = arith.constant -65536 : i32
    %and3A_20 = vector.broadcast %and3A : i32 to vector<1000x64xi32>
    %and3A_21 = arith.andi %slice3A_19, %and3A_20 : vector<1000x64xi32>
    %or3A = arith.ori %shift_right_logical3A_18, %and3A_21 : vector<1000x64xi32>
    %swap3A = arith.constant 0 : index
    %swap3A_22 = arith.constant 0 : index
    %swap3A_23 = vector.load %arg3[%swap3A, %swap3A_22] : memref<1000x64xi32, #tpu.memory_space<vmem>>, vector<1000x64xi32>
    tpu.vector_store %arg3[%swap3A, %swap3A_22], %or3A {strides = array<i32>} : memref<1000x64xi32, #tpu.memory_space<vmem>>, vector<1000x64xi32>,
    return
  }
}

</mosaic_0001>

<sc_bundles>
// kernel: kernel.4.cloned.1.call-start
scs
__scs_entry_jumppad:
0x0: {  	(pc) =	sbr.rel $0x88, $3  }
0x1: {  	(tag) =	ssettag $0x0;
	lr =	simm.s32 $0x1  }
0x2: {  	[smem:$0x3F9D] =	sst lr;
	_ =	strace $0xD0000000  }
0x3: {  	_ = 	snop  }
0x4: {  	_ = 	snop  }
0x5: {  	_ = 	snop  }
0x6: {  	_ = 	snop  }
0x7: {  	_ = 	snop  }
__scs_overlays_trampoline_lowered:
0x8: {  	[smem:$0x3FAC] =	sst s0  }
0x9: {  	[smem:$0x3FAD] =	sst s1  }
0xa: {  	[smem:$0x3FAE] =	sst s2  }
0xb: {  	[smem:$0x3FAF] =	sst s3  }
0xc: {  	[smem:$0x3FB0] =	sst s4  }
0xd: {  	[smem:$0x3FB1] =	sst s5  }
0xe: {  	[smem:$0x3FB2] =	sst s6  }
0xf: {  	[smem:$0x3FB3] =	sst s7  }
0x10: {  	[smem:$0x3FB4] =	sst s8  }
0x11: {  	[smem:$0x3FB5] =	sst s9;
	s0 =	simm.s32 @!p0 $0x0  }
0x12: {  	s1 =	sld [smem:$0x3F9B];
	s0 =	simm.s32 @p0 $0x1  }
0x13: {  	[smem:$0x3FB6] =	sst s0;
	s0 =	simm.s32 @!p1 $0x0  }
0x14: {  	s2 =	sld [smem:$0x3F9A];
	s0 =	simm.s32 @p1 $0x1  }
0x15: {  	[smem:$0x3FB7] =	sst s0;
	s0 =	simm.s32 @!p2 $0x0  }
0x16: {  	s3 =	sld [smem:$0x3FDB];
	s0 =	simm.s32 @p2 $0x1  }
0x17: {  	s4 =	simm.s32 $0x1BF5;
	[smem:$0x3FB9] =	sst s0  }
0x18: {  	s0 =	sld [smem:$0x3F9C];
	_ =	swait.ge [sflag:s4], $0x0  }
0x19: {  	s7 =	sld [smem:$0x3F9D]  }
0x1a: {  	s8 =	sadd.s32 $0xFFFFE003, lr  }
0x1b: {  	s9 =	sadd.s32 $0xFFFFFEF7, lr;
	s5 =	simm.s32 $0xFFFFFFFF;
	p2 =	slt.u32 s8, $0xFFFFF086  }
0x1c: {  	p1 =	slt.u32 s9, $0xF7A;
	s5 =	simm.s32 @!p2 $0x0  }
0x1d: {  	s5 =	simm.s32 @p1 $0x1;
	p0 =	seq.s32 s7, s2  }
0x1e: {  	s7 =	smul.u32 @!p0 $0xF7A, s2;
	p2 =	seq.s32 @!p0 s5, $0x0  }
0x1f: {  	s9 =	smul.u32 $0xF7A, s1;
	s8 =	simm.s32 @!p0 $0x1BF5;
	p2 =	por !p2, p0  }
0x20: {  	[sflag:s8] =	ssyncset.s32 @!p0 $0xFFFFF086;
	s6 =	sadd.s32 @!p0 s3, s7;
	s7 =	simm.s32 @!p0 $0x108  }
0x21: {  	s3 =	sadd.s32 s3, s9;
	s6 =	sadd.s32 @!p0 $0x88, s6;
	s7 =	simm.s32 @p2 $0x1082  }
0x22: {  	[simem:s7], [sflag:s8] =	dma.local @!p0 [hbm:s6], $0xF7A  }
0x23: {  	s9 =	sor.u32 $0xD0000000, s2;
	s6 =	simm.s32 $0x108;
	_ =	swait.ge @!p0 [sflag:s8], $0x0  }
0x24: {  	s3 =	sadd.s32 $0x88, s3;
	s6 =	simm.s32 @!p1 $0x1082;
	[sflag:s4] =	ssyncset.s32 $0xFFFFF086  }
0x25: {  	[simem:s6], [sflag:s4] =	dma.local [hbm:s3], $0xF7A  }
0x26: {  	[smem:$0x3F9D] =	sst s1;
	(tag) =	ssettag s2;
	_ =	strace s9  }
0x27: {  	s1 =	sld [smem:$0x3FAD]  }
0x28: {  	s2 =	sld [smem:$0x3FAE]  }
0x29: {  	s4 =	sld [smem:$0x3FB0]  }
0x2a: {  	p0 =	seq.s32 s5, $0x0;
	s5 =	sld [smem:$0x3FB1]  }
0x2b: {  	s6 =	sld [smem:$0x3FB2]  }
0x2c: {  	s7 =	sld [smem:$0x3FB3]  }
0x2d: {  	s3 =	simm.s32 $0x108;
	s8 =	sld [smem:$0x3FB4]  }
0x2e: {  	s3 =	simm.s32 @!p0 $0x1082;
	s9 =	sld [smem:$0x3FB5]  }
0x2f: {  	lr =	sadd.s32 s0, s3;
	s0 =	sld [smem:$0x3FAC]  }
0x30: {  	s3 =	sld [smem:$0x3FAF]  }
0x31: {  	[smem:$0x3FB8] =	sst s10  }
0x32: {  	s10 =	sld [smem:$0x3FB6];
	_ =	sdelay $0x3  }
0x33: {  	p0 =	seq.s32 s10, $0x1;
	s10 =	sld [smem:$0x3FB8];
	_ =	sdelay $0x3  }
0x34: {  	[smem:$0x3FB8] =	sst s10  }
0x35: {  	s10 =	sld [smem:$0x3FB7];
	_ =	sdelay $0x3  }
0x36: {  	p1 =	seq.s32 s10, $0x1;
	s10 =	sld [smem:$0x3FB8];
	_ =	sdelay $0x3  }
0x37: {  	[smem:$0x3FB8] =	sst s10  }
0x38: {  	s10 =	sld [smem:$0x3FB9]  }
0x39: {  	_ = 	snop;
	(pc) =	sbr.ind lr, $3  }
0x3a: {  	_ = 	snop  }
0x3b: {  	_ = 	snop  }
0x3c: {  	p2 =	seq.s32 s10, $0x1;
	s10 =	sld [smem:$0x3FB8]  }
0x3d: {  	_ =	shalt  }
0x3e: {  	_ =	shalt  }
0x3f: {  	_ =	shalt  }
0x40: {  	_ =	shalt  }
0x41: {  	_ =	shalt  }
0x42: {  	_ =	shalt  }
0x43: {  	_ =	shalt  }
0x44: {  	_ =	shalt  }
0x45: {  	_ =	shalt  }
0x46: {  	_ =	shalt  }
0x47: {  	_ =	shalt  }
0x48: {  	_ =	shalt  }
0x49: {  	_ =	shalt  }
0x4a: {  	_ =	shalt  }
0x4b: {  	_ =	shalt  }
0x4c: {  	_ =	shalt  }
0x4d: {  	_ =	shalt  }
0x4e: {  	_ =	shalt  }
0x4f: {  	_ =	shalt  }
0x50: {  	_ =	shalt  }
0x51: {  	_ =	shalt  }
0x52: {  	_ =	shalt  }
0x53: {  	_ =	shalt  }
0x54: {  	_ =	shalt  }
0x55: {  	_ =	shalt  }
0x56: {  	_ =	shalt  }
0x57: {  	_ =	shalt  }
0x58: {  	_ =	shalt  }
0x59: {  	_ =	shalt  }
0x5a: {  	_ =	shalt  }
0x5b: {  	_ =	shalt  }
0x5c: {  	_ =	shalt  }
0x5d: {  	_ =	shalt  }
0x5e: {  	_ =	shalt  }
0x5f: {  	_ =	shalt  }
0x60: {  	_ =	shalt  }
0x61: {  	_ =	shalt  }
0x62: {  	_ =	shalt  }
0x63: {  	_ =	shalt  }
0x64: {  	_ =	shalt  }
0x65: {  	_ =	shalt  }
0x66: {  	_ =	shalt  }
0x67: {  	_ =	shalt  }
0x68: {  	_ =	shalt  }
0x69: {  	_ =	shalt  }
0x6a: {  	_ =	shalt  }
0x6b: {  	_ =	shalt  }
0x6c: {  	_ =	shalt  }
0x6d: {  	_ =	shalt  }
0x6e: {  	_ =	shalt  }
0x6f: {  	_ =	shalt  }
0x70: {  	_ =	shalt  }
0x71: {  	_ =	shalt  }
0x72: {  	_ =	shalt  }
0x73: {  	_ =	shalt  }
0x74: {  	_ =	shalt  }
0x75: {  	_ =	shalt  }
0x76: {  	_ =	shalt  }
0x77: {  	_ =	shalt  }
0x78: {  	_ =	shalt  }
0x79: {  	_ =	shalt  }
0x7a: {  	_ =	shalt  }
0x7b: {  	_ =	shalt  }
0x7c: {  	_ =	shalt  }
0x7d: {  	_ =	shalt  }
0x7e: {  	_ =	shalt  }
0x7f: {  	_ =	shalt  }
0x80: {  	_ =	shalt  }
0x81: {  	_ =	shalt  }
0x82: {  	_ =	shalt  }
0x83: {  	_ =	shalt  }
0x84: {  	_ =	shalt  }
0x85: {  	_ =	shalt  }
0x86: {  	_ =	shalt  }
0x87: {  	_ =	shalt  }
.Lfunc_end0:
.L_simem_size_0:
called_computation_lowered:
.L_overlay_start_0:
0x88: {  	s2 =	sld [smem:$0x3FD9]  }
0x89: {  	s3 =	sld [smem:$0x3FFE];
	_ =	sdelay $0x1  }
0x8a: {  	s1 =	srdreg.scid  }
0x8b: {  	s0 =	sand.u32 $0x1, s1  }
0x8c: {  	s17 =	sshll.u32 s0, $0xA;
	s2 =	sadd.s32 s3, s2  }
0x8d: {  	s2 =	sadd.s32 s2, s17  }
0x8e: {  	[smem:$0x3FC4] =	sst s2  }
0x8f: {  	_ = 	snop  }
0x90: {  	s2 =	sld [smem:$0x3FD0];
	(tm) =	ssettm $0x1  }
0x91: {  	s18 =	sld [smem:$0x3FFB];
	_ =	sdelay $0x3  }
0x92: {  	_ =	strace s18  }
0x93: {  	s3 =	sld [smem:$0x3FFC];
	_ =	sdelay $0x3  }
0x94: {  	_ =	strace s3  }
0x95: {  	s3 =	sld [smem:$0x3FFD];
	_ =	sdelay $0x3  }
0x96: {  	_ =	strace s3  }
0x97: {  	_ =	strace $0x8FFFFFFF  }
0x98: {  	s19 =	sld [smem:$0x3FDB];
	_ =	sdelay $0x1  }
0x99: {  	s4 =	simm.s32 $_scs_section_size  }
0x9a: {  	s5 =	simm.s32 $_size__tile_overlayer_lowered;
	s6 =	simm.s32 $_tile_overlayer_lowered  }
0x9b: {  	s22 =	simm.s32 $0x1BFF;
	s21 =	sshll.u32 s6, $0x1;
	s3 =	sadd.s32 s4, s19  }
0x9c: {  	s7 =	simm.s32 $0x0;
	s20 =	sshll.u32 s5, $0x1;
	s5 =	sadd.s32 s21, s3  }
0x9d: {  	[timem:s7], [sflag:s22] =	dma.local [hbm:s5], s20  }
0x9e: {  	_ =	swait.ge [sflag:s22], s20  }
0x9f: {  	s4 =	ssub.s32 $0x0, s20;
	[sflag:s22] =	ssyncset.done $0x0  }
0xa0: {  	[sflag:s22] =	ssyncadd.s32 s4;
	_ =	sdelay $0x1  }
0xa1: {  	s23 =	simm.s32 $0x1B8B  }
0xa2: {  	_ =	swait.ge [sflag:s23], $0x1  }
0xa3: {  	[sflag:s23] =	ssyncset.done $0x0  }
0xa4: {  	s25 =	simm.s32 $0x1B8E;
	s24 =	sld [smem:$0x3FFE];
	[sflag:s23] =	ssyncadd.s32 $0xFFFFFFFF  }
0xa5: {  	s26 =	simm.s32 $execute0_lowered;
	[smem:$0x3FD2] =	sst s25  }
0xa6: {  	s5 =	sshll.u32 s26, $0x1;
	_ =	strace $0x80000046;
	[dreg:$0x1] =	wrdreg $0xFFFFFFFF  }
0xa7: {  	s28 =	simm.s32 $_size_execute0_lowered;
	s3 =	sadd.s32 s3, s5;
	[dreg:$0x0] =	wrdreg $0x0  }
0xa8: {  	s5 =	sshll.u32 s28, $0x1;
	[dreg:$0x2] =	wrdreg s3  }
0xa9: {  	[dreg:$0x3] =	wrdreg s5  }
0xaa: {  	[dreg:$0x4] =	wrdreg $0xC0  }
0xab: {  	_ =	task [dreg:s7], $0x5FFFF  }
0xac: {  	[dreg:$0x1] =	wrdreg $0xFFFFFFFF  }
0xad: {  	[dreg:$0x0] =	wrdreg $0x60  }
0xae: {  	[dreg:$0x2] =	wrdreg s24  }
0xaf: {  	[dreg:$0x3] =	wrdreg s2  }
0xb0: {  	[dreg:$0x4] =	wrdreg $0x9  }
0xb1: {  	_ =	task.clear_ibuf [dreg:s7], $0x5FFFF;
	_ =	strace $0x90000046  }
0xb2: {  	s29 =	simm.s32 $0x9;
	_ =	strace $0x80000048  }
0xb3: {  	_ =	swait.ge [sflag:s29], $0x1  }
0xb4: {  	[sflag:s29] =	ssyncadd.s32 $0xFFFFFFFF  }
0xb5: {  	_ =	strace $0x90000048  }
0xb6: {  	_ =	sfence  }
0xb7: {  	s30 =	sld [smem:$0x0];
	_ =	sdelay $0x2  }
0xb8: {  	s31 =	sshll.u32 s1, $0xD;
	s1 =	sshrl.u32 s1, $0x2  }
0xb9: {  	s3 =	sand.u32 $0x4000, s31;
	s1 =	sadd.s32 s1, s30  }
0xba: {  	s0 =	sor.u32 s3, s0;
	s1 =	sshll.u32 s1, $0x11  }
0xbb: {  	s0 =	sor.u32 s1, s0  }
0xbc: {  	s0 =	sadd.s32 $0x8F2B, s0  }
0xbd: {  	[sflag:s0] =	ssyncadd.remote.s32 $0x1  }
0xbe: {  	_ =	sfence.sel $0xFFFF  }
0xbf: {  	[dreg:$0x0] =	wrdreg $0xFFFFFFFF;
	(pc) =	sbr.abs _section_cstart, $3  }
0xc0: {  	[dreg:$0x1] =	wrdreg $0xFFFFFFFF  }
0xc1: {  	_ =	task.clear_ibuf [dreg:s7], $0x2FFFF;
	_ =	strace $0x9FFFFFFF  }
0xc2: {  	(tm) =	ssettm $0x7FFFFFFF  }
0xc3: {  	_ =	shalt  }
tec
execute0_lowered:
.L_overlay_start_1:
0x0: {  	(tag) =	ssettag $0x1  }
0x1: {  	v0 =	vlaneseq.u32  }
0x2: {  	v1 =	vmul.u32 $0x14, v0;
	v58 =	vand.u32 $0x7, v0  }
0x3: {  	[tilespmem:$0x1FFD0] =	vst v58  }
0x4: {  	v4 =	vor.u32 $0x1, v1;
	[tilespmem:$0x1FFB0] =	vst v1  }
0x5: {  	v2 =	vand.u32 $0x1, v0;
	v37 =	vor.u32 $0x2, v1;
	[tilespmem:$0x1FE10] =	vst v4  }
0x6: {  	v3 =	vmul.u32 $0x4, v2;
	v39 =	vor.u32 $0x3, v1;
	[tilespmem:$0x1FE30] =	vst v37  }
0x7: {  	[tilespmem:$0x1FE50] =	vst v39  }
0x8: {  	v59 =	vimm.s32 $0x787;
	v40 =	vadd.s32 $0x4, v1;
	[tilespmem:$0x1FE60] =	vst v3  }
0x9: {  	vm0 =	vcmask $0x300;
	vm1 =	vcmask $0x704;
	v42 =	vadd.s32 $0x5, v1;
	[tilespmem:$0x1FE80] =	vst v40  }
0xa: {  	v60 =	vimm.s32 $0x7C7;
	vm2 =	vcmask $0xB08;
	v44 =	vadd.s32 $0x6, v1;
	[tilespmem:$0x1FEA0] =	vst v42  }
0xb: {  	vm4 =	vcmask $0xF0C;
	vm5 =	vcmask $0x1310;
	v46 =	vadd.s32 $0x7, v1;
	[tilespmem:$0x1FEC0] =	vst v44  }
0xc: {  	vm6 =	vcmask $0x1714;
	vm7 =	vcmask $0x1B18;
	v47 =	vadd.s32 $0x8, v1;
	[tilespmem:$0x1FEE0] =	vst v46  }
0xd: {  	vm8 =	vcmask $0x1F1C;
	vm9 =	vcmask $0x2320;
	v48 =	vadd.s32 $0x9, v1;
	[tilespmem:$0x1FF00] =	vst v47  }
0xe: {  	vm10 =	vcmask $0x2724;
	v2 =	vmul.u32 $0xFFFFFFFC, v2;
	v49 =	vadd.s32 $0xA, v1;
	[tilespmem:$0x1FF10] =	vst v48  }
0xf: {  	vm11 =	vcmask $0x2B28;
	vm12 =	vcmask $0x2F2C;
	v50 =	vadd.s32 $0xB, v1;
	[tilespmem:$0x1FF20] =	vst v49  }
0x10: {  	v51 =	vadd.s32 $0xC, v1;
	v41 =	vadd.s32 $0x4, v2;
	v43 =	vadd.s32 $0x5, v2;
	[tilespmem:$0x1FF30] =	vst v50  }
0x11: {  	v45 =	vadd.s32 $0x6, v2;
	v2 =	vadd.s32 $0x7, v2;
	[tilespmem:$0x1FF40] =	vst v51;
	v4 =	vsel vm0, $0x40, v60  }
0x12: {  	v52 =	vadd.s32 $0xD, v1;
	[tilespmem:$0x1FEF0] =	vst v2;
	v2 =	vsel vm0, $0x0, v59;
	v4 =	vsel vm1, $0xC1, v4  }
0x13: {  	v53 =	vadd.s32 $0xE, v1;
	[tilespmem:$0x1FF50] =	vst v52;
	v2 =	vsel vm1, $0x81, v2;
	v4 =	vsel vm2, $0x142, v4  }
0x14: {  	v54 =	vadd.s32 $0xF, v1;
	[tilespmem:$0x1FF60] =	vst v53;
	v2 =	vsel vm2, $0x102, v2;
	v4 =	vsel vm4, $0x1C3, v4  }
0x15: {  	v55 =	vadd.s32 $0x10, v1;
	[tilespmem:$0x1FF70] =	vst v54;
	v2 =	vsel vm4, $0x183, v2;
	v4 =	vsel vm5, $0x244, v4  }
0x16: {  	v56 =	vadd.s32 $0x11, v1;
	[tilespmem:$0x1FF80] =	vst v55;
	v2 =	vsel vm5, $0x204, v2;
	v4 =	vsel vm6, $0x2C5, v4  }
0x17: {  	v57 =	vadd.s32 $0x12, v1;
	[tilespmem:$0x1FF90] =	vst v56;
	v2 =	vsel vm6, $0x285, v2;
	v4 =	vsel vm7, $0x346, v4  }
0x18: {  	s4 =	rddreg [dreg:$0x0];
	s1 =	srdreg.scid;
	v1 =	vadd.s32 $0x13, v1;
	[tilespmem:$0x1FFA0] =	vst v57;
	v2 =	vsel vm7, $0x306, v2;
	v4 =	vsel vm8, $0x3C7, v4  }
0x19: {  	s0 =	stileid.u32;
	s5 =	rddreg [dreg:$0x1];
	v36 =	vor.u32 $0x1, v3;
	[tilespmem:$0x1FFC0] =	vst v1;
	v2 =	vsel vm8, $0x387, v2;
	v4 =	vsel vm9, $0x440, v4  }
0x1a: {  	s2 =	simm.s32 $0x0;
	s9 =	simm.s32 $0x12200;
	s10 =	simm.s32 $0x12A00;
	v38 =	vor.u32 $0x2, v3;
	[tilespmem:$0x1FE20] =	vst v36;
	v2 =	vsel vm9, $0x400, v2;
	v4 =	vsel vm10, $0x4C1, v4  }
0x1b: {  	s11 =	simm.s32 $0x1;
	s3 =	sand.u32 $0x1, s1;
	s6 =	sshll.u32 s0, $0x1;
	v3 =	vor.u32 $0x3, v3;
	[tilespmem:$0x1FE40] =	vst v38;
	v2 =	vsel vm10, $0x481, v2;
	v4 =	vsel vm11, $0x542, v4  }
0x1c: {  	vm13 =	vcmask $0x3330;
	s12 =	simm.s32 $0x2;
	s1 =	rddreg [dreg:$0x2];
	s6 =	sor.u32 s3, s6;
	[tilespmem:$0x1FE70] =	vst v3;
	v2 =	vsel vm11, $0x502, v2;
	v4 =	vsel vm12, $0x5C3, v4  }
0x1d: {  	vm14 =	vcmask $0x3734;
	s13 =	simm.s32 $0x0;
	[smem:$0x7FF] =	sst s2;
	s7 =	smul.u32 $0x500, s6;
	[tilespmem:$0x1FE90] =	vst v41;
	v2 =	vsel vm12, $0x583, v2;
	v4 =	vsel vm13, $0x644, v4  }
0x1e: {  	vm15 =	vcmask $0x3B38;
	s8 =	ssub.s32 $0x2, s3;
	s3 =	sadd.s32 $0xA00, s4;
	s6 =	sshll.u32 s6, $0xD;
	[tilespmem:$0x1FEB0] =	vst v43;
	v2 =	vsel vm13, $0x604, v2;
	v62 =	vsel vm14, $0x6C5, v4  }
0x1f: {  	v30 =	vmul.u32 $0x80, v0;
	s31 =	sshrl.u32 s8, $0x1;
	s5 =	sadd.s32 s5, s6;
	[tilespmem:$0x1FED0] =	vst v45;
	s4 =	sadd.s32 s7, s4;
	v61 =	vsel vm14, $0x685, v2;
	v63 =	vsel vm15, $0x746, v62  }
0x20: {  	v29 =	vmul.u32 $0x9, v0;
	s7 =	ssub.s32 s8, s31;
	s8 =	simm.s32 $0xFA00;
	_ =	strace $0x80000047;
	v0 =	vsel vm15, $0x706, v61;
	[tilespmem:$0x1FFF0] =	vst v63  }
0x21: {  	v33 =	vor.u32 $0x40, v30;
	s4 =	sadd.s32 $0x2A00, s4;
	s6 =	smax.u32 s7, $0x1;
	s7 =	simm.s32 $0x3;
	[tilespmem:$0x1FFE0] =	vst v0  }
.LBB2_1:
0x22: {  	[tilespmem:s2], [sflag:$0x3] =	stream.linear.gather [hbm4b:s3+s2], $0xFA00, $0x38;
	[tilespmem:$0x13200] =	vst v63  }
0x23: {  	_ =	swait.ge [sflag:s7], $0xFA00  }
0x24: {  	[sflag:s7] =	ssyncset.done $0x0  }
0x25: {  	[sflag:s7] =	ssyncadd.s32 $0xFFFF0600  }
0x26: {  	[tilespmem:s8], [sflag:$0x3] =	stream.linear.gather [hbm4b:s4+s2], $0x2800, $0x38;
	[tilespmem:$0x13200] =	vst v63  }
0x27: {  	_ =	swait.ge [sflag:s7], $0x2800  }
0x28: {  	[sflag:s7] =	ssyncset.done $0x0  }
0x29: {  	s14 =	simm.s32 $0x0;
	[sflag:s7] =	ssyncadd.s32 $0xFFFFD800  }
.LBB2_2:
0x2a: {  	v1 =	vld [tilespmem:$0x1FE10]  }
0x2b: {  	v3 =	vld [tilespmem:$0x1FE30];
	_ =	sdelay $0x1  }
0x2c: {  	s15 =	smul.u32 $0x280, s14;
	v0 =	vld [tilespmem:$0x1FFB0]  }
0x2d: {  	p0 =	seq.s32 s14, $0x0;
	v5 =	vld [tilespmem:$0x1FE50]  }
0x2e: {  	s16 =	simm.s32 @!p0 $0x1;
	v2 =	vadd.s32 s15, v1;
	v1 =	vld [tilespmem:$0x1FE60]  }
0x2f: {  	v4 =	vadd.s32 s15, v3;
	v3 =	vld [tilespmem:$0x1FE20];
	_ =	swait.ge @!p0 [sflag:s16], $0x800  }
0x30: {  	v18 =	vld [tilespmem:$0x1FF20];
	_ =	sdelay $0x4  }
0x31: {  	v34 =	vadd.s32 s15, v18;
	v18 =	vld [tilespmem:$0x1FF30];
	_ =	sdelay $0x1  }
0x32: {  	v9 =	vld [tilespmem:$0x1FEA0];
	_ =	sdelay $0x1  }
0x33: {  	v7 =	vld [tilespmem:$0x1FE80]  }
0x34: {  	v35 =	vadd.s32 s15, v18;
	v18 =	vld [tilespmem:$0x1FF40]  }
0x35: {  	v6 =	vadd.s32 s15, v5;
	v5 =	vld [tilespmem:$0x1FE40]  }
0x36: {  	v10 =	vadd.s32 s15, v9;
	v9 =	vld [tilespmem:$0x1FE90]  }
0x37: {  	v11 =	vld [tilespmem:$0x1FEC0]  }
0x38: {  	v15 =	vld [tilespmem:$0x1FF00]  }
0x39: {  	v13 =	vld [tilespmem:$0x1FEE0];
	v8 =	vadd.s32 s15, v7;
	v36 =	vadd.s32 s15, v18  }
0x3a: {  	v0 =	vadd.s32 s15, v0;
	v17 =	vld [tilespmem:$0x1FF10];
	v8 =	vand.u32 $0x7FF8, v8;
	v36 =	vand.u32 $0x7FF8, v36  }
0x3b: {  	v0 =	vand.u32 $0x7FF8, v0;
	v8 =	vor.u32 v9, v8;
	v36 =	vor.u32 v9, v36;
	v9 =	vld [tilespmem:$0x1FF60]  }
0x3c: {  	v2 =	vand.u32 $0x7FF8, v2;
	v4 =	vand.u32 $0x7FF8, v4;
	v0 =	vor.u32 v1, v0;
	v7 =	vld [tilespmem:$0x1FE70]  }
0x3d: {  	v2 =	vor.u32 v3, v2;
	v12 =	vadd.s32 s15, v11;
	v11 =	vld [tilespmem:$0x1FEB0];
	v16 =	vadd.s32 s15, v15  }
0x3e: {  	v4 =	vor.u32 v5, v4;
	v14 =	vadd.s32 s15, v13;
	v13 =	vld [tilespmem:$0x1FED0];
	v16 =	vand.u32 $0x7FF8, v16  }
0x3f: {  	[sflag:s16] =	ssyncset.done @!p0 $0x0;
	v15 =	vld [tilespmem:$0x1FEF0];
	v16 =	vor.u32 v1, v16  }
0x40: {  	[sflag:s16] =	ssyncadd.s32 @!p0 $0xFFFFF800;
	v17 =	vadd.s32 s15, v17;
	v38 =	vadd.s32 s15, v9;
	v9 =	vld [tilespmem:$0x1FF70]  }
0x41: {  	v17 =	vand.u32 $0x7FF8, v17;
	v0 =	vld.idx.msk [tilespmem:v0+s8+$0x0], $0xffff  }
0x42: {  	v34 =	vand.u32 $0x7FF8, v34;
	v17 =	vor.u32 v3, v17;
	v2 =	vld.idx.msk [tilespmem:v2+s8+$0x0], $0xffff  }
0x43: {  	v6 =	vand.u32 $0x7FF8, v6;
	v34 =	vor.u32 v5, v34;
	v4 =	vld.idx.msk [tilespmem:v4+s8+$0x0], $0xffff  }
0x44: {  	v6 =	vor.u32 v7, v6;
	v16 =	vld.idx.msk [tilespmem:v16+s8+$0x0], $0xffff  }
0x45: {  	v39 =	vadd.s32 s15, v9;
	v9 =	vld [tilespmem:$0x1FF80]  }
0x46: {  	v18 =	vld [tilespmem:$0x1FF50]  }
0x47: {  	v10 =	vand.u32 $0x7FF8, v10;
	v17 =	vld.idx.msk [tilespmem:v17+s8+$0x0], $0xffff  }
0x48: {  	v12 =	vand.u32 $0x7FF8, v12;
	v10 =	vor.u32 v11, v10;
	v44 =	vld.idx.msk [tilespmem:v34+s8+$0x0], $0xffff  }
0x49: {  	v12 =	vor.u32 v13, v12;
	v35 =	vand.u32 $0x7FF8, v35;
	v6 =	vld.idx.msk [tilespmem:v6+s8+$0x0], $0xffff  }
0x4a: {  	v35 =	vor.u32 v7, v35;
	v40 =	vadd.s32 s15, v9;
	v9 =	vld [tilespmem:$0x1FF90]  }
0x4b: {  	v8 =	vld.idx.msk [tilespmem:v8+s8+$0x0], $0xffff;
	v37 =	vadd.s32 s15, v18;
	v55 =	vand.u32 $0x7FF8, v40  }
0x4c: {  	v37 =	vand.u32 $0x7FF8, v37;
	v57 =	vor.u32 v1, v55;
	v1 =	vld [tilespmem:$0x1FFA0]  }
0x4d: {  	v10 =	vld.idx.msk [tilespmem:v10+s8+$0x0], $0xffff;
	v37 =	vor.u32 v11, v37;
	v38 =	vand.u32 $0x7FF8, v38  }
0x4e: {  	v12 =	vld.idx.msk [tilespmem:v12+s8+$0x0], $0xffff;
	v38 =	vor.u32 v13, v38;
	v39 =	vand.u32 $0x7FF8, v39  }
0x4f: {  	v45 =	vld.idx.msk [tilespmem:v35+s8+$0x0], $0xffff;
	v54 =	vor.u32 v15, v39;
	v56 =	vadd.s32 s15, v9  }
0x50: {  	v46 =	vld.idx.msk [tilespmem:v36+s8+$0x0], $0xffff;
	v58 =	vand.u32 $0x7FF8, v56  }
0x51: {  	v59 =	vadd.s32 s15, v1;
	v60 =	vor.u32 v3, v58;
	v1 =	vld [tilespmem:$0x1FFC0]  }
0x52: {  	v47 =	vld.idx.msk [tilespmem:v37+s8+$0x0], $0xffff  }
0x53: {  	v14 =	vand.u32 $0x7FF8, v14;
	v48 =	vld.idx.msk [tilespmem:v38+s8+$0x0], $0xffff  }
0x54: {  	v14 =	vor.u32 v15, v14;
	v49 =	vld.idx.msk [tilespmem:v54+s8+$0x0], $0xffff  }
0x55: {  	v34 =	vshll.u32 v0, $0x6;
	v35 =	vshll.u32 v2, $0x6;
	v50 =	vld.idx.msk [tilespmem:v57+s8+$0x0], $0xffff;
	v61 =	vand.u32 $0x7FF8, v59  }
0x56: {  	v42 =	vshll.u32 v16, $0x6;
	v39 =	vor.u32 v5, v61;
	v62 =	vadd.s32 s15, v1;
	v0 =	vld.idx.msk [tilespmem:v60+s8+$0x0], $0xffff  }
0x57: {  	v43 =	vshll.u32 v17, $0x6;
	v44 =	vshll.u32 v44, $0x6;
	v1 =	vld [tilespmem:$0x1FFD0];
	v63 =	vand.u32 $0x7FF8, v62  }
0x58: {  	v36 =	vshll.u32 v4, $0x6;
	v45 =	vshll.u32 v45, $0x6;
	v41 =	vor.u32 v7, v63  }
0x59: {  	v37 =	vshll.u32 v6, $0x6;
	v46 =	vshll.u32 v46, $0x6;
	v38 =	vshll.u32 v8, $0x6  }
0x5a: {  	v47 =	vshll.u32 v47, $0x6;
	v40 =	vshll.u32 v12, $0x6;
	v48 =	vshll.u32 v48, $0x6  }
0x5b: {  	v49 =	vshll.u32 v49, $0x6;
	v50 =	vshll.u32 v50, $0x6;
	v2 =	vld.idx.msk [tilespmem:v39+s8+$0x0], $0xffff;
	v39 =	vshll.u32 v10, $0x6  }
0x5c: {  	v14 =	vld.idx.msk [tilespmem:v14+s8+$0x0], $0xffff;
	v51 =	vshll.u32 v0, $0x6;
	v54 =	vor.u32 v1, v34;
	v55 =	vor.u32 v1, v35  }
0x5d: {  	v56 =	vor.u32 v1, v36;
	v57 =	vor.u32 v1, v37;
	v58 =	vor.u32 v1, v38;
	v4 =	vld.idx.msk [tilespmem:v41+s8+$0x0], $0xffff  }
0x5e: {  	v59 =	vor.u32 v1, v39;
	v60 =	vor.u32 v1, v40;
	v62 =	vor.u32 v1, v42  }
0x5f: {  	v63 =	vor.u32 v1, v43;
	v6 =	vor.u32 v1, v46;
	v8 =	vor.u32 v1, v47  }
0x60: {  	v10 =	vor.u32 v1, v48;
	v12 =	vor.u32 v1, v49;
	v0 =	vor.u32 v1, v50  }
0x61: {  	v41 =	vshll.u32 v14, $0x6;
	v52 =	vshll.u32 v2, $0x6;
	v2 =	vor.u32 v1, v44  }
0x62: {  	v14 =	vor.u32 v1, v51;
	v61 =	vor.u32 v1, v41;
	v53 =	vshll.u32 v4, $0x6  }
0x63: {  	s16 =	simm.s32 $0x7;
	s15 =	sshll.u32 s14, $0x1;
	v16 =	vor.u32 v1, v52;
	v4 =	vor.u32 v1, v45;
	v17 =	vor.u32 v1, v53  }
.LBB2_3:
0x64: {  	s17 =	sadd.s32 $0xFFFFFFF9, s16  }
0x65: {  	v18 =	vadd.s32 s17, v29  }
0x66: {  	v18 =	vand.u32 $0x38, v18  }
0x67: {  	v19 =	vor.u32 v18, v54  }
0x68: {  	v20 =	vor.u32 v18, v55  }
0x69: {  	v21 =	vor.u32 v18, v56  }
0x6a: {  	v22 =	vor.u32 v18, v57  }
0x6b: {  	v23 =	vor.u32 v18, v58  }
0x6c: {  	v24 =	vor.u32 v18, v59;
	v19 =	vld.idx.msk [tilespmem:v19+s2+$0x0], $0xffff  }
0x6d: {  	v25 =	vor.u32 v18, v60;
	v20 =	vld.idx.msk [tilespmem:v20+s2+$0x0], $0xffff  }
0x6e: {  	v26 =	vor.u32 v18, v61;
	v21 =	vld.idx.msk [tilespmem:v21+s2+$0x0], $0xffff  }
0x6f: {  	v27 =	vor.u32 v18, v62;
	v22 =	vld.idx.msk [tilespmem:v22+s2+$0x0], $0xffff  }
0x70: {  	v9 =	vor.u32 v18, v63;
	v23 =	vld.idx.msk [tilespmem:v23+s2+$0x0], $0xffff  }
0x71: {  	v11 =	vor.u32 v18, v2;
	v24 =	vld.idx.msk [tilespmem:v24+s2+$0x0], $0xffff  }
0x72: {  	v13 =	vor.u32 v18, v4;
	v25 =	vld.idx.msk [tilespmem:v25+s2+$0x0], $0xffff  }
0x73: {  	v15 =	vor.u32 v18, v6;
	v26 =	vld.idx.msk [tilespmem:v26+s2+$0x0], $0xffff  }
0x74: {  	v1 =	vor.u32 v18, v8;
	v27 =	vld.idx.msk [tilespmem:v27+s2+$0x0], $0xffff  }
0x75: {  	v3 =	vor.u32 v18, v10;
	v9 =	vld.idx.msk [tilespmem:v9+s2+$0x0], $0xffff  }
0x76: {  	v5 =	vor.u32 v18, v12;
	v11 =	vld.idx.msk [tilespmem:v11+s2+$0x0], $0xffff  }
0x77: {  	v13 =	vld.idx.msk [tilespmem:v13+s2+$0x0], $0xffff  }
0x78: {  	v15 =	vld.idx.msk [tilespmem:v15+s2+$0x0], $0xffff  }
0x79: {  	v1 =	vld.idx.msk [tilespmem:v1+s2+$0x0], $0xffff  }
0x7a: {  	v3 =	vld.idx.msk [tilespmem:v3+s2+$0x0], $0xffff  }
0x7b: {  	v5 =	vld.idx.msk [tilespmem:v5+s2+$0x0], $0xffff  }
0x7c: {  	v7 =	vor.u32 v18, v0  }
0x7d: {  	v28 =	vor.u32 v18, v14;
	v19 =	vadd.bf16 v20, v19;
	v20 =	vadd.bf16 v22, v21  }
0x7e: {  	v31 =	vor.u32 v18, v16;
	v24 =	vadd.bf16 v24, v23;
	v26 =	vadd.bf16 v26, v25  }
0x7f: {  	v32 =	vor.u32 v18, v17;
	v9 =	vadd.bf16 v9, v27;
	v11 =	vadd.bf16 v13, v11  }
0x80: {  	v1 =	vadd.bf16 v1, v15;
	v3 =	vadd.bf16 v5, v3  }
0x81: {  	v7 =	vld.idx.msk [tilespmem:v7+s2+$0x0], $0xffff;
	v5 =	vadd.bf16 v20, v19;
	v13 =	vadd.bf16 v26, v24  }
0x82: {  	v28 =	vld.idx.msk [tilespmem:v28+s2+$0x0], $0xffff;
	v9 =	vadd.bf16 v11, v9;
	v1 =	vadd.bf16 v3, v1  }
0x83: {  	v31 =	vld.idx.msk [tilespmem:v31+s2+$0x0], $0xffff  }
0x84: {  	v32 =	vld.idx.msk [tilespmem:v32+s2+$0x0], $0xffff;
	v5 =	vadd.bf16 v13, v5;
	v1 =	vadd.bf16 v1, v9;
	_ =	sdelay $0x1  }
0x85: {  	v1 =	vadd.bf16 v1, v5;
	v5 =	vld [tilespmem:$0x1FFE0]  }
0x86: {  	v9 =	vld [tilespmem:$0x1FFF0];
	_ =	sdelay $0x1  }
0x87: {  	v3 =	vadd.bf16 v28, v7;
	v7 =	vadd.bf16 v32, v31  }
0x88: {  	s25 =	sadd.s32 $0xFFFFFFFA, s16  }
0x89: {  	v3 =	vadd.bf16 v7, v3;
	v7 =	vadd.s32 s25, v29;
	v5 =	vor.u32 v5, v18  }
0x8a: {  	v7 =	vand.u32 $0x3F, v7;
	v9 =	vor.u32 v9, v18  }
0x8b: {  	v1 =	vadd.bf16 v3, v1;
	v3 =	vor.u32 v34, v7  }
0x8c: {  	v11 =	vor.u32 v35, v7  }
0x8d: {  	v15 =	vor.u32 v36, v7;
	v13 =	vshll.u32 v1, $0x10  }
0x8e: {  	v1 =	vand.u32 $0xFFFF0000, v1;
	v18 =	vor.u32 v41, v7;
	[tilespmem:v5+s9+$0x0] =	vst.idx.msk $0xffff, v13  }
0x8f: {  	v19 =	vor.u32 v42, v7;
	[tilespmem:v9+s9+$0x0] =	vst.idx.msk $0xffff, v1  }
0x90: {  	v20 =	vor.u32 v43, v7;
	v3 =	vld.idx.msk [tilespmem:v3+s2+$0x0], $0xffff  }
0x91: {  	v21 =	vor.u32 v44, v7;
	v11 =	vld.idx.msk [tilespmem:v11+s2+$0x0], $0xffff  }
0x92: {  	v22 =	vor.u32 v45, v7;
	v15 =	vld.idx.msk [tilespmem:v15+s2+$0x0], $0xffff  }
0x93: {  	v23 =	vor.u32 v46, v7;
	v18 =	vld.idx.msk [tilespmem:v18+s2+$0x0], $0xffff  }
0x94: {  	v32 =	vor.u32 v47, v7;
	v19 =	vld.idx.msk [tilespmem:v19+s2+$0x0], $0xffff  }
0x95: {  	v25 =	vor.u32 v48, v7;
	v20 =	vld.idx.msk [tilespmem:v20+s2+$0x0], $0xffff  }
0x96: {  	v26 =	vor.u32 v49, v7;
	v21 =	vld.idx.msk [tilespmem:v21+s2+$0x0], $0xffff  }
0x97: {  	v5 =	vor.u32 v37, v7;
	v22 =	vld.idx.msk [tilespmem:v22+s2+$0x0], $0xffff  }
0x98: {  	v1 =	vor.u32 v38, v7;
	v23 =	vld.idx.msk [tilespmem:v23+s2+$0x0], $0xffff  }
0x99: {  	v9 =	vor.u32 v39, v7;
	v24 =	vld.idx.msk [tilespmem:v32+s2+$0x0], $0xffff  }
0x9a: {  	v13 =	vor.u32 v40, v7;
	v25 =	vld.idx.msk [tilespmem:v25+s2+$0x0], $0xffff  }
0x9b: {  	v27 =	vor.u32 v50, v7;
	v26 =	vld.idx.msk [tilespmem:v26+s2+$0x0], $0xffff  }
0x9c: {  	v28 =	vor.u32 v51, v7;
	v5 =	vld.idx.msk [tilespmem:v5+s2+$0x0], $0xffff  }
0x9d: {  	v31 =	vor.u32 v52, v7;
	v1 =	vld.idx.msk [tilespmem:v1+s2+$0x0], $0xffff  }
0x9e: {  	v32 =	vor.u32 v53, v7;
	v9 =	vld.idx.msk [tilespmem:v9+s2+$0x0], $0xffff  }
0x9f: {  	v13 =	vld.idx.msk [tilespmem:v13+s2+$0x0], $0xffff  }
0xa0: {  	v27 =	vld.idx.msk [tilespmem:v27+s2+$0x0], $0xffff  }
0xa1: {  	v28 =	vld.idx.msk [tilespmem:v28+s2+$0x0], $0xffff  }
0xa2: {  	v31 =	vld.idx.msk [tilespmem:v31+s2+$0x0], $0xffff;
	v3 =	vadd.bf16 v11, v3;
	v5 =	vadd.bf16 v5, v15  }
0xa3: {  	v11 =	vld.idx.msk [tilespmem:v32+s2+$0x0], $0xffff;
	v15 =	vadd.bf16 v22, v21;
	v1 =	vadd.bf16 v9, v1  }
0xa4: {  	v9 =	vadd.bf16 v18, v13;
	v13 =	vadd.bf16 v20, v19  }
0xa5: {  	v18 =	vadd.bf16 v24, v23;
	v19 =	vadd.bf16 v26, v25  }
0xa6: {  	v3 =	vadd.bf16 v5, v3;
	v1 =	vadd.bf16 v9, v1  }
0xa7: {  	v5 =	vadd.bf16 v15, v13;
	v9 =	vadd.bf16 v19, v18  }
0xa8: {  	v11 =	vadd.bf16 v11, v31;
	v13 =	vadd.bf16 v28, v27  }
0xa9: {  	v1 =	vadd.bf16 v1, v3;
	v3 =	vadd.bf16 v9, v5  }
0xaa: {  	s26 =	sadd.s32 $0xFFFFFFFB, s16;
	v5 =	vadd.bf16 v11, v13  }
0xab: {  	v9 =	vadd.s32 s26, v29;
	v1 =	vadd.bf16 v3, v1;
	v3 =	vor.u32 v30, v7  }
0xac: {  	v9 =	vand.u32 $0x3F, v9;
	v7 =	vor.u32 v33, v7  }
0xad: {  	v1 =	vadd.bf16 v5, v1;
	v5 =	vor.u32 v34, v9  }
0xae: {  	v11 =	vor.u32 v35, v9  }
0xaf: {  	v15 =	vor.u32 v36, v9;
	v13 =	vshll.u32 v1, $0x10  }
0xb0: {  	v18 =	vor.u32 v41, v9;
	v1 =	vand.u32 $0xFFFF0000, v1;
	[tilespmem:v3+s9+$0x0] =	vst.idx.msk $0xffff, v13  }
0xb1: {  	v19 =	vor.u32 v42, v9;
	[tilespmem:v7+s9+$0x0] =	vst.idx.msk $0xffff, v1  }
0xb2: {  	v20 =	vor.u32 v43, v9;
	v5 =	vld.idx.msk [tilespmem:v5+s2+$0x0], $0xffff  }
0xb3: {  	v21 =	vor.u32 v44, v9;
	v11 =	vld.idx.msk [tilespmem:v11+s2+$0x0], $0xffff  }
0xb4: {  	v22 =	vor.u32 v45, v9;
	v15 =	vld.idx.msk [tilespmem:v15+s2+$0x0], $0xffff  }
0xb5: {  	v23 =	vor.u32 v46, v9;
	v18 =	vld.idx.msk [tilespmem:v18+s2+$0x0], $0xffff  }
0xb6: {  	v32 =	vor.u32 v47, v9;
	v19 =	vld.idx.msk [tilespmem:v19+s2+$0x0], $0xffff  }
0xb7: {  	v25 =	vor.u32 v48, v9;
	v20 =	vld.idx.msk [tilespmem:v20+s2+$0x0], $0xffff  }
0xb8: {  	v26 =	vor.u32 v49, v9;
	v21 =	vld.idx.msk [tilespmem:v21+s2+$0x0], $0xffff  }
0xb9: {  	v3 =	vor.u32 v37, v9;
	v22 =	vld.idx.msk [tilespmem:v22+s2+$0x0], $0xffff  }
0xba: {  	v1 =	vor.u32 v38, v9;
	v23 =	vld.idx.msk [tilespmem:v23+s2+$0x0], $0xffff  }
0xbb: {  	v7 =	vor.u32 v39, v9;
	v24 =	vld.idx.msk [tilespmem:v32+s2+$0x0], $0xffff  }
0xbc: {  	v13 =	vor.u32 v40, v9;
	v25 =	vld.idx.msk [tilespmem:v25+s2+$0x0], $0xffff  }
0xbd: {  	v27 =	vor.u32 v50, v9;
	v26 =	vld.idx.msk [tilespmem:v26+s2+$0x0], $0xffff  }
0xbe: {  	v28 =	vor.u32 v51, v9;
	v3 =	vld.idx.msk [tilespmem:v3+s2+$0x0], $0xffff  }
0xbf: {  	v31 =	vor.u32 v52, v9;
	v1 =	vld.idx.msk [tilespmem:v1+s2+$0x0], $0xffff  }
0xc0: {  	v32 =	vor.u32 v53, v9;
	v7 =	vld.idx.msk [tilespmem:v7+s2+$0x0], $0xffff  }
0xc1: {  	v13 =	vld.idx.msk [tilespmem:v13+s2+$0x0], $0xffff  }
0xc2: {  	v27 =	vld.idx.msk [tilespmem:v27+s2+$0x0], $0xffff  }
0xc3: {  	v28 =	vld.idx.msk [tilespmem:v28+s2+$0x0], $0xffff  }
0xc4: {  	v31 =	vld.idx.msk [tilespmem:v31+s2+$0x0], $0xffff;
	v5 =	vadd.bf16 v11, v5;
	v3 =	vadd.bf16 v3, v15  }
0xc5: {  	v11 =	vld.idx.msk [tilespmem:v32+s2+$0x0], $0xffff;
	v15 =	vadd.bf16 v22, v21;
	v1 =	vadd.bf16 v7, v1  }
0xc6: {  	v7 =	vadd.bf16 v18, v13;
	v13 =	vadd.bf16 v20, v19  }
0xc7: {  	v18 =	vadd.bf16 v24, v23;
	v19 =	vadd.bf16 v26, v25  }
0xc8: {  	v3 =	vadd.bf16 v3, v5;
	v1 =	vadd.bf16 v7, v1  }
0xc9: {  	v5 =	vadd.bf16 v15, v13;
	v7 =	vadd.bf16 v19, v18  }
0xca: {  	v11 =	vadd.bf16 v11, v31;
	v13 =	vadd.bf16 v28, v27  }
0xcb: {  	v1 =	vadd.bf16 v1, v3;
	v3 =	vadd.bf16 v7, v5  }
0xcc: {  	s28 =	sadd.s32 $0xFFFFFFFC, s16;
	v5 =	vadd.bf16 v11, v13  }
0xcd: {  	v7 =	vadd.s32 s28, v29;
	v1 =	vadd.bf16 v3, v1;
	v3 =	vor.u32 v30, v9  }
0xce: {  	v7 =	vand.u32 $0x3F, v7;
	v9 =	vor.u32 v33, v9  }
0xcf: {  	v1 =	vadd.bf16 v5, v1;
	v5 =	vor.u32 v34, v7  }
0xd0: {  	v11 =	vor.u32 v35, v7  }
0xd1: {  	v15 =	vor.u32 v36, v7;
	v13 =	vshll.u32 v1, $0x10  }
0xd2: {  	v18 =	vor.u32 v41, v7;
	v1 =	vand.u32 $0xFFFF0000, v1;
	[tilespmem:v3+s9+$0x0] =	vst.idx.msk $0xffff, v13  }
0xd3: {  	v19 =	vor.u32 v42, v7;
	[tilespmem:v9+s9+$0x0] =	vst.idx.msk $0xffff, v1  }
0xd4: {  	v20 =	vor.u32 v43, v7;
	v5 =	vld.idx.msk [tilespmem:v5+s2+$0x0], $0xffff  }
0xd5: {  	v21 =	vor.u32 v44, v7;
	v11 =	vld.idx.msk [tilespmem:v11+s2+$0x0], $0xffff  }
0xd6: {  	v22 =	vor.u32 v45, v7;
	v15 =	vld.idx.msk [tilespmem:v15+s2+$0x0], $0xffff  }
0xd7: {  	v23 =	vor.u32 v46, v7;
	v18 =	vld.idx.msk [tilespmem:v18+s2+$0x0], $0xffff  }
0xd8: {  	v32 =	vor.u32 v47, v7;
	v19 =	vld.idx.msk [tilespmem:v19+s2+$0x0], $0xffff  }
0xd9: {  	v25 =	vor.u32 v48, v7;
	v20 =	vld.idx.msk [tilespmem:v20+s2+$0x0], $0xffff  }
0xda: {  	v26 =	vor.u32 v49, v7;
	v21 =	vld.idx.msk [tilespmem:v21+s2+$0x0], $0xffff  }
0xdb: {  	v3 =	vor.u32 v37, v7;
	v22 =	vld.idx.msk [tilespmem:v22+s2+$0x0], $0xffff  }
0xdc: {  	v1 =	vor.u32 v38, v7;
	v23 =	vld.idx.msk [tilespmem:v23+s2+$0x0], $0xffff  }
0xdd: {  	v9 =	vor.u32 v39, v7;
	v24 =	vld.idx.msk [tilespmem:v32+s2+$0x0], $0xffff  }
0xde: {  	v13 =	vor.u32 v40, v7;
	v25 =	vld.idx.msk [tilespmem:v25+s2+$0x0], $0xffff  }
0xdf: {  	v27 =	vor.u32 v50, v7;
	v26 =	vld.idx.msk [tilespmem:v26+s2+$0x0], $0xffff  }
0xe0: {  	v28 =	vor.u32 v51, v7;
	v3 =	vld.idx.msk [tilespmem:v3+s2+$0x0], $0xffff  }
0xe1: {  	v31 =	vor.u32 v52, v7;
	v1 =	vld.idx.msk [tilespmem:v1+s2+$0x0], $0xffff  }
0xe2: {  	v32 =	vor.u32 v53, v7;
	v9 =	vld.idx.msk [tilespmem:v9+s2+$0x0], $0xffff  }
0xe3: {  	v13 =	vld.idx.msk [tilespmem:v13+s2+$0x0], $0xffff  }
0xe4: {  	v27 =	vld.idx.msk [tilespmem:v27+s2+$0x0], $0xffff  }
0xe5: {  	v28 =	vld.idx.msk [tilespmem:v28+s2+$0x0], $0xffff  }
0xe6: {  	v31 =	vld.idx.msk [tilespmem:v31+s2+$0x0], $0xffff;
	v5 =	vadd.bf16 v11, v5;
	v3 =	vadd.bf16 v3, v15  }
0xe7: {  	v11 =	vld.idx.msk [tilespmem:v32+s2+$0x0], $0xffff;
	v15 =	vadd.bf16 v22, v21;
	v1 =	vadd.bf16 v9, v1  }
0xe8: {  	v9 =	vadd.bf16 v18, v13;
	v13 =	vadd.bf16 v20, v19  }
0xe9: {  	v18 =	vadd.bf16 v24, v23;
	v19 =	vadd.bf16 v26, v25  }
0xea: {  	v3 =	vadd.bf16 v3, v5;
	v1 =	vadd.bf16 v9, v1  }
0xeb: {  	v5 =	vadd.bf16 v15, v13;
	v9 =	vadd.bf16 v19, v18  }
0xec: {  	v11 =	vadd.bf16 v11, v31;
	v13 =	vadd.bf16 v28, v27  }
0xed: {  	v1 =	vadd.bf16 v1, v3;
	v3 =	vadd.bf16 v9, v5  }
0xee: {  	s29 =	sadd.s32 $0xFFFFFFFD, s16;
	v5 =	vadd.bf16 v11, v13  }
0xef: {  	v9 =	vadd.s32 s29, v29;
	v1 =	vadd.bf16 v3, v1;
	v3 =	vor.u32 v30, v7  }
0xf0: {  	v9 =	vand.u32 $0x3F, v9;
	v7 =	vor.u32 v33, v7  }
0xf1: {  	v1 =	vadd.bf16 v5, v1;
	v5 =	vor.u32 v34, v9  }
0xf2: {  	v11 =	vor.u32 v35, v9  }
0xf3: {  	v15 =	vor.u32 v36, v9;
	v13 =	vshll.u32 v1, $0x10  }
0xf4: {  	v18 =	vor.u32 v41, v9;
	v1 =	vand.u32 $0xFFFF0000, v1;
	[tilespmem:v3+s9+$0x0] =	vst.idx.msk $0xffff, v13  }
0xf5: {  	v19 =	vor.u32 v42, v9;
	[tilespmem:v7+s9+$0x0] =	vst.idx.msk $0xffff, v1  }
0xf6: {  	v20 =	vor.u32 v43, v9;
	v5 =	vld.idx.msk [tilespmem:v5+s2+$0x0], $0xffff  }
0xf7: {  	v21 =	vor.u32 v44, v9;
	v11 =	vld.idx.msk [tilespmem:v11+s2+$0x0], $0xffff  }
0xf8: {  	v22 =	vor.u32 v45, v9;
	v15 =	vld.idx.msk [tilespmem:v15+s2+$0x0], $0xffff  }
0xf9: {  	v23 =	vor.u32 v46, v9;
	v18 =	vld.idx.msk [tilespmem:v18+s2+$0x0], $0xffff  }
0xfa: {  	v32 =	vor.u32 v47, v9;
	v19 =	vld.idx.msk [tilespmem:v19+s2+$0x0], $0xffff  }
0xfb: {  	v25 =	vor.u32 v48, v9;
	v20 =	vld.idx.msk [tilespmem:v20+s2+$0x0], $0xffff  }
0xfc: {  	v26 =	vor.u32 v49, v9;
	v21 =	vld.idx.msk [tilespmem:v21+s2+$0x0], $0xffff  }
0xfd: {  	v3 =	vor.u32 v37, v9;
	v22 =	vld.idx.msk [tilespmem:v22+s2+$0x0], $0xffff  }
0xfe: {  	v1 =	vor.u32 v38, v9;
	v23 =	vld.idx.msk [tilespmem:v23+s2+$0x0], $0xffff  }
0xff: {  	v7 =	vor.u32 v39, v9;
	v24 =	vld.idx.msk [tilespmem:v32+s2+$0x0], $0xffff  }
0x100: {  	v13 =	vor.u32 v40, v9;
	v25 =	vld.idx.msk [tilespmem:v25+s2+$0x0], $0xffff  }
0x101: {  	v27 =	vor.u32 v50, v9;
	v26 =	vld.idx.msk [tilespmem:v26+s2+$0x0], $0xffff  }
0x102: {  	v28 =	vor.u32 v51, v9;
	v3 =	vld.idx.msk [tilespmem:v3+s2+$0x0], $0xffff  }
0x103: {  	v31 =	vor.u32 v52, v9;
	v1 =	vld.idx.msk [tilespmem:v1+s2+$0x0], $0xffff  }
0x104: {  	v32 =	vor.u32 v53, v9;
	v7 =	vld.idx.msk [tilespmem:v7+s2+$0x0], $0xffff  }
0x105: {  	v13 =	vld.idx.msk [tilespmem:v13+s2+$0x0], $0xffff  }
0x106: {  	v27 =	vld.idx.msk [tilespmem:v27+s2+$0x0], $0xffff  }
0x107: {  	v28 =	vld.idx.msk [tilespmem:v28+s2+$0x0], $0xffff  }
0x108: {  	v31 =	vld.idx.msk [tilespmem:v31+s2+$0x0], $0xffff;
	v5 =	vadd.bf16 v11, v5;
	v3 =	vadd.bf16 v3, v15  }
0x109: {  	v11 =	vld.idx.msk [tilespmem:v32+s2+$0x0], $0xffff;
	v15 =	vadd.bf16 v22, v21;
	v1 =	vadd.bf16 v7, v1  }
0x10a: {  	v7 =	vadd.bf16 v18, v13;
	v13 =	vadd.bf16 v20, v19  }
0x10b: {  	v18 =	vadd.bf16 v24, v23;
	v19 =	vadd.bf16 v26, v25  }
0x10c: {  	v3 =	vadd.bf16 v3, v5;
	v1 =	vadd.bf16 v7, v1  }
0x10d: {  	v5 =	vadd.bf16 v15, v13;
	v7 =	vadd.bf16 v19, v18  }
0x10e: {  	v11 =	vadd.bf16 v11, v31;
	v13 =	vadd.bf16 v28, v27  }
0x10f: {  	v1 =	vadd.bf16 v1, v3;
	v3 =	vadd.bf16 v7, v5  }
0x110: {  	s30 =	sadd.s32 $0xFFFFFFFE, s16;
	v5 =	vadd.bf16 v11, v13  }
0x111: {  	v7 =	vadd.s32 s30, v29;
	v1 =	vadd.bf16 v3, v1;
	v3 =	vor.u32 v30, v9  }
0x112: {  	v7 =	vand.u32 $0x3F, v7;
	v9 =	vor.u32 v33, v9  }
0x113: {  	v1 =	vadd.bf16 v5, v1;
	v5 =	vor.u32 v34, v7  }
0x114: {  	v11 =	vor.u32 v35, v7  }
0x115: {  	v15 =	vor.u32 v36, v7;
	v13 =	vshll.u32 v1, $0x10  }
0x116: {  	v18 =	vor.u32 v41, v7;
	v1 =	vand.u32 $0xFFFF0000, v1;
	[tilespmem:v3+s9+$0x0] =	vst.idx.msk $0xffff, v13  }
0x117: {  	v19 =	vor.u32 v42, v7;
	[tilespmem:v9+s9+$0x0] =	vst.idx.msk $0xffff, v1  }
0x118: {  	v20 =	vor.u32 v43, v7;
	v5 =	vld.idx.msk [tilespmem:v5+s2+$0x0], $0xffff  }
0x119: {  	v21 =	vor.u32 v44, v7;
	v11 =	vld.idx.msk [tilespmem:v11+s2+$0x0], $0xffff  }
0x11a: {  	v22 =	vor.u32 v45, v7;
	v15 =	vld.idx.msk [tilespmem:v15+s2+$0x0], $0xffff  }
0x11b: {  	v23 =	vor.u32 v46, v7;
	v18 =	vld.idx.msk [tilespmem:v18+s2+$0x0], $0xffff  }
0x11c: {  	v32 =	vor.u32 v47, v7;
	v19 =	vld.idx.msk [tilespmem:v19+s2+$0x0], $0xffff  }
0x11d: {  	v25 =	vor.u32 v48, v7;
	v20 =	vld.idx.msk [tilespmem:v20+s2+$0x0], $0xffff  }
0x11e: {  	v26 =	vor.u32 v49, v7;
	v21 =	vld.idx.msk [tilespmem:v21+s2+$0x0], $0xffff  }
0x11f: {  	v3 =	vor.u32 v37, v7;
	v22 =	vld.idx.msk [tilespmem:v22+s2+$0x0], $0xffff  }
0x120: {  	v1 =	vor.u32 v38, v7;
	v23 =	vld.idx.msk [tilespmem:v23+s2+$0x0], $0xffff  }
0x121: {  	v9 =	vor.u32 v39, v7;
	v24 =	vld.idx.msk [tilespmem:v32+s2+$0x0], $0xffff  }
0x122: {  	v13 =	vor.u32 v40, v7;
	v25 =	vld.idx.msk [tilespmem:v25+s2+$0x0], $0xffff  }
0x123: {  	v27 =	vor.u32 v50, v7;
	v26 =	vld.idx.msk [tilespmem:v26+s2+$0x0], $0xffff  }
0x124: {  	v28 =	vor.u32 v51, v7;
	v3 =	vld.idx.msk [tilespmem:v3+s2+$0x0], $0xffff  }
0x125: {  	v31 =	vor.u32 v52, v7;
	v1 =	vld.idx.msk [tilespmem:v1+s2+$0x0], $0xffff  }
0x126: {  	v32 =	vor.u32 v53, v7;
	v9 =	vld.idx.msk [tilespmem:v9+s2+$0x0], $0xffff  }
0x127: {  	v13 =	vld.idx.msk [tilespmem:v13+s2+$0x0], $0xffff  }
0x128: {  	v27 =	vld.idx.msk [tilespmem:v27+s2+$0x0], $0xffff  }
0x129: {  	v28 =	vld.idx.msk [tilespmem:v28+s2+$0x0], $0xffff  }
0x12a: {  	v31 =	vld.idx.msk [tilespmem:v31+s2+$0x0], $0xffff;
	v5 =	vadd.bf16 v11, v5;
	v3 =	vadd.bf16 v3, v15  }
0x12b: {  	v11 =	vld.idx.msk [tilespmem:v32+s2+$0x0], $0xffff;
	v15 =	vadd.bf16 v22, v21;
	v1 =	vadd.bf16 v9, v1  }
0x12c: {  	v9 =	vadd.bf16 v18, v13;
	v13 =	vadd.bf16 v20, v19  }
0x12d: {  	v18 =	vadd.bf16 v24, v23;
	v19 =	vadd.bf16 v26, v25  }
0x12e: {  	v3 =	vadd.bf16 v3, v5;
	v1 =	vadd.bf16 v9, v1  }
0x12f: {  	v5 =	vadd.bf16 v15, v13;
	v9 =	vadd.bf16 v19, v18  }
0x130: {  	v11 =	vadd.bf16 v11, v31;
	v13 =	vadd.bf16 v28, v27  }
0x131: {  	v1 =	vadd.bf16 v1, v3;
	v3 =	vadd.bf16 v9, v5  }
0x132: {  	s31 =	sadd.s32 $0xFFFFFFFF, s16;
	v5 =	vadd.bf16 v11, v13  }
0x133: {  	v9 =	vadd.s32 s31, v29;
	v1 =	vadd.bf16 v3, v1;
	v3 =	vor.u32 v30, v7  }
0x134: {  	v9 =	vand.u32 $0x3F, v9;
	v7 =	vor.u32 v33, v7  }
0x135: {  	v1 =	vadd.bf16 v5, v1;
	v5 =	vor.u32 v34, v9  }
0x136: {  	v11 =	vor.u32 v35, v9  }
0x137: {  	v15 =	vor.u32 v36, v9;
	v13 =	vshll.u32 v1, $0x10  }
0x138: {  	v18 =	vor.u32 v41, v9;
	v1 =	vand.u32 $0xFFFF0000, v1;
	[tilespmem:v3+s9+$0x0] =	vst.idx.msk $0xffff, v13  }
0x139: {  	v19 =	vor.u32 v42, v9;
	[tilespmem:v7+s9+$0x0] =	vst.idx.msk $0xffff, v1  }
0x13a: {  	v20 =	vor.u32 v43, v9;
	v5 =	vld.idx.msk [tilespmem:v5+s2+$0x0], $0xffff  }
0x13b: {  	v21 =	vor.u32 v44, v9;
	v11 =	vld.idx.msk [tilespmem:v11+s2+$0x0], $0xffff  }
0x13c: {  	v22 =	vor.u32 v45, v9;
	v15 =	vld.idx.msk [tilespmem:v15+s2+$0x0], $0xffff  }
0x13d: {  	v23 =	vor.u32 v46, v9;
	v18 =	vld.idx.msk [tilespmem:v18+s2+$0x0], $0xffff  }
0x13e: {  	v32 =	vor.u32 v47, v9;
	v19 =	vld.idx.msk [tilespmem:v19+s2+$0x0], $0xffff  }
0x13f: {  	v25 =	vor.u32 v48, v9;
	v20 =	vld.idx.msk [tilespmem:v20+s2+$0x0], $0xffff  }
0x140: {  	v26 =	vor.u32 v49, v9;
	v21 =	vld.idx.msk [tilespmem:v21+s2+$0x0], $0xffff  }
0x141: {  	v3 =	vor.u32 v37, v9;
	v22 =	vld.idx.msk [tilespmem:v22+s2+$0x0], $0xffff  }
0x142: {  	v1 =	vor.u32 v38, v9;
	v23 =	vld.idx.msk [tilespmem:v23+s2+$0x0], $0xffff  }
0x143: {  	v7 =	vor.u32 v39, v9;
	v24 =	vld.idx.msk [tilespmem:v32+s2+$0x0], $0xffff  }
0x144: {  	v13 =	vor.u32 v40, v9;
	v25 =	vld.idx.msk [tilespmem:v25+s2+$0x0], $0xffff  }
0x145: {  	v27 =	vor.u32 v50, v9;
	v26 =	vld.idx.msk [tilespmem:v26+s2+$0x0], $0xffff  }
0x146: {  	v28 =	vor.u32 v51, v9;
	v3 =	vld.idx.msk [tilespmem:v3+s2+$0x0], $0xffff  }
0x147: {  	v31 =	vor.u32 v52, v9;
	v1 =	vld.idx.msk [tilespmem:v1+s2+$0x0], $0xffff  }
0x148: {  	v32 =	vor.u32 v53, v9;
	v7 =	vld.idx.msk [tilespmem:v7+s2+$0x0], $0xffff  }
0x149: {  	v13 =	vld.idx.msk [tilespmem:v13+s2+$0x0], $0xffff  }
0x14a: {  	v27 =	vld.idx.msk [tilespmem:v27+s2+$0x0], $0xffff  }
0x14b: {  	v28 =	vld.idx.msk [tilespmem:v28+s2+$0x0], $0xffff  }
0x14c: {  	v31 =	vld.idx.msk [tilespmem:v31+s2+$0x0], $0xffff;
	v5 =	vadd.bf16 v11, v5;
	v3 =	vadd.bf16 v3, v15  }
0x14d: {  	v11 =	vld.idx.msk [tilespmem:v32+s2+$0x0], $0xffff;
	v15 =	vadd.bf16 v22, v21;
	v1 =	vadd.bf16 v7, v1  }
0x14e: {  	v7 =	vadd.bf16 v18, v13;
	v13 =	vadd.bf16 v20, v19  }
0x14f: {  	v18 =	vadd.bf16 v24, v23;
	v19 =	vadd.bf16 v26, v25  }
0x150: {  	v3 =	vadd.bf16 v3, v5;
	v1 =	vadd.bf16 v7, v1  }
0x151: {  	v5 =	vadd.bf16 v15, v13;
	v7 =	vadd.bf16 v19, v18  }
0x152: {  	v11 =	vadd.bf16 v11, v31;
	v13 =	vadd.bf16 v28, v27  }
0x153: {  	v1 =	vadd.bf16 v1, v3;
	v3 =	vadd.bf16 v7, v5  }
0x154: {  	v5 =	vadd.bf16 v11, v13  }
0x155: {  	v7 =	vadd.s32 s16, v29;
	v1 =	vadd.bf16 v3, v1;
	v3 =	vor.u32 v30, v9  }
0x156: {  	v7 =	vand.u32 $0x3F, v7;
	v9 =	vor.u32 v33, v9  }
0x157: {  	v1 =	vadd.bf16 v5, v1;
	v5 =	vor.u32 v34, v7  }
0x158: {  	v11 =	vor.u32 v35, v7  }
0x159: {  	v15 =	vor.u32 v36, v7;
	v13 =	vshll.u32 v1, $0x10  }
0x15a: {  	v18 =	vor.u32 v41, v7;
	v1 =	vand.u32 $0xFFFF0000, v1;
	[tilespmem:v3+s9+$0x0] =	vst.idx.msk $0xffff, v13  }
0x15b: {  	v19 =	vor.u32 v42, v7;
	[tilespmem:v9+s9+$0x0] =	vst.idx.msk $0xffff, v1  }
0x15c: {  	v20 =	vor.u32 v43, v7;
	v5 =	vld.idx.msk [tilespmem:v5+s2+$0x0], $0xffff  }
0x15d: {  	v21 =	vor.u32 v44, v7;
	v11 =	vld.idx.msk [tilespmem:v11+s2+$0x0], $0xffff  }
0x15e: {  	v22 =	vor.u32 v45, v7;
	v15 =	vld.idx.msk [tilespmem:v15+s2+$0x0], $0xffff  }
0x15f: {  	v23 =	vor.u32 v46, v7;
	v18 =	vld.idx.msk [tilespmem:v18+s2+$0x0], $0xffff  }
0x160: {  	v32 =	vor.u32 v47, v7;
	v19 =	vld.idx.msk [tilespmem:v19+s2+$0x0], $0xffff  }
0x161: {  	v25 =	vor.u32 v48, v7;
	v20 =	vld.idx.msk [tilespmem:v20+s2+$0x0], $0xffff  }
0x162: {  	v3 =	vor.u32 v37, v7;
	v21 =	vld.idx.msk [tilespmem:v21+s2+$0x0], $0xffff  }
0x163: {  	v13 =	vor.u32 v40, v7;
	v22 =	vld.idx.msk [tilespmem:v22+s2+$0x0], $0xffff  }
0x164: {  	v1 =	vor.u32 v38, v7;
	v23 =	vld.idx.msk [tilespmem:v23+s2+$0x0], $0xffff  }
0x165: {  	v9 =	vor.u32 v39, v7;
	v24 =	vld.idx.msk [tilespmem:v32+s2+$0x0], $0xffff  }
0x166: {  	v26 =	vor.u32 v49, v7;
	v25 =	vld.idx.msk [tilespmem:v25+s2+$0x0], $0xffff  }
0x167: {  	v27 =	vor.u32 v50, v7;
	v3 =	vld.idx.msk [tilespmem:v3+s2+$0x0], $0xffff  }
0x168: {  	v28 =	vor.u32 v51, v7;
	v13 =	vld.idx.msk [tilespmem:v13+s2+$0x0], $0xffff  }
0x169: {  	v31 =	vor.u32 v52, v7;
	v1 =	vld.idx.msk [tilespmem:v1+s2+$0x0], $0xffff  }
0x16a: {  	v32 =	vor.u32 v53, v7;
	v9 =	vld.idx.msk [tilespmem:v9+s2+$0x0], $0xffff  }
0x16b: {  	v26 =	vld.idx.msk [tilespmem:v26+s2+$0x0], $0xffff  }
0x16c: {  	v27 =	vld.idx.msk [tilespmem:v27+s2+$0x0], $0xffff  }
0x16d: {  	v28 =	vld.idx.msk [tilespmem:v28+s2+$0x0], $0xffff;
	v5 =	vadd.bf16 v11, v5;
	v3 =	vadd.bf16 v3, v15  }
0x16e: {  	v11 =	vld.idx.msk [tilespmem:v31+s2+$0x0], $0xffff;
	v15 =	vadd.bf16 v20, v19;
	v19 =	vadd.bf16 v24, v23  }
0x16f: {  	v1 =	vadd.bf16 v9, v1;
	v9 =	vadd.bf16 v18, v13;
	v13 =	vld.idx.msk [tilespmem:v32+s2+$0x0], $0xffff  }
0x170: {  	v18 =	vadd.bf16 v22, v21;
	v32 =	vadd.bf16 v26, v25  }
0x171: {  	v3 =	vadd.bf16 v3, v5;
	v1 =	vadd.bf16 v9, v1  }
0x172: {  	v5 =	vadd.bf16 v18, v15;
	v9 =	vadd.bf16 v32, v19  }
0x173: {  	v15 =	vadd.bf16 v28, v27;
	v1 =	vadd.bf16 v1, v3  }
0x174: {  	v3 =	vadd.bf16 v9, v5;
	v11 =	vadd.bf16 v13, v11;
	_ =	sdelay $0x1  }
0x175: {  	v1 =	vadd.bf16 v3, v1;
	v3 =	vor.u32 v30, v7;
	v5 =	vadd.bf16 v11, v15  }
0x176: {  	p1 =	sne.s32 s16, $0x3F;
	v7 =	vor.u32 v33, v7  }
.Ltmp0:
0x177: {  	v1 =	vadd.bf16 v5, v1;
	(pc) =	sbr.rel @p1 .LBB2_3-.Ltmp0, $4  }
0x178: {  	_ = 	snop  }
0x179: {  	v5 =	vshll.u32 v1, $0x10  }
0x17a: {  	v1 =	vand.u32 $0xFFFF0000, v1;
	[tilespmem:v3+s9+$0x0] =	vst.idx.msk $0xffff, v5  }
0x17b: {  	s16 =	sadd.s32 $0x8, s16;
	[tilespmem:v7+s9+$0x0] =	vst.idx.msk $0xffff, v1  }
0x17c: {  	v0 =	vld [tilespmem:$0x1FFB0]  }
0x17d: {  	s17 =	sshll.u32 s14, $0x9;
	v1 =	vld [tilespmem:$0x1FE10]  }
0x17e: {  	v18 =	vld [tilespmem:$0x1FE60];
	s17 =	sadd.s32 s17, s5  }
0x17f: {  	v2 =	vld [tilespmem:$0x1FE30];
	[hbm4b:s17+s2] =	stream.linear.scatter [tilespmem:s9], [sflag:$0x1], $0x800, $0x38  }
0x180: {  	v19 =	vld [tilespmem:$0x1FE20];
	s17 =	simm.s32 @!p0 $0x2  }
0x181: {  	v3 =	vld [tilespmem:$0x1FE50];
	_ =	swait.ge @!p0 [sflag:s17], $0x800  }
0x182: {  	v20 =	vld [tilespmem:$0x1FE40]  }
0x183: {  	v4 =	vld [tilespmem:$0x1FE80]  }
0x184: {  	v21 =	vld [tilespmem:$0x1FE70]  }
0x185: {  	v5 =	vld [tilespmem:$0x1FEA0]  }
0x186: {  	v12 =	vld [tilespmem:$0x1FF40]  }
0x187: {  	v14 =	vld [tilespmem:$0x1FE90]  }
0x188: {  	s15 =	sor.u32 $0x1, s15;
	v6 =	vld [tilespmem:$0x1FEC0]  }
0x189: {  	s16 =	smul.u32 $0x140, s15;
	v15 =	vld [tilespmem:$0x1FEB0]  }
0x18a: {  	v13 =	vld [tilespmem:$0x1FF50]  }
0x18b: {  	v7 =	vld [tilespmem:$0x1FEE0];
	v0 =	vadd.s32 s16, v0;
	v4 =	vadd.s32 s16, v4;
	v12 =	vadd.s32 s16, v12  }
0x18c: {  	v16 =	vld [tilespmem:$0x1FED0];
	v1 =	vadd.s32 s16, v1;
	v4 =	vand.u32 $0x7FFFFFF8, v4;
	v12 =	vand.u32 $0x7FFFFFF8, v12  }
0x18d: {  	v2 =	vadd.s32 s16, v2;
	v4 =	vor.u32 v14, v4;
	v12 =	vor.u32 v14, v12;
	v14 =	vld [tilespmem:$0x1FF60]  }
0x18e: {  	v8 =	vld [tilespmem:$0x1FF00];
	v3 =	vadd.s32 s16, v3;
	v0 =	vand.u32 $0x7FFFFFF8, v0;
	v1 =	vand.u32 $0x7FFFFFF8, v1  }
0x18f: {  	v17 =	vld [tilespmem:$0x1FEF0];
	v2 =	vand.u32 $0x7FFFFFF8, v2;
	v5 =	vadd.s32 s16, v5;
	v13 =	vadd.s32 s16, v13  }
0x190: {  	v9 =	vld [tilespmem:$0x1FF10];
	v0 =	vor.u32 v18, v0;
	v5 =	vand.u32 $0x7FFFFFF8, v5;
	v13 =	vand.u32 $0x7FFFFFF8, v13  }
0x191: {  	v1 =	vor.u32 v19, v1;
	v5 =	vor.u32 v15, v5;
	v13 =	vor.u32 v15, v13;
	v15 =	vld [tilespmem:$0x1FF70]  }
0x192: {  	v10 =	vld [tilespmem:$0x1FF20];
	v2 =	vor.u32 v20, v2;
	v6 =	vadd.s32 s16, v6;
	v14 =	vadd.s32 s16, v14  }
0x193: {  	[sflag:s17] =	ssyncset.done @!p0 $0x0;
	v11 =	vld [tilespmem:$0x1FF30];
	v3 =	vand.u32 $0x7FFFFFF8, v3;
	v6 =	vand.u32 $0x7FFFFFF8, v6;
	v14 =	vand.u32 $0x7FFFFFF8, v14  }
0x194: {  	[sflag:s17] =	ssyncadd.s32 @!p0 $0xFFFFF800;
	v3 =	vor.u32 v21, v3;
	v6 =	vor.u32 v16, v6;
	v14 =	vor.u32 v16, v14;
	v16 =	vld [tilespmem:$0x1FF80]  }
0x195: {  	v0 =	vld.idx.msk [tilespmem:v0+s8+$0x0], $0xffff  }
0x196: {  	v7 =	vadd.s32 s16, v7;
	v1 =	vld.idx.msk [tilespmem:v1+s8+$0x0], $0xffff;
	v15 =	vadd.s32 s16, v15  }
0x197: {  	v7 =	vand.u32 $0x7FFFFFF8, v7;
	v2 =	vld.idx.msk [tilespmem:v2+s8+$0x0], $0xffff;
	v15 =	vand.u32 $0x7FFFFFF8, v15  }
0x198: {  	v7 =	vor.u32 v17, v7;
	v15 =	vor.u32 v17, v15;
	v17 =	vld [tilespmem:$0x1FF90]  }
0x199: {  	v8 =	vadd.s32 s16, v8;
	v9 =	vadd.s32 s16, v9;
	v3 =	vld.idx.msk [tilespmem:v3+s8+$0x0], $0xffff;
	v16 =	vadd.s32 s16, v16  }
0x19a: {  	v10 =	vadd.s32 s16, v10;
	v8 =	vand.u32 $0x7FFFFFF8, v8;
	v4 =	vld.idx.msk [tilespmem:v4+s8+$0x0], $0xffff;
	v16 =	vand.u32 $0x7FFFFFF8, v16  }
0x19b: {  	v9 =	vand.u32 $0x7FFFFFF8, v9;
	v8 =	vor.u32 v18, v8;
	v16 =	vor.u32 v18, v16;
	v18 =	vld [tilespmem:$0x1FFA0]  }
0x19c: {  	v11 =	vadd.s32 s16, v11;
	v10 =	vand.u32 $0x7FFFFFF8, v10;
	v9 =	vor.u32 v19, v9;
	v5 =	vld.idx.msk [tilespmem:v5+s8+$0x0], $0xffff  }
0x19d: {  	v11 =	vand.u32 $0x7FFFFFF8, v11;
	v10 =	vor.u32 v20, v10;
	v6 =	vld.idx.msk [tilespmem:v6+s8+$0x0], $0xffff;
	v17 =	vadd.s32 s16, v17  }
0x19e: {  	v11 =	vor.u32 v21, v11;
	v7 =	vld.idx.msk [tilespmem:v7+s8+$0x0], $0xffff;
	v17 =	vand.u32 $0x7FFFFFF8, v17  }
0x19f: {  	v17 =	vor.u32 v19, v17;
	v19 =	vld [tilespmem:$0x1FFC0]  }
0x1a0: {  	v8 =	vld.idx.msk [tilespmem:v8+s8+$0x0], $0xffff;
	v18 =	vadd.s32 s16, v18  }
0x1a1: {  	v9 =	vld.idx.msk [tilespmem:v9+s8+$0x0], $0xffff;
	v18 =	vand.u32 $0x7FFFFFF8, v18  }
0x1a2: {  	v10 =	vld.idx.msk [tilespmem:v10+s8+$0x0], $0xffff;
	v18 =	vor.u32 v20, v18  }
0x1a3: {  	v11 =	vld.idx.msk [tilespmem:v11+s8+$0x0], $0xffff  }
0x1a4: {  	v12 =	vld.idx.msk [tilespmem:v12+s8+$0x0], $0xffff;
	v19 =	vadd.s32 s16, v19  }
0x1a5: {  	v13 =	vld.idx.msk [tilespmem:v13+s8+$0x0], $0xffff;
	v19 =	vand.u32 $0x7FFFFFF8, v19  }
0x1a6: {  	v14 =	vld.idx.msk [tilespmem:v14+s8+$0x0], $0xffff;
	v19 =	vor.u32 v21, v19  }
0x1a7: {  	v35 =	vshll.u32 v1, $0x6;
	v1 =	vld.idx.msk [tilespmem:v18+s8+$0x0], $0xffff  }
0x1a8: {  	v15 =	vld.idx.msk [tilespmem:v15+s8+$0x0], $0xffff  }
0x1a9: {  	v16 =	vld.idx.msk [tilespmem:v16+s8+$0x0], $0xffff  }
0x1aa: {  	v34 =	vshll.u32 v0, $0x6;
	v0 =	vld.idx.msk [tilespmem:v17+s8+$0x0], $0xffff  }
0x1ab: {  	v36 =	vshll.u32 v2, $0x6;
	v37 =	vshll.u32 v3, $0x6;
	v2 =	vld.idx.msk [tilespmem:v19+s8+$0x0], $0xffff  }
0x1ac: {  	v38 =	vshll.u32 v4, $0x6;
	v39 =	vshll.u32 v5, $0x6;
	v52 =	vshll.u32 v1, $0x6;
	v1 =	vld [tilespmem:$0x1FFD0]  }
0x1ad: {  	v40 =	vshll.u32 v6, $0x6;
	v41 =	vshll.u32 v7, $0x6;
	v42 =	vshll.u32 v8, $0x6  }
0x1ae: {  	v43 =	vshll.u32 v9, $0x6;
	v44 =	vshll.u32 v10, $0x6;
	v45 =	vshll.u32 v11, $0x6  }
0x1af: {  	v46 =	vshll.u32 v12, $0x6;
	v47 =	vshll.u32 v13, $0x6;
	v48 =	vshll.u32 v14, $0x6  }
0x1b0: {  	v49 =	vshll.u32 v15, $0x6;
	v50 =	vshll.u32 v16, $0x6;
	v51 =	vshll.u32 v0, $0x6  }
0x1b1: {  	v53 =	vshll.u32 v2, $0x6;
	v54 =	vor.u32 v1, v34;
	v55 =	vor.u32 v1, v35  }
0x1b2: {  	v56 =	vor.u32 v1, v36;
	v57 =	vor.u32 v1, v37;
	v58 =	vor.u32 v1, v38  }
0x1b3: {  	v59 =	vor.u32 v1, v39;
	v60 =	vor.u32 v1, v40;
	v61 =	vor.u32 v1, v41  }
0x1b4: {  	v62 =	vor.u32 v1, v42;
	v2 =	vor.u32 v1, v43;
	v4 =	vor.u32 v1, v44  }
0x1b5: {  	v6 =	vor.u32 v1, v45;
	v8 =	vor.u32 v1, v46;
	v10 =	vor.u32 v1, v47  }
0x1b6: {  	v12 =	vor.u32 v1, v48;
	v0 =	vor.u32 v1, v49;
	v63 =	vor.u32 v1, v50  }
0x1b7: {  	s16 =	simm.s32 $0x7;
	v14 =	vor.u32 v1, v51;
	v16 =	vor.u32 v1, v52;
	v17 =	vor.u32 v1, v53  }
.LBB2_5:
0x1b8: {  	s17 =	sadd.s32 $0xFFFFFFF9, s16  }
0x1b9: {  	v1 =	vadd.s32 s17, v29  }
0x1ba: {  	v1 =	vand.u32 $0x38, v1  }
0x1bb: {  	v3 =	vor.u32 v1, v54  }
0x1bc: {  	v5 =	vor.u32 v1, v55  }
0x1bd: {  	v7 =	vor.u32 v1, v56  }
0x1be: {  	v9 =	vor.u32 v1, v57  }
0x1bf: {  	v11 =	vor.u32 v1, v58  }
0x1c0: {  	v13 =	vor.u32 v1, v59;
	v3 =	vld.idx.msk [tilespmem:v3+s2+$0x0], $0xffff  }
0x1c1: {  	v15 =	vor.u32 v1, v60;
	v5 =	vld.idx.msk [tilespmem:v5+s2+$0x0], $0xffff  }
0x1c2: {  	v18 =	vor.u32 v1, v61;
	v7 =	vld.idx.msk [tilespmem:v7+s2+$0x0], $0xffff  }
0x1c3: {  	v19 =	vor.u32 v1, v62;
	v9 =	vld.idx.msk [tilespmem:v9+s2+$0x0], $0xffff  }
0x1c4: {  	v20 =	vor.u32 v1, v2;
	v11 =	vld.idx.msk [tilespmem:v11+s2+$0x0], $0xffff  }
0x1c5: {  	v21 =	vor.u32 v1, v4;
	v13 =	vld.idx.msk [tilespmem:v13+s2+$0x0], $0xffff  }
0x1c6: {  	v22 =	vor.u32 v1, v6;
	v15 =	vld.idx.msk [tilespmem:v15+s2+$0x0], $0xffff  }
0x1c7: {  	v23 =	vor.u32 v1, v8;
	v18 =	vld.idx.msk [tilespmem:v18+s2+$0x0], $0xffff  }
0x1c8: {  	v24 =	vor.u32 v1, v10;
	v19 =	vld.idx.msk [tilespmem:v19+s2+$0x0], $0xffff  }
0x1c9: {  	v25 =	vor.u32 v1, v12;
	v20 =	vld.idx.msk [tilespmem:v20+s2+$0x0], $0xffff  }
0x1ca: {  	v26 =	vor.u32 v1, v0;
	v21 =	vld.idx.msk [tilespmem:v21+s2+$0x0], $0xffff  }
0x1cb: {  	v22 =	vld.idx.msk [tilespmem:v22+s2+$0x0], $0xffff  }
0x1cc: {  	v23 =	vld.idx.msk [tilespmem:v23+s2+$0x0], $0xffff  }
0x1cd: {  	v24 =	vld.idx.msk [tilespmem:v24+s2+$0x0], $0xffff  }
0x1ce: {  	v25 =	vld.idx.msk [tilespmem:v25+s2+$0x0], $0xffff  }
0x1cf: {  	v26 =	vld.idx.msk [tilespmem:v26+s2+$0x0], $0xffff  }
0x1d0: {  	v27 =	vor.u32 v1, v63  }
0x1d1: {  	v28 =	vor.u32 v1, v14;
	v3 =	vadd.bf16 v5, v3;
	v5 =	vadd.bf16 v9, v7  }
0x1d2: {  	v31 =	vor.u32 v1, v16;
	v9 =	vadd.bf16 v13, v11;
	v11 =	vadd.bf16 v18, v15  }
0x1d3: {  	v32 =	vor.u32 v1, v17;
	v13 =	vadd.bf16 v20, v19;
	v15 =	vadd.bf16 v22, v21  }
0x1d4: {  	v18 =	vadd.bf16 v24, v23;
	v19 =	vadd.bf16 v26, v25  }
0x1d5: {  	v27 =	vld.idx.msk [tilespmem:v27+s2+$0x0], $0xffff;
	v3 =	vadd.bf16 v5, v3;
	v5 =	vadd.bf16 v11, v9  }
0x1d6: {  	v28 =	vld.idx.msk [tilespmem:v28+s2+$0x0], $0xffff;
	v9 =	vadd.bf16 v15, v13;
	v11 =	vadd.bf16 v19, v18  }
0x1d7: {  	v31 =	vld.idx.msk [tilespmem:v31+s2+$0x0], $0xffff  }
0x1d8: {  	v7 =	vld.idx.msk [tilespmem:v32+s2+$0x0], $0xffff;
	v3 =	vadd.bf16 v5, v3;
	v5 =	vadd.bf16 v11, v9;
	_ =	sdelay $0x1  }
0x1d9: {  	v3 =	vadd.bf16 v5, v3;
	v5 =	vld [tilespmem:$0x1FFE0]  }
0x1da: {  	v11 =	vld [tilespmem:$0x1FFF0];
	_ =	sdelay $0x1  }
0x1db: {  	v13 =	vadd.bf16 v28, v27;
	v7 =	vadd.bf16 v7, v31  }
0x1dc: {  	s25 =	sadd.s32 $0xFFFFFFFA, s16  }
0x1dd: {  	v9 =	vadd.s32 s25, v29;
	v7 =	vadd.bf16 v7, v13;
	v5 =	vor.u32 v5, v1  }
0x1de: {  	v9 =	vand.u32 $0x3F, v9;
	v1 =	vor.u32 v11, v1  }
0x1df: {  	v3 =	vadd.bf16 v7, v3;
	v7 =	vor.u32 v34, v9  }
0x1e0: {  	v11 =	vor.u32 v35, v9  }
0x1e1: {  	v15 =	vor.u32 v36, v9;
	v13 =	vshll.u32 v3, $0x10  }
0x1e2: {  	v18 =	vor.u32 v41, v9;
	v3 =	vand.u32 $0xFFFF0000, v3;
	[tilespmem:v5+s10+$0x0] =	vst.idx.msk $0xffff, v13  }
0x1e3: {  	v19 =	vor.u32 v42, v9;
	[tilespmem:v1+s10+$0x0] =	vst.idx.msk $0xffff, v3  }
0x1e4: {  	v20 =	vor.u32 v43, v9;
	v3 =	vld.idx.msk [tilespmem:v7+s2+$0x0], $0xffff  }
0x1e5: {  	v21 =	vor.u32 v44, v9;
	v11 =	vld.idx.msk [tilespmem:v11+s2+$0x0], $0xffff  }
0x1e6: {  	v22 =	vor.u32 v45, v9;
	v15 =	vld.idx.msk [tilespmem:v15+s2+$0x0], $0xffff  }
0x1e7: {  	v23 =	vor.u32 v46, v9;
	v18 =	vld.idx.msk [tilespmem:v18+s2+$0x0], $0xffff  }
0x1e8: {  	v32 =	vor.u32 v47, v9;
	v19 =	vld.idx.msk [tilespmem:v19+s2+$0x0], $0xffff  }
0x1e9: {  	v25 =	vor.u32 v48, v9;
	v20 =	vld.idx.msk [tilespmem:v20+s2+$0x0], $0xffff  }
0x1ea: {  	v26 =	vor.u32 v49, v9;
	v21 =	vld.idx.msk [tilespmem:v21+s2+$0x0], $0xffff  }
0x1eb: {  	v5 =	vor.u32 v37, v9;
	v22 =	vld.idx.msk [tilespmem:v22+s2+$0x0], $0xffff  }
0x1ec: {  	v1 =	vor.u32 v38, v9;
	v23 =	vld.idx.msk [tilespmem:v23+s2+$0x0], $0xffff  }
0x1ed: {  	v7 =	vor.u32 v39, v9;
	v24 =	vld.idx.msk [tilespmem:v32+s2+$0x0], $0xffff  }
0x1ee: {  	v13 =	vor.u32 v40, v9;
	v25 =	vld.idx.msk [tilespmem:v25+s2+$0x0], $0xffff  }
0x1ef: {  	v27 =	vor.u32 v50, v9;
	v26 =	vld.idx.msk [tilespmem:v26+s2+$0x0], $0xffff  }
0x1f0: {  	v28 =	vor.u32 v51, v9;
	v5 =	vld.idx.msk [tilespmem:v5+s2+$0x0], $0xffff  }
0x1f1: {  	v31 =	vor.u32 v52, v9;
	v1 =	vld.idx.msk [tilespmem:v1+s2+$0x0], $0xffff  }
0x1f2: {  	v32 =	vor.u32 v53, v9;
	v7 =	vld.idx.msk [tilespmem:v7+s2+$0x0], $0xffff  }
0x1f3: {  	v13 =	vld.idx.msk [tilespmem:v13+s2+$0x0], $0xffff  }
0x1f4: {  	v27 =	vld.idx.msk [tilespmem:v27+s2+$0x0], $0xffff  }
0x1f5: {  	v28 =	vld.idx.msk [tilespmem:v28+s2+$0x0], $0xffff  }
0x1f6: {  	v31 =	vld.idx.msk [tilespmem:v31+s2+$0x0], $0xffff;
	v3 =	vadd.bf16 v11, v3;
	v5 =	vadd.bf16 v5, v15  }
0x1f7: {  	v11 =	vld.idx.msk [tilespmem:v32+s2+$0x0], $0xffff;
	v15 =	vadd.bf16 v22, v21;
	v1 =	vadd.bf16 v7, v1  }
0x1f8: {  	v7 =	vadd.bf16 v18, v13;
	v13 =	vadd.bf16 v20, v19  }
0x1f9: {  	v18 =	vadd.bf16 v24, v23;
	v19 =	vadd.bf16 v26, v25  }
0x1fa: {  	v3 =	vadd.bf16 v5, v3;
	v1 =	vadd.bf16 v7, v1  }
0x1fb: {  	v5 =	vadd.bf16 v15, v13;
	v7 =	vadd.bf16 v19, v18  }
0x1fc: {  	v11 =	vadd.bf16 v11, v31;
	v13 =	vadd.bf16 v28, v27  }
0x1fd: {  	v1 =	vadd.bf16 v1, v3;
	v3 =	vadd.bf16 v7, v5  }
0x1fe: {  	s26 =	sadd.s32 $0xFFFFFFFB, s16;
	v5 =	vadd.bf16 v11, v13  }
0x1ff: {  	v7 =	vadd.s32 s26, v29;
	v1 =	vadd.bf16 v3, v1;
	v3 =	vor.u32 v30, v9  }
0x200: {  	v7 =	vand.u32 $0x3F, v7;
	v9 =	vor.u32 v33, v9  }
0x201: {  	v1 =	vadd.bf16 v5, v1;
	v5 =	vor.u32 v34, v7  }
0x202: {  	v11 =	vor.u32 v35, v7  }
0x203: {  	v15 =	vor.u32 v36, v7;
	v13 =	vshll.u32 v1, $0x10  }
0x204: {  	v18 =	vor.u32 v41, v7;
	v1 =	vand.u32 $0xFFFF0000, v1;
	[tilespmem:v3+s10+$0x0] =	vst.idx.msk $0xffff, v13  }
0x205: {  	v19 =	vor.u32 v42, v7;
	[tilespmem:v9+s10+$0x0] =	vst.idx.msk $0xffff, v1  }
0x206: {  	v20 =	vor.u32 v43, v7;
	v5 =	vld.idx.msk [tilespmem:v5+s2+$0x0], $0xffff  }
0x207: {  	v21 =	vor.u32 v44, v7;
	v11 =	vld.idx.msk [tilespmem:v11+s2+$0x0], $0xffff  }
0x208: {  	v22 =	vor.u32 v45, v7;
	v15 =	vld.idx.msk [tilespmem:v15+s2+$0x0], $0xffff  }
0x209: {  	v23 =	vor.u32 v46, v7;
	v18 =	vld.idx.msk [tilespmem:v18+s2+$0x0], $0xffff  }
0x20a: {  	v32 =	vor.u32 v47, v7;
	v19 =	vld.idx.msk [tilespmem:v19+s2+$0x0], $0xffff  }
0x20b: {  	v25 =	vor.u32 v48, v7;
	v20 =	vld.idx.msk [tilespmem:v20+s2+$0x0], $0xffff  }
0x20c: {  	v26 =	vor.u32 v49, v7;
	v21 =	vld.idx.msk [tilespmem:v21+s2+$0x0], $0xffff  }
0x20d: {  	v3 =	vor.u32 v37, v7;
	v22 =	vld.idx.msk [tilespmem:v22+s2+$0x0], $0xffff  }
0x20e: {  	v1 =	vor.u32 v38, v7;
	v23 =	vld.idx.msk [tilespmem:v23+s2+$0x0], $0xffff  }
0x20f: {  	v9 =	vor.u32 v39, v7;
	v24 =	vld.idx.msk [tilespmem:v32+s2+$0x0], $0xffff  }
0x210: {  	v13 =	vor.u32 v40, v7;
	v25 =	vld.idx.msk [tilespmem:v25+s2+$0x0], $0xffff  }
0x211: {  	v27 =	vor.u32 v50, v7;
	v26 =	vld.idx.msk [tilespmem:v26+s2+$0x0], $0xffff  }
0x212: {  	v28 =	vor.u32 v51, v7;
	v3 =	vld.idx.msk [tilespmem:v3+s2+$0x0], $0xffff  }
0x213: {  	v31 =	vor.u32 v52, v7;
	v1 =	vld.idx.msk [tilespmem:v1+s2+$0x0], $0xffff  }
0x214: {  	v32 =	vor.u32 v53, v7;
	v9 =	vld.idx.msk [tilespmem:v9+s2+$0x0], $0xffff  }
0x215: {  	v13 =	vld.idx.msk [tilespmem:v13+s2+$0x0], $0xffff  }
0x216: {  	v27 =	vld.idx.msk [tilespmem:v27+s2+$0x0], $0xffff  }
0x217: {  	v28 =	vld.idx.msk [tilespmem:v28+s2+$0x0], $0xffff  }
0x218: {  	v31 =	vld.idx.msk [tilespmem:v31+s2+$0x0], $0xffff;
	v5 =	vadd.bf16 v11, v5;
	v3 =	vadd.bf16 v3, v15  }
0x219: {  	v11 =	vld.idx.msk [tilespmem:v32+s2+$0x0], $0xffff;
	v15 =	vadd.bf16 v22, v21;
	v1 =	vadd.bf16 v9, v1  }
0x21a: {  	v9 =	vadd.bf16 v18, v13;
	v13 =	vadd.bf16 v20, v19  }
0x21b: {  	v18 =	vadd.bf16 v24, v23;
	v19 =	vadd.bf16 v26, v25  }
0x21c: {  	v3 =	vadd.bf16 v3, v5;
	v1 =	vadd.bf16 v9, v1  }
0x21d: {  	v5 =	vadd.bf16 v15, v13;
	v9 =	vadd.bf16 v19, v18  }
0x21e: {  	v11 =	vadd.bf16 v11, v31;
	v13 =	vadd.bf16 v28, v27  }
0x21f: {  	v1 =	vadd.bf16 v1, v3;
	v3 =	vadd.bf16 v9, v5  }
0x220: {  	s28 =	sadd.s32 $0xFFFFFFFC, s16;
	v5 =	vadd.bf16 v11, v13  }
0x221: {  	v9 =	vadd.s32 s28, v29;
	v1 =	vadd.bf16 v3, v1;
	v3 =	vor.u32 v30, v7  }
0x222: {  	v9 =	vand.u32 $0x3F, v9;
	v7 =	vor.u32 v33, v7  }
0x223: {  	v1 =	vadd.bf16 v5, v1;
	v5 =	vor.u32 v34, v9  }
0x224: {  	v11 =	vor.u32 v35, v9  }
0x225: {  	v15 =	vor.u32 v36, v9;
	v13 =	vshll.u32 v1, $0x10  }
0x226: {  	v18 =	vor.u32 v41, v9;
	v1 =	vand.u32 $0xFFFF0000, v1;
	[tilespmem:v3+s10+$0x0] =	vst.idx.msk $0xffff, v13  }
0x227: {  	v19 =	vor.u32 v42, v9;
	[tilespmem:v7+s10+$0x0] =	vst.idx.msk $0xffff, v1  }
0x228: {  	v20 =	vor.u32 v43, v9;
	v5 =	vld.idx.msk [tilespmem:v5+s2+$0x0], $0xffff  }
0x229: {  	v21 =	vor.u32 v44, v9;
	v11 =	vld.idx.msk [tilespmem:v11+s2+$0x0], $0xffff  }
0x22a: {  	v22 =	vor.u32 v45, v9;
	v15 =	vld.idx.msk [tilespmem:v15+s2+$0x0], $0xffff  }
0x22b: {  	v23 =	vor.u32 v46, v9;
	v18 =	vld.idx.msk [tilespmem:v18+s2+$0x0], $0xffff  }
0x22c: {  	v32 =	vor.u32 v47, v9;
	v19 =	vld.idx.msk [tilespmem:v19+s2+$0x0], $0xffff  }
0x22d: {  	v25 =	vor.u32 v48, v9;
	v20 =	vld.idx.msk [tilespmem:v20+s2+$0x0], $0xffff  }
0x22e: {  	v26 =	vor.u32 v49, v9;
	v21 =	vld.idx.msk [tilespmem:v21+s2+$0x0], $0xffff  }
0x22f: {  	v3 =	vor.u32 v37, v9;
	v22 =	vld.idx.msk [tilespmem:v22+s2+$0x0], $0xffff  }
0x230: {  	v1 =	vor.u32 v38, v9;
	v23 =	vld.idx.msk [tilespmem:v23+s2+$0x0], $0xffff  }
0x231: {  	v7 =	vor.u32 v39, v9;
	v24 =	vld.idx.msk [tilespmem:v32+s2+$0x0], $0xffff  }
0x232: {  	v13 =	vor.u32 v40, v9;
	v25 =	vld.idx.msk [tilespmem:v25+s2+$0x0], $0xffff  }
0x233: {  	v27 =	vor.u32 v50, v9;
	v26 =	vld.idx.msk [tilespmem:v26+s2+$0x0], $0xffff  }
0x234: {  	v28 =	vor.u32 v51, v9;
	v3 =	vld.idx.msk [tilespmem:v3+s2+$0x0], $0xffff  }
0x235: {  	v31 =	vor.u32 v52, v9;
	v1 =	vld.idx.msk [tilespmem:v1+s2+$0x0], $0xffff  }
0x236: {  	v32 =	vor.u32 v53, v9;
	v7 =	vld.idx.msk [tilespmem:v7+s2+$0x0], $0xffff  }
0x237: {  	v13 =	vld.idx.msk [tilespmem:v13+s2+$0x0], $0xffff  }
0x238: {  	v27 =	vld.idx.msk [tilespmem:v27+s2+$0x0], $0xffff  }
0x239: {  	v28 =	vld.idx.msk [tilespmem:v28+s2+$0x0], $0xffff  }
0x23a: {  	v31 =	vld.idx.msk [tilespmem:v31+s2+$0x0], $0xffff;
	v5 =	vadd.bf16 v11, v5;
	v3 =	vadd.bf16 v3, v15  }
0x23b: {  	v11 =	vld.idx.msk [tilespmem:v32+s2+$0x0], $0xffff;
	v15 =	vadd.bf16 v22, v21;
	v1 =	vadd.bf16 v7, v1  }
0x23c: {  	v7 =	vadd.bf16 v18, v13;
	v13 =	vadd.bf16 v20, v19  }
0x23d: {  	v18 =	vadd.bf16 v24, v23;
	v19 =	vadd.bf16 v26, v25  }
0x23e: {  	v3 =	vadd.bf16 v3, v5;
	v1 =	vadd.bf16 v7, v1  }
0x23f: {  	v5 =	vadd.bf16 v15, v13;
	v7 =	vadd.bf16 v19, v18  }
0x240: {  	v11 =	vadd.bf16 v11, v31;
	v13 =	vadd.bf16 v28, v27  }
0x241: {  	v1 =	vadd.bf16 v1, v3;
	v3 =	vadd.bf16 v7, v5  }
0x242: {  	s29 =	sadd.s32 $0xFFFFFFFD, s16;
	v5 =	vadd.bf16 v11, v13  }
0x243: {  	v7 =	vadd.s32 s29, v29;
	v1 =	vadd.bf16 v3, v1;
	v3 =	vor.u32 v30, v9  }
0x244: {  	v7 =	vand.u32 $0x3F, v7;
	v9 =	vor.u32 v33, v9  }
0x245: {  	v1 =	vadd.bf16 v5, v1;
	v5 =	vor.u32 v34, v7  }
0x246: {  	v11 =	vor.u32 v35, v7  }
0x247: {  	v15 =	vor.u32 v36, v7;
	v13 =	vshll.u32 v1, $0x10  }
0x248: {  	v18 =	vor.u32 v41, v7;
	v1 =	vand.u32 $0xFFFF0000, v1;
	[tilespmem:v3+s10+$0x0] =	vst.idx.msk $0xffff, v13  }
0x249: {  	v19 =	vor.u32 v42, v7;
	[tilespmem:v9+s10+$0x0] =	vst.idx.msk $0xffff, v1  }
0x24a: {  	v20 =	vor.u32 v43, v7;
	v5 =	vld.idx.msk [tilespmem:v5+s2+$0x0], $0xffff  }
0x24b: {  	v21 =	vor.u32 v44, v7;
	v11 =	vld.idx.msk [tilespmem:v11+s2+$0x0], $0xffff  }
0x24c: {  	v22 =	vor.u32 v45, v7;
	v15 =	vld.idx.msk [tilespmem:v15+s2+$0x0], $0xffff  }
0x24d: {  	v23 =	vor.u32 v46, v7;
	v18 =	vld.idx.msk [tilespmem:v18+s2+$0x0], $0xffff  }
0x24e: {  	v32 =	vor.u32 v47, v7;
	v19 =	vld.idx.msk [tilespmem:v19+s2+$0x0], $0xffff  }
0x24f: {  	v25 =	vor.u32 v48, v7;
	v20 =	vld.idx.msk [tilespmem:v20+s2+$0x0], $0xffff  }
0x250: {  	v26 =	vor.u32 v49, v7;
	v21 =	vld.idx.msk [tilespmem:v21+s2+$0x0], $0xffff  }
0x251: {  	v3 =	vor.u32 v37, v7;
	v22 =	vld.idx.msk [tilespmem:v22+s2+$0x0], $0xffff  }
0x252: {  	v1 =	vor.u32 v38, v7;
	v23 =	vld.idx.msk [tilespmem:v23+s2+$0x0], $0xffff  }
0x253: {  	v9 =	vor.u32 v39, v7;
	v24 =	vld.idx.msk [tilespmem:v32+s2+$0x0], $0xffff  }
0x254: {  	v13 =	vor.u32 v40, v7;
	v25 =	vld.idx.msk [tilespmem:v25+s2+$0x0], $0xffff  }
0x255: {  	v27 =	vor.u32 v50, v7;
	v26 =	vld.idx.msk [tilespmem:v26+s2+$0x0], $0xffff  }
0x256: {  	v28 =	vor.u32 v51, v7;
	v3 =	vld.idx.msk [tilespmem:v3+s2+$0x0], $0xffff  }
0x257: {  	v31 =	vor.u32 v52, v7;
	v1 =	vld.idx.msk [tilespmem:v1+s2+$0x0], $0xffff  }
0x258: {  	v32 =	vor.u32 v53, v7;
	v9 =	vld.idx.msk [tilespmem:v9+s2+$0x0], $0xffff  }
0x259: {  	v13 =	vld.idx.msk [tilespmem:v13+s2+$0x0], $0xffff  }
0x25a: {  	v27 =	vld.idx.msk [tilespmem:v27+s2+$0x0], $0xffff  }
0x25b: {  	v28 =	vld.idx.msk [tilespmem:v28+s2+$0x0], $0xffff  }
0x25c: {  	v31 =	vld.idx.msk [tilespmem:v31+s2+$0x0], $0xffff;
	v5 =	vadd.bf16 v11, v5;
	v3 =	vadd.bf16 v3, v15  }
0x25d: {  	v11 =	vld.idx.msk [tilespmem:v32+s2+$0x0], $0xffff;
	v15 =	vadd.bf16 v22, v21;
	v1 =	vadd.bf16 v9, v1  }
0x25e: {  	v9 =	vadd.bf16 v18, v13;
	v13 =	vadd.bf16 v20, v19  }
0x25f: {  	v18 =	vadd.bf16 v24, v23;
	v19 =	vadd.bf16 v26, v25  }
0x260: {  	v3 =	vadd.bf16 v3, v5;
	v1 =	vadd.bf16 v9, v1  }
0x261: {  	v5 =	vadd.bf16 v15, v13;
	v9 =	vadd.bf16 v19, v18  }
0x262: {  	v11 =	vadd.bf16 v11, v31;
	v13 =	vadd.bf16 v28, v27  }
0x263: {  	v1 =	vadd.bf16 v1, v3;
	v3 =	vadd.bf16 v9, v5  }
0x264: {  	s30 =	sadd.s32 $0xFFFFFFFE, s16;
	v5 =	vadd.bf16 v11, v13  }
0x265: {  	v9 =	vadd.s32 s30, v29;
	v1 =	vadd.bf16 v3, v1;
	v3 =	vor.u32 v30, v7  }
0x266: {  	v9 =	vand.u32 $0x3F, v9;
	v7 =	vor.u32 v33, v7  }
0x267: {  	v1 =	vadd.bf16 v5, v1;
	v5 =	vor.u32 v34, v9  }
0x268: {  	v11 =	vor.u32 v35, v9  }
0x269: {  	v15 =	vor.u32 v36, v9;
	v13 =	vshll.u32 v1, $0x10  }
0x26a: {  	v18 =	vor.u32 v41, v9;
	v1 =	vand.u32 $0xFFFF0000, v1;
	[tilespmem:v3+s10+$0x0] =	vst.idx.msk $0xffff, v13  }
0x26b: {  	v19 =	vor.u32 v42, v9;
	[tilespmem:v7+s10+$0x0] =	vst.idx.msk $0xffff, v1  }
0x26c: {  	v20 =	vor.u32 v43, v9;
	v5 =	vld.idx.msk [tilespmem:v5+s2+$0x0], $0xffff  }
0x26d: {  	v21 =	vor.u32 v44, v9;
	v11 =	vld.idx.msk [tilespmem:v11+s2+$0x0], $0xffff  }
0x26e: {  	v22 =	vor.u32 v45, v9;
	v15 =	vld.idx.msk [tilespmem:v15+s2+$0x0], $0xffff  }
0x26f: {  	v23 =	vor.u32 v46, v9;
	v18 =	vld.idx.msk [tilespmem:v18+s2+$0x0], $0xffff  }
0x270: {  	v32 =	vor.u32 v47, v9;
	v19 =	vld.idx.msk [tilespmem:v19+s2+$0x0], $0xffff  }
0x271: {  	v25 =	vor.u32 v48, v9;
	v20 =	vld.idx.msk [tilespmem:v20+s2+$0x0], $0xffff  }
0x272: {  	v26 =	vor.u32 v49, v9;
	v21 =	vld.idx.msk [tilespmem:v21+s2+$0x0], $0xffff  }
0x273: {  	v3 =	vor.u32 v37, v9;
	v22 =	vld.idx.msk [tilespmem:v22+s2+$0x0], $0xffff  }
0x274: {  	v1 =	vor.u32 v38, v9;
	v23 =	vld.idx.msk [tilespmem:v23+s2+$0x0], $0xffff  }
0x275: {  	v7 =	vor.u32 v39, v9;
	v24 =	vld.idx.msk [tilespmem:v32+s2+$0x0], $0xffff  }
0x276: {  	v13 =	vor.u32 v40, v9;
	v25 =	vld.idx.msk [tilespmem:v25+s2+$0x0], $0xffff  }
0x277: {  	v27 =	vor.u32 v50, v9;
	v26 =	vld.idx.msk [tilespmem:v26+s2+$0x0], $0xffff  }
0x278: {  	v28 =	vor.u32 v51, v9;
	v3 =	vld.idx.msk [tilespmem:v3+s2+$0x0], $0xffff  }
0x279: {  	v31 =	vor.u32 v52, v9;
	v1 =	vld.idx.msk [tilespmem:v1+s2+$0x0], $0xffff  }
0x27a: {  	v32 =	vor.u32 v53, v9;
	v7 =	vld.idx.msk [tilespmem:v7+s2+$0x0], $0xffff  }
0x27b: {  	v13 =	vld.idx.msk [tilespmem:v13+s2+$0x0], $0xffff  }
0x27c: {  	v27 =	vld.idx.msk [tilespmem:v27+s2+$0x0], $0xffff  }
0x27d: {  	v28 =	vld.idx.msk [tilespmem:v28+s2+$0x0], $0xffff  }
0x27e: {  	v31 =	vld.idx.msk [tilespmem:v31+s2+$0x0], $0xffff;
	v5 =	vadd.bf16 v11, v5;
	v3 =	vadd.bf16 v3, v15  }
0x27f: {  	v11 =	vld.idx.msk [tilespmem:v32+s2+$0x0], $0xffff;
	v15 =	vadd.bf16 v22, v21;
	v1 =	vadd.bf16 v7, v1  }
0x280: {  	v7 =	vadd.bf16 v18, v13;
	v13 =	vadd.bf16 v20, v19  }
0x281: {  	v18 =	vadd.bf16 v24, v23;
	v19 =	vadd.bf16 v26, v25  }
0x282: {  	v3 =	vadd.bf16 v3, v5;
	v1 =	vadd.bf16 v7, v1  }
0x283: {  	v5 =	vadd.bf16 v15, v13;
	v7 =	vadd.bf16 v19, v18  }
0x284: {  	v11 =	vadd.bf16 v11, v31;
	v13 =	vadd.bf16 v28, v27  }
0x285: {  	v1 =	vadd.bf16 v1, v3;
	v3 =	vadd.bf16 v7, v5  }
0x286: {  	s31 =	sadd.s32 $0xFFFFFFFF, s16;
	v5 =	vadd.bf16 v11, v13  }
0x287: {  	v7 =	vadd.s32 s31, v29;
	v1 =	vadd.bf16 v3, v1;
	v3 =	vor.u32 v30, v9  }
0x288: {  	v7 =	vand.u32 $0x3F, v7;
	v9 =	vor.u32 v33, v9  }
0x289: {  	v1 =	vadd.bf16 v5, v1;
	v5 =	vor.u32 v34, v7  }
0x28a: {  	v11 =	vor.u32 v35, v7  }
0x28b: {  	v15 =	vor.u32 v36, v7;
	v13 =	vshll.u32 v1, $0x10  }
0x28c: {  	v18 =	vor.u32 v41, v7;
	v1 =	vand.u32 $0xFFFF0000, v1;
	[tilespmem:v3+s10+$0x0] =	vst.idx.msk $0xffff, v13  }
0x28d: {  	v19 =	vor.u32 v42, v7;
	[tilespmem:v9+s10+$0x0] =	vst.idx.msk $0xffff, v1  }
0x28e: {  	v20 =	vor.u32 v43, v7;
	v5 =	vld.idx.msk [tilespmem:v5+s2+$0x0], $0xffff  }
0x28f: {  	v21 =	vor.u32 v44, v7;
	v11 =	vld.idx.msk [tilespmem:v11+s2+$0x0], $0xffff  }
0x290: {  	v22 =	vor.u32 v45, v7;
	v15 =	vld.idx.msk [tilespmem:v15+s2+$0x0], $0xffff  }
0x291: {  	v23 =	vor.u32 v46, v7;
	v18 =	vld.idx.msk [tilespmem:v18+s2+$0x0], $0xffff  }
0x292: {  	v32 =	vor.u32 v47, v7;
	v19 =	vld.idx.msk [tilespmem:v19+s2+$0x0], $0xffff  }
0x293: {  	v25 =	vor.u32 v48, v7;
	v20 =	vld.idx.msk [tilespmem:v20+s2+$0x0], $0xffff  }
0x294: {  	v26 =	vor.u32 v49, v7;
	v21 =	vld.idx.msk [tilespmem:v21+s2+$0x0], $0xffff  }
0x295: {  	v3 =	vor.u32 v37, v7;
	v22 =	vld.idx.msk [tilespmem:v22+s2+$0x0], $0xffff  }
0x296: {  	v1 =	vor.u32 v38, v7;
	v23 =	vld.idx.msk [tilespmem:v23+s2+$0x0], $0xffff  }
0x297: {  	v9 =	vor.u32 v39, v7;
	v24 =	vld.idx.msk [tilespmem:v32+s2+$0x0], $0xffff  }
0x298: {  	v13 =	vor.u32 v40, v7;
	v25 =	vld.idx.msk [tilespmem:v25+s2+$0x0], $0xffff  }
0x299: {  	v27 =	vor.u32 v50, v7;
	v26 =	vld.idx.msk [tilespmem:v26+s2+$0x0], $0xffff  }
0x29a: {  	v28 =	vor.u32 v51, v7;
	v3 =	vld.idx.msk [tilespmem:v3+s2+$0x0], $0xffff  }
0x29b: {  	v31 =	vor.u32 v52, v7;
	v1 =	vld.idx.msk [tilespmem:v1+s2+$0x0], $0xffff  }
0x29c: {  	v32 =	vor.u32 v53, v7;
	v9 =	vld.idx.msk [tilespmem:v9+s2+$0x0], $0xffff  }
0x29d: {  	v13 =	vld.idx.msk [tilespmem:v13+s2+$0x0], $0xffff  }
0x29e: {  	v27 =	vld.idx.msk [tilespmem:v27+s2+$0x0], $0xffff  }
0x29f: {  	v28 =	vld.idx.msk [tilespmem:v28+s2+$0x0], $0xffff  }
0x2a0: {  	v31 =	vld.idx.msk [tilespmem:v31+s2+$0x0], $0xffff;
	v5 =	vadd.bf16 v11, v5;
	v3 =	vadd.bf16 v3, v15  }
0x2a1: {  	v11 =	vld.idx.msk [tilespmem:v32+s2+$0x0], $0xffff;
	v15 =	vadd.bf16 v22, v21;
	v1 =	vadd.bf16 v9, v1  }
0x2a2: {  	v9 =	vadd.bf16 v18, v13;
	v13 =	vadd.bf16 v20, v19  }
0x2a3: {  	v18 =	vadd.bf16 v24, v23;
	v19 =	vadd.bf16 v26, v25  }
0x2a4: {  	v3 =	vadd.bf16 v3, v5;
	v1 =	vadd.bf16 v9, v1  }
0x2a5: {  	v5 =	vadd.bf16 v15, v13;
	v9 =	vadd.bf16 v19, v18  }
0x2a6: {  	v11 =	vadd.bf16 v11, v31;
	v13 =	vadd.bf16 v28, v27  }
0x2a7: {  	v1 =	vadd.bf16 v1, v3;
	v3 =	vadd.bf16 v9, v5  }
0x2a8: {  	v5 =	vadd.bf16 v11, v13  }
0x2a9: {  	v9 =	vadd.s32 s16, v29;
	v1 =	vadd.bf16 v3, v1;
	v3 =	vor.u32 v30, v7  }
0x2aa: {  	v9 =	vand.u32 $0x3F, v9;
	v7 =	vor.u32 v33, v7  }
0x2ab: {  	v1 =	vadd.bf16 v5, v1;
	v5 =	vor.u32 v34, v9  }
0x2ac: {  	v11 =	vor.u32 v35, v9  }
0x2ad: {  	v15 =	vor.u32 v36, v9;
	v13 =	vshll.u32 v1, $0x10  }
0x2ae: {  	v18 =	vor.u32 v41, v9;
	v1 =	vand.u32 $0xFFFF0000, v1;
	[tilespmem:v3+s10+$0x0] =	vst.idx.msk $0xffff, v13  }
0x2af: {  	v19 =	vor.u32 v42, v9;
	[tilespmem:v7+s10+$0x0] =	vst.idx.msk $0xffff, v1  }
0x2b0: {  	v20 =	vor.u32 v43, v9;
	v5 =	vld.idx.msk [tilespmem:v5+s2+$0x0], $0xffff  }
0x2b1: {  	v21 =	vor.u32 v44, v9;
	v11 =	vld.idx.msk [tilespmem:v11+s2+$0x0], $0xffff  }
0x2b2: {  	v22 =	vor.u32 v45, v9;
	v15 =	vld.idx.msk [tilespmem:v15+s2+$0x0], $0xffff  }
0x2b3: {  	v23 =	vor.u32 v46, v9;
	v18 =	vld.idx.msk [tilespmem:v18+s2+$0x0], $0xffff  }
0x2b4: {  	v32 =	vor.u32 v47, v9;
	v19 =	vld.idx.msk [tilespmem:v19+s2+$0x0], $0xffff  }
0x2b5: {  	v25 =	vor.u32 v48, v9;
	v20 =	vld.idx.msk [tilespmem:v20+s2+$0x0], $0xffff  }
0x2b6: {  	v3 =	vor.u32 v37, v9;
	v21 =	vld.idx.msk [tilespmem:v21+s2+$0x0], $0xffff  }
0x2b7: {  	v13 =	vor.u32 v40, v9;
	v22 =	vld.idx.msk [tilespmem:v22+s2+$0x0], $0xffff  }
0x2b8: {  	v1 =	vor.u32 v38, v9;
	v23 =	vld.idx.msk [tilespmem:v23+s2+$0x0], $0xffff  }
0x2b9: {  	v7 =	vor.u32 v39, v9;
	v24 =	vld.idx.msk [tilespmem:v32+s2+$0x0], $0xffff  }
0x2ba: {  	v26 =	vor.u32 v49, v9;
	v25 =	vld.idx.msk [tilespmem:v25+s2+$0x0], $0xffff  }
0x2bb: {  	v27 =	vor.u32 v50, v9;
	v3 =	vld.idx.msk [tilespmem:v3+s2+$0x0], $0xffff  }
0x2bc: {  	v28 =	vor.u32 v51, v9;
	v13 =	vld.idx.msk [tilespmem:v13+s2+$0x0], $0xffff  }
0x2bd: {  	v31 =	vor.u32 v52, v9;
	v1 =	vld.idx.msk [tilespmem:v1+s2+$0x0], $0xffff  }
0x2be: {  	v32 =	vor.u32 v53, v9;
	v7 =	vld.idx.msk [tilespmem:v7+s2+$0x0], $0xffff  }
0x2bf: {  	v26 =	vld.idx.msk [tilespmem:v26+s2+$0x0], $0xffff  }
0x2c0: {  	v27 =	vld.idx.msk [tilespmem:v27+s2+$0x0], $0xffff  }
0x2c1: {  	v28 =	vld.idx.msk [tilespmem:v28+s2+$0x0], $0xffff;
	v5 =	vadd.bf16 v11, v5;
	v3 =	vadd.bf16 v3, v15  }
0x2c2: {  	v11 =	vld.idx.msk [tilespmem:v31+s2+$0x0], $0xffff;
	v15 =	vadd.bf16 v20, v19;
	v19 =	vadd.bf16 v24, v23  }
0x2c3: {  	v1 =	vadd.bf16 v7, v1;
	v7 =	vadd.bf16 v18, v13;
	v13 =	vld.idx.msk [tilespmem:v32+s2+$0x0], $0xffff  }
0x2c4: {  	v18 =	vadd.bf16 v22, v21;
	v32 =	vadd.bf16 v26, v25  }
0x2c5: {  	v3 =	vadd.bf16 v3, v5;
	v1 =	vadd.bf16 v7, v1  }
0x2c6: {  	v5 =	vadd.bf16 v18, v15;
	v7 =	vadd.bf16 v32, v19  }
0x2c7: {  	v15 =	vadd.bf16 v28, v27;
	v1 =	vadd.bf16 v1, v3  }
0x2c8: {  	v3 =	vadd.bf16 v7, v5;
	v11 =	vadd.bf16 v13, v11;
	_ =	sdelay $0x1  }
0x2c9: {  	v1 =	vadd.bf16 v3, v1;
	v3 =	vor.u32 v30, v9;
	v5 =	vadd.bf16 v11, v15  }
0x2ca: {  	p0 =	sne.s32 s16, $0x3F;
	v7 =	vor.u32 v33, v9  }
.Ltmp1:
0x2cb: {  	v1 =	vadd.bf16 v5, v1;
	(pc) =	sbr.rel @p0 .LBB2_5-.Ltmp1, $4  }
0x2cc: {  	_ = 	snop  }
0x2cd: {  	v5 =	vshll.u32 v1, $0x10  }
0x2ce: {  	v1 =	vand.u32 $0xFFFF0000, v1;
	[tilespmem:v3+s10+$0x0] =	vst.idx.msk $0xffff, v5  }
0x2cf: {  	s16 =	sadd.s32 $0x8, s16;
	[tilespmem:v7+s10+$0x0] =	vst.idx.msk $0xffff, v1  }
0x2d0: {  	s14 =	sadd.s32 $0x1, s14  }
0x2d1: {  	p0 =	sne.s32 s14, $0x10  }
.Ltmp2:
0x2d2: {  	_ = 	snop;
	(pc) =	sbr.rel @p0 .LBB2_2-.Ltmp2, $4  }
0x2d3: {  	_ = 	snop  }
0x2d4: {  	s15 =	sshll.u32 s15, $0x8  }
0x2d5: {  	s15 =	sadd.s32 s15, s5  }
0x2d6: {  	[hbm4b:s15+s2] =	stream.linear.scatter [tilespmem:s10], [sflag:$0x2], $0x800, $0x38;
	[tilespmem:$0x13200] =	vst v63  }
0x2d7: {  	s13 =	sadd.s32 $0x1, s13  }
0x2d8: {  	_ =	swait.ge [sflag:s11], $0x800;
	p0 =	sne.s32 s13, s6  }
.Ltmp3:
0x2d9: {  	[sflag:s11] =	ssyncset.done $0x0;
	(pc) =	sbr.rel @p0 .LBB2_1-.Ltmp3, $4  }
0x2da: {  	[sflag:s11] =	ssyncadd.s32 $0xFFFFF800  }
0x2db: {  	_ =	swait.ge [sflag:s12], $0x800  }
0x2dc: {  	[sflag:s12] =	ssyncset.done $0x0  }
0x2dd: {  	[sflag:s12] =	ssyncadd.s32 $0xFFFFF800  }
0x2de: {  	_ =	sfence.sel $0x180000  }
0x2df: {  	[bflag:$0x0] =	sbarrier.arrive $0xFFFF  }
0x2e0: {  	p0 =	sne.s32 s0, $0x0;
	_ =	strace $0x90000047  }
0x2e1: {  	s0 =	sadd.s32 @!p0 $0x100000, s1;
	[bflag:$0x2] =	sbarrier.arrive $0xFFFF  }
0x2e2: {  	[sflag:s0] =	ssyncadd.tile.s32 @!p0 $0x1;
	_ =	shalt  }
.Lfunc_end2:
_tile_overlayer_lowered:
.L_overlay_start_2:
0x2e3: {  	(tag) =	ssettag $0x2  }
0x2e4: {  	s0 =	rddreg [dreg:$0x0];
	s2 =	stileid.u32  }
0x2e5: {  	s1 =	rddreg [dreg:$0x1];
	p0 =	sne.s32 s2, $0x0  }
0x2e6: {  	s3 =	rddreg [dreg:$0x2];
	[bflag:$0x3] =	sbarrier.arrive $0xFFFF;
	s2 =	simm.s32 @!p0 $0x1C03  }
0x2e7: {  	[timem:s3], [sflag:s2] =	dma.local @!p0 [hbm:s0], s1  }
0x2e8: {  	s0 =	simm.s32 @!p0 $0x3  }
0x2e9: {  	_ =	swait.ge @!p0 [sflag:s0], s1  }
0x2ea: {  	s1 =	ssub.s32 @!p0 $0x0, s1;
	[sflag:s0] =	ssyncset.done @!p0 $0x0  }
0x2eb: {  	[sflag:s0] =	ssyncadd.s32 @!p0 s1  }
0x2ec: {  	[bflag:$0x3] =	sbarrier.arrive $0xFFFF  }
0x2ed: {  	_ =	shalt  }

</sc_bundles>
